<compile_context>
chip_gen: v7x
topology: tpu7x:2x2x1
jax: 0.10.2.dev20260603
libtpu: 0.0.44.dev20260713+nightly
codegen_flags: <defaults>
</compile_context>

<pallas_src>
import jax
import jax.numpy as jnp
from jax import lax
from jax.experimental import pallas as pl
from jax.experimental.pallas import tpu as pltpu
from jax.experimental.pallas import tpu_sc as plsc

_DIM = 1024
_SCALE = _DIM ** (-0.5)
_ROWS = 8192
_NC = 2
_NS = 16
_NW = _NC * _NS
_WROWS = _ROWS // _NW
_CROWS = 16
_NBUF = 7
_NCHUNK = _WROWS // _CROWS
_CVECS = _CROWS * _DIM // 16


def _sc_body(emb_hbm, out_hbm, bufs, lsems, ssems):
    c = lax.axis_index("c")
    s = lax.axis_index("s")
    wid = s * _NC + c

    def ld(g):
        row = (g * _NW + wid) * _CROWS
        pltpu.async_copy(
            emb_hbm.at[pl.ds(row, _CROWS), :],
            bufs[g % _NBUF], lsems[g % _NBUF])

    def ld_wait(g):
        row = (g * _NW + wid) * _CROWS
        pltpu.make_async_copy(
            emb_hbm.at[pl.ds(row, _CROWS), :],
            bufs[g % _NBUF], lsems[g % _NBUF]).wait()

    def st(g):
        row = (g * _NW + wid) * _CROWS
        pltpu.async_copy(
            bufs[g % _NBUF],
            out_hbm.at[pl.ds(row, _CROWS), :],
            ssems[g % _NBUF])

    def st_wait(g):
        row = (g * _NW + wid) * _CROWS
        pltpu.make_async_copy(
            bufs[g % _NBUF],
            out_hbm.at[pl.ds(row, _CROWS), :],
            ssems[g % _NBUF]).wait()

    for g in range(_NBUF - 1):
        ld(g)
    for g in range(_NCHUNK):
        b = g % _NBUF
        ld_wait(g)
        if g + _NBUF - 1 < _NCHUNK:
            if g >= 1:
                st_wait(g - 1)
            ld(g + _NBUF - 1)

        @plsc.parallel_loop(0, _CVECS, 1, unroll=16)
        def _scale(i):
            r = i >> 6
            col = pl.multiple_of((i & 63) * 16, 16)
            bufs[b][r, pl.ds(col, 16)] = bufs[b][r, pl.ds(col, 16)] * _SCALE

        st(g)
    for g in range(_NCHUNK - _NBUF, _NCHUNK):
        st_wait(g)


_sc_scale = pl.kernel(
    _sc_body,
    out_type=jax.ShapeDtypeStruct((_ROWS, _DIM), jnp.float32),
    mesh=plsc.VectorSubcoreMesh(core_axis_name="c", subcore_axis_name="s"),
    scratch_types=[
        [pltpu.VMEM((_CROWS, _DIM), jnp.float32) for _ in range(_NBUF)],
        [pltpu.SemaphoreType.DMA for _ in range(_NBUF)],
        [pltpu.SemaphoreType.DMA for _ in range(_NBUF)],
    ],
)


def kernel(x, emb):
    seq_len = x.shape[1]
    return _sc_scale(emb[:seq_len])

# --- scband reference (transcript-rebuilt; emitter-appended) ---
"""Pipeline reference for scband-absolute-positional-embedding-6751688589835 (READ-ONLY COPY).

The authoritative reference and input builder live on the scoring server;
editing this copy changes nothing except your own understanding.
"""

import jax, jax.numpy as jnp
import numpy as np

DIM = 1024
MAX_SEQ_LEN = 8192
SCALE = DIM ** (-0.5)

def setup_inputs(seed: int = 0) -> dict:
    key = jax.random.key(seed)
    k1, k2 = jax.random.split(key)
    x = jax.random.normal(k1, (4, 8192, DIM), dtype=jnp.float32)
    emb = jax.random.normal(k2, (MAX_SEQ_LEN, DIM), dtype=jnp.float32) * 0.02
    return {"x": x, "emb": emb}

def reference(x, emb):
    seq_len = x.shape[1]
    pos = jnp.arange(seq_len)
    pos_emb = jnp.take(emb, pos, axis=0)
    pos_emb = pos_emb * SCALE
    return pos_emb

if __name__ == "__main__":
    import jax
    _d = setup_inputs()
    print(jax.jit(kernel)(*tuple(_d.values())))

</pallas_src>

<mosaic_0001>
#map = affine_map<(d0, d1) -> (0, 0)>
module attributes {stable_mosaic.version = 14 : i64} {
  func.func @_sc_body(%arg0: i32, %arg1: i32, %arg2: memref<8192x1024xf32, #tpu.memory_space<hbm>>, %arg3: memref<8192x1024xf32, #tpu.memory_space<hbm>>, %arg4: memref<16x1024xf32, #tpu.memory_space<vmem>>, %arg5: memref<16x1024xf32, #tpu.memory_space<vmem>>, %arg6: memref<16x1024xf32, #tpu.memory_space<vmem>>, %arg7: memref<16x1024xf32, #tpu.memory_space<vmem>>, %arg8: memref<16x1024xf32, #tpu.memory_space<vmem>>, %arg9: memref<16x1024xf32, #tpu.memory_space<vmem>>, %arg10: memref<16x1024xf32, #tpu.memory_space<vmem>>, %arg11: memref<!tpu.dma_semaphore, #tpu.memory_space<semaphore_mem>>, %arg12: memref<!tpu.dma_semaphore, #tpu.memory_space<semaphore_mem>>, %arg13: memref<!tpu.dma_semaphore, #tpu.memory_space<semaphore_mem>>, %arg14: memref<!tpu.dma_semaphore, #tpu.memory_space<semaphore_mem>>, %arg15: memref<!tpu.dma_semaphore, #tpu.memory_space<semaphore_mem>>, %arg16: memref<!tpu.dma_semaphore, #tpu.memory_space<semaphore_mem>>, %arg17: memref<!tpu.dma_semaphore, #tpu.memory_space<semaphore_mem>>, %arg18: memref<!tpu.dma_semaphore, #tpu.memory_space<semaphore_mem>>, %arg19: memref<!tpu.dma_semaphore, #tpu.memory_space<semaphore_mem>>, %arg20: memref<!tpu.dma_semaphore, #tpu.memory_space<semaphore_mem>>, %arg21: memref<!tpu.dma_semaphore, #tpu.memory_space<semaphore_mem>>, %arg22: memref<!tpu.dma_semaphore, #tpu.memory_space<semaphore_mem>>, %arg23: memref<!tpu.dma_semaphore, #tpu.memory_space<semaphore_mem>>, %arg24: memref<!tpu.dma_semaphore, #tpu.memory_space<semaphore_mem>>) attributes {dimension_semantics = [#tpu.dimension_semantics<core_parallel>, #tpu.dimension_semantics<subcore_parallel>], iteration_bounds = array<i64: 2, 16>, scalar_prefetch = 0 : i64, scratch_operands = 21 : i64, tpu.core_type = #tpu.core_type<sc_vector_subcore>, window_params = [{transform_indices = #map}, {transform_indices = #map}]} {
    %mul3A = arith.constant 2 : i32
    %mul3A_0 = arith.muli %arg1, %mul3A : i32
    %add3A = arith.addi %mul3A_0, %arg0 : i32
    %add3A_1 = arith.constant 0 : i32
    %add3A_2 = arith.addi %add3A_1, %add3A : i32
    %mul3A_3 = arith.constant 16 : i32
    %mul3A_4 = arith.muli %add3A_2, %mul3A_3 : i32
    %dma_start3A = arith.constant 0 : i32
    %dma_start3A_5 = tpu.memref_slice %arg2[%mul3A_4, %dma_start3A] : memref<8192x1024xf32, #tpu.memory_space<hbm>> -> memref<16x1024xf32, #tpu.memory_space<hbm>>
    %dma_start3A_6 = arith.constant 0 : i32
    %dma_start3A_7 = tpu.memref_slice %arg2[%mul3A_4, %dma_start3A_6] : memref<8192x1024xf32, #tpu.memory_space<hbm>> -> memref<16x1024xf32, #tpu.memory_space<hbm>>
    tpu.enqueue_dma source(%dma_start3A_7 : memref<16x1024xf32, #tpu.memory_space<hbm>>) target(%arg4 : memref<16x1024xf32, #tpu.memory_space<vmem>>) target_semaphore(%arg11 : memref<!tpu.dma_semaphore, #tpu.memory_space<semaphore_mem>>)
    %add3A_8 = arith.constant 32 : i32
    %add3A_9 = arith.addi %add3A_8, %add3A : i32
    %mul3A_10 = arith.constant 16 : i32
    %mul3A_11 = arith.muli %add3A_9, %mul3A_10 : i32
    %dma_start3A_12 = arith.constant 0 : i32
    %dma_start3A_13 = tpu.memref_slice %arg2[%mul3A_11, %dma_start3A_12] : memref<8192x1024xf32, #tpu.memory_space<hbm>> -> memref<16x1024xf32, #tpu.memory_space<hbm>>
    %dma_start3A_14 = arith.constant 0 : i32
    %dma_start3A_15 = tpu.memref_slice %arg2[%mul3A_11, %dma_start3A_14] : memref<8192x1024xf32, #tpu.memory_space<hbm>> -> memref<16x1024xf32, #tpu.memory_space<hbm>>
    tpu.enqueue_dma source(%dma_start3A_15 : memref<16x1024xf32, #tpu.memory_space<hbm>>) target(%arg5 : memref<16x1024xf32, #tpu.memory_space<vmem>>) target_semaphore(%arg12 : memref<!tpu.dma_semaphore, #tpu.memory_space<semaphore_mem>>)
    %add3A_16 = arith.constant 64 : i32
    %add3A_17 = arith.addi %add3A_16, %add3A : i32
    %mul3A_18 = arith.constant 16 : i32
    %mul3A_19 = arith.muli %add3A_17, %mul3A_18 : i32
    %dma_start3A_20 = arith.constant 0 : i32
    %dma_start3A_21 = tpu.memref_slice %arg2[%mul3A_19, %dma_start3A_20] : memref<8192x1024xf32, #tpu.memory_space<hbm>> -> memref<16x1024xf32, #tpu.memory_space<hbm>>
    %dma_start3A_22 = arith.constant 0 : i32
    %dma_start3A_23 = tpu.memref_slice %arg2[%mul3A_19, %dma_start3A_22] : memref<8192x1024xf32, #tpu.memory_space<hbm>> -> memref<16x1024xf32, #tpu.memory_space<hbm>>
    tpu.enqueue_dma source(%dma_start3A_23 : memref<16x1024xf32, #tpu.memory_space<hbm>>) target(%arg6 : memref<16x1024xf32, #tpu.memory_space<vmem>>) target_semaphore(%arg13 : memref<!tpu.dma_semaphore, #tpu.memory_space<semaphore_mem>>)
    %add3A_24 = arith.constant 96 : i32
    %add3A_25 = arith.addi %add3A_24, %add3A : i32
    %mul3A_26 = arith.constant 16 : i32
    %mul3A_27 = arith.muli %add3A_25, %mul3A_26 : i32
    %dma_start3A_28 = arith.constant 0 : i32
    %dma_start3A_29 = tpu.memref_slice %arg2[%mul3A_27, %dma_start3A_28] : memref<8192x1024xf32, #tpu.memory_space<hbm>> -> memref<16x1024xf32, #tpu.memory_space<hbm>>
    %dma_start3A_30 = arith.constant 0 : i32
    %dma_start3A_31 = tpu.memref_slice %arg2[%mul3A_27, %dma_start3A_30] : memref<8192x1024xf32, #tpu.memory_space<hbm>> -> memref<16x1024xf32, #tpu.memory_space<hbm>>
    tpu.enqueue_dma source(%dma_start3A_31 : memref<16x1024xf32, #tpu.memory_space<hbm>>) target(%arg7 : memref<16x1024xf32, #tpu.memory_space<vmem>>) target_semaphore(%arg14 : memref<!tpu.dma_semaphore, #tpu.memory_space<semaphore_mem>>)
    %add3A_32 = arith.constant 128 : i32
    %add3A_33 = arith.addi %add3A_32, %add3A : i32
    %mul3A_34 = arith.constant 16 : i32
    %mul3A_35 = arith.muli %add3A_33, %mul3A_34 : i32
    %dma_start3A_36 = arith.constant 0 : i32
    %dma_start3A_37 = tpu.memref_slice %arg2[%mul3A_35, %dma_start3A_36] : memref<8192x1024xf32, #tpu.memory_space<hbm>> -> memref<16x1024xf32, #tpu.memory_space<hbm>>
    %dma_start3A_38 = arith.constant 0 : i32
    %dma_start3A_39 = tpu.memref_slice %arg2[%mul3A_35, %dma_start3A_38] : memref<8192x1024xf32, #tpu.memory_space<hbm>> -> memref<16x1024xf32, #tpu.memory_space<hbm>>
    tpu.enqueue_dma source(%dma_start3A_39 : memref<16x1024xf32, #tpu.memory_space<hbm>>) target(%arg8 : memref<16x1024xf32, #tpu.memory_space<vmem>>) target_semaphore(%arg15 : memref<!tpu.dma_semaphore, #tpu.memory_space<semaphore_mem>>)
    %add3A_40 = arith.constant 160 : i32
    %add3A_41 = arith.addi %add3A_40, %add3A : i32
    %mul3A_42 = arith.constant 16 : i32
    %mul3A_43 = arith.muli %add3A_41, %mul3A_42 : i32
    %dma_start3A_44 = arith.constant 0 : i32
    %dma_start3A_45 = tpu.memref_slice %arg2[%mul3A_43, %dma_start3A_44] : memref<8192x1024xf32, #tpu.memory_space<hbm>> -> memref<16x1024xf32, #tpu.memory_space<hbm>>
    %dma_start3A_46 = arith.constant 0 : i32
    %dma_start3A_47 = tpu.memref_slice %arg2[%mul3A_43, %dma_start3A_46] : memref<8192x1024xf32, #tpu.memory_space<hbm>> -> memref<16x1024xf32, #tpu.memory_space<hbm>>
    tpu.enqueue_dma source(%dma_start3A_47 : memref<16x1024xf32, #tpu.memory_space<hbm>>) target(%arg9 : memref<16x1024xf32, #tpu.memory_space<vmem>>) target_semaphore(%arg16 : memref<!tpu.dma_semaphore, #tpu.memory_space<semaphore_mem>>)
    %add3A_48 = arith.constant 0 : i32
    %add3A_49 = arith.addi %add3A_48, %add3A : i32
    %mul3A_50 = arith.constant 16 : i32
    %mul3A_51 = arith.muli %add3A_49, %mul3A_50 : i32
    %dma_wait3A = arith.constant 0 : i32
    %dma_wait3A_52 = tpu.memref_slice %arg2[%mul3A_51, %dma_wait3A] : memref<8192x1024xf32, #tpu.memory_space<hbm>> -> memref<16x1024xf32, #tpu.memory_space<hbm>>
    %dma_wait3A_53 = arith.constant 0 : i32
    %dma_wait3A_54 = tpu.memref_slice %arg2[%mul3A_51, %dma_wait3A_53] : memref<8192x1024xf32, #tpu.memory_space<hbm>> -> memref<16x1024xf32, #tpu.memory_space<hbm>>
    tpu.wait_dma2 semaphore(%arg11 : memref<!tpu.dma_semaphore, #tpu.memory_space<semaphore_mem>>) src(%dma_wait3A_54 : memref<16x1024xf32, #tpu.memory_space<hbm>>) dst(%arg4 : memref<16x1024xf32, #tpu.memory_space<vmem>>)
    %add3A_55 = arith.constant 192 : i32
    %add3A_56 = arith.addi %add3A_55, %add3A : i32
    %mul3A_57 = arith.constant 16 : i32
    %mul3A_58 = arith.muli %add3A_56, %mul3A_57 : i32
    %dma_start3A_59 = arith.constant 0 : i32
    %dma_start3A_60 = tpu.memref_slice %arg2[%mul3A_58, %dma_start3A_59] : memref<8192x1024xf32, #tpu.memory_space<hbm>> -> memref<16x1024xf32, #tpu.memory_space<hbm>>
    %dma_start3A_61 = arith.constant 0 : i32
    %dma_start3A_62 = tpu.memref_slice %arg2[%mul3A_58, %dma_start3A_61] : memref<8192x1024xf32, #tpu.memory_space<hbm>> -> memref<16x1024xf32, #tpu.memory_space<hbm>>
    tpu.enqueue_dma source(%dma_start3A_62 : memref<16x1024xf32, #tpu.memory_space<hbm>>) target(%arg10 : memref<16x1024xf32, #tpu.memory_space<vmem>>) target_semaphore(%arg17 : memref<!tpu.dma_semaphore, #tpu.memory_space<semaphore_mem>>)
    %parallel_loop3A = arith.constant 0 : i32
    %parallel_loop3A_63 = arith.constant 1024 : i32
    %parallel_loop3A_64 = arith.constant 1 : i32
    scf.for %parallel_loop3A_558 = %parallel_loop3A to %parallel_loop3A_63 step %parallel_loop3A_64  : i32 {
      %parallel_loop3A_559 = arith.constant 6 : i32
      %parallel_loop3A_560 = arith.shrsi %parallel_loop3A_558, %parallel_loop3A_559 : i32
      %parallel_loop3A_561 = arith.constant 63 : i32
      %parallel_loop3A_562 = arith.andi %parallel_loop3A_558, %parallel_loop3A_561 : i32
      %parallel_loop3A_563 = arith.constant 16 : i32
      %parallel_loop3A_564 = arith.muli %parallel_loop3A_562, %parallel_loop3A_563 : i32
      %parallel_loop3A_565 = tpu.assume_multiple %parallel_loop3A_564, 16 : i32
      %parallel_loop3A_566 = arith.index_cast %parallel_loop3A_560 : i32 to index
      %parallel_loop3A_567 = arith.index_cast %parallel_loop3A_565 : i32 to index
      %parallel_loop3A_568 = tpu.vector_load %arg4[%parallel_loop3A_566, %parallel_loop3A_567] {strides = array<i32>} : memref<16x1024xf32, #tpu.memory_space<vmem>>, vector<1x16xf32>,
      %parallel_loop3A_569 = vector.shape_cast %parallel_loop3A_568 : vector<1x16xf32> to vector<16xf32>
      %parallel_loop3A_570 = arith.constant 3.125000e-02 : f32
      %parallel_loop3A_571 = vector.broadcast %parallel_loop3A_570 : f32 to vector<16xf32>
      %parallel_loop3A_572 = arith.mulf %parallel_loop3A_569, %parallel_loop3A_571 : vector<16xf32>
      %parallel_loop3A_573 = arith.index_cast %parallel_loop3A_560 : i32 to index
      %parallel_loop3A_574 = arith.index_cast %parallel_loop3A_565 : i32 to index
      %parallel_loop3A_575 = tpu.vector_load %arg4[%parallel_loop3A_573, %parallel_loop3A_574] {strides = array<i32>} : memref<16x1024xf32, #tpu.memory_space<vmem>>, vector<1x16xf32>,
      %parallel_loop3A_576 = vector.shape_cast %parallel_loop3A_575 : vector<1x16xf32> to vector<16xf32>
      %parallel_loop3A_577 = vector.shape_cast %parallel_loop3A_572 : vector<16xf32> to vector<1x16xf32>
      tpu.vector_store %arg4[%parallel_loop3A_573, %parallel_loop3A_574], %parallel_loop3A_577 {strides = array<i32>} : memref<16x1024xf32, #tpu.memory_space<vmem>>, vector<1x16xf32>,
    } {sc.loop_unroll_factor = 16 : i64, sc.parallel_access}
    %add3A_65 = arith.constant 0 : i32
    %add3A_66 = arith.addi %add3A_65, %add3A : i32
    %mul3A_67 = arith.constant 16 : i32
    %mul3A_68 = arith.muli %add3A_66, %mul3A_67 : i32
    %dma_start3A_69 = arith.constant 0 : i32
    %dma_start3A_70 = tpu.memref_slice %arg3[%mul3A_68, %dma_start3A_69] : memref<8192x1024xf32, #tpu.memory_space<hbm>> -> memref<16x1024xf32, #tpu.memory_space<hbm>>
    %dma_start3A_71 = arith.constant 0 : i32
    %dma_start3A_72 = tpu.memref_slice %arg3[%mul3A_68, %dma_start3A_71] : memref<8192x1024xf32, #tpu.memory_space<hbm>> -> memref<16x1024xf32, #tpu.memory_space<hbm>>
    tpu.enqueue_dma source(%arg4 : memref<16x1024xf32, #tpu.memory_space<vmem>>) target(%dma_start3A_72 : memref<16x1024xf32, #tpu.memory_space<hbm>>) target_semaphore(%arg18 : memref<!tpu.dma_semaphore, #tpu.memory_space<semaphore_mem>>)
    %add3A_73 = arith.constant 32 : i32
    %add3A_74 = arith.addi %add3A_73, %add3A : i32
    %mul3A_75 = arith.constant 16 : i32
    %mul3A_76 = arith.muli %add3A_74, %mul3A_75 : i32
    %dma_wait3A_77 = arith.constant 0 : i32
    %dma_wait3A_78 = tpu.memref_slice %arg2[%mul3A_76, %dma_wait3A_77] : memref<8192x1024xf32, #tpu.memory_space<hbm>> -> memref<16x1024xf32, #tpu.memory_space<hbm>>
    %dma_wait3A_79 = arith.constant 0 : i32
    %dma_wait3A_80 = tpu.memref_slice %arg2[%mul3A_76, %dma_wait3A_79] : memref<8192x1024xf32, #tpu.memory_space<hbm>> -> memref<16x1024xf32, #tpu.memory_space<hbm>>
    tpu.wait_dma2 semaphore(%arg12 : memref<!tpu.dma_semaphore, #tpu.memory_space<semaphore_mem>>) src(%dma_wait3A_80 : memref<16x1024xf32, #tpu.memory_space<hbm>>) dst(%arg5 : memref<16x1024xf32, #tpu.memory_space<vmem>>)
    %add3A_81 = arith.constant 0 : i32
    %add3A_82 = arith.addi %add3A_81, %add3A : i32
    %mul3A_83 = arith.constant 16 : i32
    %mul3A_84 = arith.muli %add3A_82, %mul3A_83 : i32
    %dma_wait3A_85 = arith.constant 0 : i32
    %dma_wait3A_86 = tpu.memref_slice %arg3[%mul3A_84, %dma_wait3A_85] : memref<8192x1024xf32, #tpu.memory_space<hbm>> -> memref<16x1024xf32, #tpu.memory_space<hbm>>
    %dma_wait3A_87 = arith.constant 0 : i32
    %dma_wait3A_88 = tpu.memref_slice %arg3[%mul3A_84, %dma_wait3A_87] : memref<8192x1024xf32, #tpu.memory_space<hbm>> -> memref<16x1024xf32, #tpu.memory_space<hbm>>
    tpu.wait_dma2 semaphore(%arg18 : memref<!tpu.dma_semaphore, #tpu.memory_space<semaphore_mem>>) src(%arg4 : memref<16x1024xf32, #tpu.memory_space<vmem>>) dst(%dma_wait3A_88 : memref<16x1024xf32, #tpu.memory_space<hbm>>)
    %add3A_89 = arith.constant 224 : i32
    %add3A_90 = arith.addi %add3A_89, %add3A : i32
    %mul3A_91 = arith.constant 16 : i32
    %mul3A_92 = arith.muli %add3A_90, %mul3A_91 : i32
    %dma_start3A_93 = arith.constant 0 : i32
    %dma_start3A_94 = tpu.memref_slice %arg2[%mul3A_92, %dma_start3A_93] : memref<8192x1024xf32, #tpu.memory_space<hbm>> -> memref<16x1024xf32, #tpu.memory_space<hbm>>
    %dma_start3A_95 = arith.constant 0 : i32
    %dma_start3A_96 = tpu.memref_slice %arg2[%mul3A_92, %dma_start3A_95] : memref<8192x1024xf32, #tpu.memory_space<hbm>> -> memref<16x1024xf32, #tpu.memory_space<hbm>>
    tpu.enqueue_dma source(%dma_start3A_96 : memref<16x1024xf32, #tpu.memory_space<hbm>>) target(%arg4 : memref<16x1024xf32, #tpu.memory_space<vmem>>) target_semaphore(%arg11 : memref<!tpu.dma_semaphore, #tpu.memory_space<semaphore_mem>>)
    %parallel_loop3A_97 = arith.constant 0 : i32
    %parallel_loop3A_98 = arith.constant 1024 : i32
    %parallel_loop3A_99 = arith.constant 1 : i32
    scf.for %parallel_loop3A_558 = %parallel_loop3A_97 to %parallel_loop3A_98 step %parallel_loop3A_99  : i32 {
      %parallel_loop3A_559 = arith.constant 6 : i32
      %parallel_loop3A_560 = arith.shrsi %parallel_loop3A_558, %parallel_loop3A_559 : i32
      %parallel_loop3A_561 = arith.constant 63 : i32
      %parallel_loop3A_562 = arith.andi %parallel_loop3A_558, %parallel_loop3A_561 : i32
      %parallel_loop3A_563 = arith.constant 16 : i32
      %parallel_loop3A_564 = arith.muli %parallel_loop3A_562, %parallel_loop3A_563 : i32
      %parallel_loop3A_565 = tpu.assume_multiple %parallel_loop3A_564, 16 : i32
      %parallel_loop3A_566 = arith.index_cast %parallel_loop3A_560 : i32 to index
      %parallel_loop3A_567 = arith.index_cast %parallel_loop3A_565 : i32 to index
      %parallel_loop3A_568 = tpu.vector_load %arg5[%parallel_loop3A_566, %parallel_loop3A_567] {strides = array<i32>} : memref<16x1024xf32, #tpu.memory_space<vmem>>, vector<1x16xf32>,
      %parallel_loop3A_569 = vector.shape_cast %parallel_loop3A_568 : vector<1x16xf32> to vector<16xf32>
      %parallel_loop3A_570 = arith.constant 3.125000e-02 : f32
      %parallel_loop3A_571 = vector.broadcast %parallel_loop3A_570 : f32 to vector<16xf32>
      %parallel_loop3A_572 = arith.mulf %parallel_loop3A_569, %parallel_loop3A_571 : vector<16xf32>
      %parallel_loop3A_573 = arith.index_cast %parallel_loop3A_560 : i32 to index
      %parallel_loop3A_574 = arith.index_cast %parallel_loop3A_565 : i32 to index
      %parallel_loop3A_575 = tpu.vector_load %arg5[%parallel_loop3A_573, %parallel_loop3A_574] {strides = array<i32>} : memref<16x1024xf32, #tpu.memory_space<vmem>>, vector<1x16xf32>,
      %parallel_loop3A_576 = vector.shape_cast %parallel_loop3A_575 : vector<1x16xf32> to vector<16xf32>
      %parallel_loop3A_577 = vector.shape_cast %parallel_loop3A_572 : vector<16xf32> to vector<1x16xf32>
      tpu.vector_store %arg5[%parallel_loop3A_573, %parallel_loop3A_574], %parallel_loop3A_577 {strides = array<i32>} : memref<16x1024xf32, #tpu.memory_space<vmem>>, vector<1x16xf32>,
    } {sc.loop_unroll_factor = 16 : i64, sc.parallel_access}
    %add3A_100 = arith.constant 32 : i32
    %add3A_101 = arith.addi %add3A_100, %add3A : i32
    %mul3A_102 = arith.constant 16 : i32
    %mul3A_103 = arith.muli %add3A_101, %mul3A_102 : i32
    %dma_start3A_104 = arith.constant 0 : i32
    %dma_start3A_105 = tpu.memref_slice %arg3[%mul3A_103, %dma_start3A_104] : memref<8192x1024xf32, #tpu.memory_space<hbm>> -> memref<16x1024xf32, #tpu.memory_space<hbm>>
    %dma_start3A_106 = arith.constant 0 : i32
    %dma_start3A_107 = tpu.memref_slice %arg3[%mul3A_103, %dma_start3A_106] : memref<8192x1024xf32, #tpu.memory_space<hbm>> -> memref<16x1024xf32, #tpu.memory_space<hbm>>
    tpu.enqueue_dma source(%arg5 : memref<16x1024xf32, #tpu.memory_space<vmem>>) target(%dma_start3A_107 : memref<16x1024xf32, #tpu.memory_space<hbm>>) target_semaphore(%arg19 : memref<!tpu.dma_semaphore, #tpu.memory_space<semaphore_mem>>)
    %add3A_108 = arith.constant 64 : i32
    %add3A_109 = arith.addi %add3A_108, %add3A : i32
    %mul3A_110 = arith.constant 16 : i32
    %mul3A_111 = arith.muli %add3A_109, %mul3A_110 : i32
    %dma_wait3A_112 = arith.constant 0 : i32
    %dma_wait3A_113 = tpu.memref_slice %arg2[%mul3A_111, %dma_wait3A_112] : memref<8192x1024xf32, #tpu.memory_space<hbm>> -> memref<16x1024xf32, #tpu.memory_space<hbm>>
    %dma_wait3A_114 = arith.constant 0 : i32
    %dma_wait3A_115 = tpu.memref_slice %arg2[%mul3A_111, %dma_wait3A_114] : memref<8192x1024xf32, #tpu.memory_space<hbm>> -> memref<16x1024xf32, #tpu.memory_space<hbm>>
    tpu.wait_dma2 semaphore(%arg13 : memref<!tpu.dma_semaphore, #tpu.memory_space<semaphore_mem>>) src(%dma_wait3A_115 : memref<16x1024xf32, #tpu.memory_space<hbm>>) dst(%arg6 : memref<16x1024xf32, #tpu.memory_space<vmem>>)
    %add3A_116 = arith.constant 32 : i32
    %add3A_117 = arith.addi %add3A_116, %add3A : i32
    %mul3A_118 = arith.constant 16 : i32
    %mul3A_119 = arith.muli %add3A_117, %mul3A_118 : i32
    %dma_wait3A_120 = arith.constant 0 : i32
    %dma_wait3A_121 = tpu.memref_slice %arg3[%mul3A_119, %dma_wait3A_120] : memref<8192x1024xf32, #tpu.memory_space<hbm>> -> memref<16x1024xf32, #tpu.memory_space<hbm>>
    %dma_wait3A_122 = arith.constant 0 : i32
    %dma_wait3A_123 = tpu.memref_slice %arg3[%mul3A_119, %dma_wait3A_122] : memref<8192x1024xf32, #tpu.memory_space<hbm>> -> memref<16x1024xf32, #tpu.memory_space<hbm>>
    tpu.wait_dma2 semaphore(%arg19 : memref<!tpu.dma_semaphore, #tpu.memory_space<semaphore_mem>>) src(%arg5 : memref<16x1024xf32, #tpu.memory_space<vmem>>) dst(%dma_wait3A_123 : memref<16x1024xf32, #tpu.memory_space<hbm>>)
    %add3A_124 = arith.constant 256 : i32
    %add3A_125 = arith.addi %add3A_124, %add3A : i32
    %mul3A_126 = arith.constant 16 : i32
    %mul3A_127 = arith.muli %add3A_125, %mul3A_126 : i32
    %dma_start3A_128 = arith.constant 0 : i32
    %dma_start3A_129 = tpu.memref_slice %arg2[%mul3A_127, %dma_start3A_128] : memref<8192x1024xf32, #tpu.memory_space<hbm>> -> memref<16x1024xf32, #tpu.memory_space<hbm>>
    %dma_start3A_130 = arith.constant 0 : i32
    %dma_start3A_131 = tpu.memref_slice %arg2[%mul3A_127, %dma_start3A_130] : memref<8192x1024xf32, #tpu.memory_space<hbm>> -> memref<16x1024xf32, #tpu.memory_space<hbm>>
    tpu.enqueue_dma source(%dma_start3A_131 : memref<16x1024xf32, #tpu.memory_space<hbm>>) target(%arg5 : memref<16x1024xf32, #tpu.memory_space<vmem>>) target_semaphore(%arg12 : memref<!tpu.dma_semaphore, #tpu.memory_space<semaphore_mem>>)
    %parallel_loop3A_132 = arith.constant 0 : i32
    %parallel_loop3A_133 = arith.constant 1024 : i32
    %parallel_loop3A_134 = arith.constant 1 : i32
    scf.for %parallel_loop3A_558 = %parallel_loop3A_132 to %parallel_loop3A_133 step %parallel_loop3A_134  : i32 {
      %parallel_loop3A_559 = arith.constant 6 : i32
      %parallel_loop3A_560 = arith.shrsi %parallel_loop3A_558, %parallel_loop3A_559 : i32
      %parallel_loop3A_561 = arith.constant 63 : i32
      %parallel_loop3A_562 = arith.andi %parallel_loop3A_558, %parallel_loop3A_561 : i32
      %parallel_loop3A_563 = arith.constant 16 : i32
      %parallel_loop3A_564 = arith.muli %parallel_loop3A_562, %parallel_loop3A_563 : i32
      %parallel_loop3A_565 = tpu.assume_multiple %parallel_loop3A_564, 16 : i32
      %parallel_loop3A_566 = arith.index_cast %parallel_loop3A_560 : i32 to index
      %parallel_loop3A_567 = arith.index_cast %parallel_loop3A_565 : i32 to index
      %parallel_loop3A_568 = tpu.vector_load %arg6[%parallel_loop3A_566, %parallel_loop3A_567] {strides = array<i32>} : memref<16x1024xf32, #tpu.memory_space<vmem>>, vector<1x16xf32>,
      %parallel_loop3A_569 = vector.shape_cast %parallel_loop3A_568 : vector<1x16xf32> to vector<16xf32>
      %parallel_loop3A_570 = arith.constant 3.125000e-02 : f32
      %parallel_loop3A_571 = vector.broadcast %parallel_loop3A_570 : f32 to vector<16xf32>
      %parallel_loop3A_572 = arith.mulf %parallel_loop3A_569, %parallel_loop3A_571 : vector<16xf32>
      %parallel_loop3A_573 = arith.index_cast %parallel_loop3A_560 : i32 to index
      %parallel_loop3A_574 = arith.index_cast %parallel_loop3A_565 : i32 to index
      %parallel_loop3A_575 = tpu.vector_load %arg6[%parallel_loop3A_573, %parallel_loop3A_574] {strides = array<i32>} : memref<16x1024xf32, #tpu.memory_space<vmem>>, vector<1x16xf32>,
      %parallel_loop3A_576 = vector.shape_cast %parallel_loop3A_575 : vector<1x16xf32> to vector<16xf32>
      %parallel_loop3A_577 = vector.shape_cast %parallel_loop3A_572 : vector<16xf32> to vector<1x16xf32>
      tpu.vector_store %arg6[%parallel_loop3A_573, %parallel_loop3A_574], %parallel_loop3A_577 {strides = array<i32>} : memref<16x1024xf32, #tpu.memory_space<vmem>>, vector<1x16xf32>,
    } {sc.loop_unroll_factor = 16 : i64, sc.parallel_access}
    %add3A_135 = arith.constant 64 : i32
    %add3A_136 = arith.addi %add3A_135, %add3A : i32
    %mul3A_137 = arith.constant 16 : i32
    %mul3A_138 = arith.muli %add3A_136, %mul3A_137 : i32
    %dma_start3A_139 = arith.constant 0 : i32
    %dma_start3A_140 = tpu.memref_slice %arg3[%mul3A_138, %dma_start3A_139] : memref<8192x1024xf32, #tpu.memory_space<hbm>> -> memref<16x1024xf32, #tpu.memory_space<hbm>>
    %dma_start3A_141 = arith.constant 0 : i32
    %dma_start3A_142 = tpu.memref_slice %arg3[%mul3A_138, %dma_start3A_141] : memref<8192x1024xf32, #tpu.memory_space<hbm>> -> memref<16x1024xf32, #tpu.memory_space<hbm>>
    tpu.enqueue_dma source(%arg6 : memref<16x1024xf32, #tpu.memory_space<vmem>>) target(%dma_start3A_142 : memref<16x1024xf32, #tpu.memory_space<hbm>>) target_semaphore(%arg20 : memref<!tpu.dma_semaphore, #tpu.memory_space<semaphore_mem>>)
    %add3A_143 = arith.constant 96 : i32
    %add3A_144 = arith.addi %add3A_143, %add3A : i32
    %mul3A_145 = arith.constant 16 : i32
    %mul3A_146 = arith.muli %add3A_144, %mul3A_145 : i32
    %dma_wait3A_147 = arith.constant 0 : i32
    %dma_wait3A_148 = tpu.memref_slice %arg2[%mul3A_146, %dma_wait3A_147] : memref<8192x1024xf32, #tpu.memory_space<hbm>> -> memref<16x1024xf32, #tpu.memory_space<hbm>>
    %dma_wait3A_149 = arith.constant 0 : i32
    %dma_wait3A_150 = tpu.memref_slice %arg2[%mul3A_146, %dma_wait3A_149] : memref<8192x1024xf32, #tpu.memory_space<hbm>> -> memref<16x1024xf32, #tpu.memory_space<hbm>>
    tpu.wait_dma2 semaphore(%arg14 : memref<!tpu.dma_semaphore, #tpu.memory_space<semaphore_mem>>) src(%dma_wait3A_150 : memref<16x1024xf32, #tpu.memory_space<hbm>>) dst(%arg7 : memref<16x1024xf32, #tpu.memory_space<vmem>>)
    %add3A_151 = arith.constant 64 : i32
    %add3A_152 = arith.addi %add3A_151, %add3A : i32
    %mul3A_153 = arith.constant 16 : i32
    %mul3A_154 = arith.muli %add3A_152, %mul3A_153 : i32
    %dma_wait3A_155 = arith.constant 0 : i32
    %dma_wait3A_156 = tpu.memref_slice %arg3[%mul3A_154, %dma_wait3A_155] : memref<8192x1024xf32, #tpu.memory_space<hbm>> -> memref<16x1024xf32, #tpu.memory_space<hbm>>
    %dma_wait3A_157 = arith.constant 0 : i32
    %dma_wait3A_158 = tpu.memref_slice %arg3[%mul3A_154, %dma_wait3A_157] : memref<8192x1024xf32, #tpu.memory_space<hbm>> -> memref<16x1024xf32, #tpu.memory_space<hbm>>
    tpu.wait_dma2 semaphore(%arg20 : memref<!tpu.dma_semaphore, #tpu.memory_space<semaphore_mem>>) src(%arg6 : memref<16x1024xf32, #tpu.memory_space<vmem>>) dst(%dma_wait3A_158 : memref<16x1024xf32, #tpu.memory_space<hbm>>)
    %add3A_159 = arith.constant 288 : i32
    %add3A_160 = arith.addi %add3A_159, %add3A : i32
    %mul3A_161 = arith.constant 16 : i32
    %mul3A_162 = arith.muli %add3A_160, %mul3A_161 : i32
    %dma_start3A_163 = arith.constant 0 : i32
    %dma_start3A_164 = tpu.memref_slice %arg2[%mul3A_162, %dma_start3A_163] : memref<8192x1024xf32, #tpu.memory_space<hbm>> -> memref<16x1024xf32, #tpu.memory_space<hbm>>
    %dma_start3A_165 = arith.constant 0 : i32
    %dma_start3A_166 = tpu.memref_slice %arg2[%mul3A_162, %dma_start3A_165] : memref<8192x1024xf32, #tpu.memory_space<hbm>> -> memref<16x1024xf32, #tpu.memory_space<hbm>>
    tpu.enqueue_dma source(%dma_start3A_166 : memref<16x1024xf32, #tpu.memory_space<hbm>>) target(%arg6 : memref<16x1024xf32, #tpu.memory_space<vmem>>) target_semaphore(%arg13 : memref<!tpu.dma_semaphore, #tpu.memory_space<semaphore_mem>>)
    %parallel_loop3A_167 = arith.constant 0 : i32
    %parallel_loop3A_168 = arith.constant 1024 : i32
    %parallel_loop3A_169 = arith.constant 1 : i32
    scf.for %parallel_loop3A_558 = %parallel_loop3A_167 to %parallel_loop3A_168 step %parallel_loop3A_169  : i32 {
      %parallel_loop3A_559 = arith.constant 6 : i32
      %parallel_loop3A_560 = arith.shrsi %parallel_loop3A_558, %parallel_loop3A_559 : i32
      %parallel_loop3A_561 = arith.constant 63 : i32
      %parallel_loop3A_562 = arith.andi %parallel_loop3A_558, %parallel_loop3A_561 : i32
      %parallel_loop3A_563 = arith.constant 16 : i32
      %parallel_loop3A_564 = arith.muli %parallel_loop3A_562, %parallel_loop3A_563 : i32
      %parallel_loop3A_565 = tpu.assume_multiple %parallel_loop3A_564, 16 : i32
      %parallel_loop3A_566 = arith.index_cast %parallel_loop3A_560 : i32 to index
      %parallel_loop3A_567 = arith.index_cast %parallel_loop3A_565 : i32 to index
      %parallel_loop3A_568 = tpu.vector_load %arg7[%parallel_loop3A_566, %parallel_loop3A_567] {strides = array<i32>} : memref<16x1024xf32, #tpu.memory_space<vmem>>, vector<1x16xf32>,
      %parallel_loop3A_569 = vector.shape_cast %parallel_loop3A_568 : vector<1x16xf32> to vector<16xf32>
      %parallel_loop3A_570 = arith.constant 3.125000e-02 : f32
      %parallel_loop3A_571 = vector.broadcast %parallel_loop3A_570 : f32 to vector<16xf32>
      %parallel_loop3A_572 = arith.mulf %parallel_loop3A_569, %parallel_loop3A_571 : vector<16xf32>
      %parallel_loop3A_573 = arith.index_cast %parallel_loop3A_560 : i32 to index
      %parallel_loop3A_574 = arith.index_cast %parallel_loop3A_565 : i32 to index
      %parallel_loop3A_575 = tpu.vector_load %arg7[%parallel_loop3A_573, %parallel_loop3A_574] {strides = array<i32>} : memref<16x1024xf32, #tpu.memory_space<vmem>>, vector<1x16xf32>,
      %parallel_loop3A_576 = vector.shape_cast %parallel_loop3A_575 : vector<1x16xf32> to vector<16xf32>
      %parallel_loop3A_577 = vector.shape_cast %parallel_loop3A_572 : vector<16xf32> to vector<1x16xf32>
      tpu.vector_store %arg7[%parallel_loop3A_573, %parallel_loop3A_574], %parallel_loop3A_577 {strides = array<i32>} : memref<16x1024xf32, #tpu.memory_space<vmem>>, vector<1x16xf32>,
    } {sc.loop_unroll_factor = 16 : i64, sc.parallel_access}
    %add3A_170 = arith.constant 96 : i32
    %add3A_171 = arith.addi %add3A_170, %add3A : i32
    %mul3A_172 = arith.constant 16 : i32
    %mul3A_173 = arith.muli %add3A_171, %mul3A_172 : i32
    %dma_start3A_174 = arith.constant 0 : i32
    %dma_start3A_175 = tpu.memref_slice %arg3[%mul3A_173, %dma_start3A_174] : memref<8192x1024xf32, #tpu.memory_space<hbm>> -> memref<16x1024xf32, #tpu.memory_space<hbm>>
    %dma_start3A_176 = arith.constant 0 : i32
    %dma_start3A_177 = tpu.memref_slice %arg3[%mul3A_173, %dma_start3A_176] : memref<8192x1024xf32, #tpu.memory_space<hbm>> -> memref<16x1024xf32, #tpu.memory_space<hbm>>
    tpu.enqueue_dma source(%arg7 : memref<16x1024xf32, #tpu.memory_space<vmem>>) target(%dma_start3A_177 : memref<16x1024xf32, #tpu.memory_space<hbm>>) target_semaphore(%arg21 : memref<!tpu.dma_semaphore, #tpu.memory_space<semaphore_mem>>)
    %add3A_178 = arith.constant 128 : i32
    %add3A_179 = arith.addi %add3A_178, %add3A : i32
    %mul3A_180 = arith.constant 16 : i32
    %mul3A_181 = arith.muli %add3A_179, %mul3A_180 : i32
    %dma_wait3A_182 = arith.constant 0 : i32
    %dma_wait3A_183 = tpu.memref_slice %arg2[%mul3A_181, %dma_wait3A_182] : memref<8192x1024xf32, #tpu.memory_space<hbm>> -> memref<16x1024xf32, #tpu.memory_space<hbm>>
    %dma_wait3A_184 = arith.constant 0 : i32
    %dma_wait3A_185 = tpu.memref_slice %arg2[%mul3A_181, %dma_wait3A_184] : memref<8192x1024xf32, #tpu.memory_space<hbm>> -> memref<16x1024xf32, #tpu.memory_space<hbm>>
    tpu.wait_dma2 semaphore(%arg15 : memref<!tpu.dma_semaphore, #tpu.memory_space<semaphore_mem>>) src(%dma_wait3A_185 : memref<16x1024xf32, #tpu.memory_space<hbm>>) dst(%arg8 : memref<16x1024xf32, #tpu.memory_space<vmem>>)
    %add3A_186 = arith.constant 96 : i32
    %add3A_187 = arith.addi %add3A_186, %add3A : i32
    %mul3A_188 = arith.constant 16 : i32
    %mul3A_189 = arith.muli %add3A_187, %mul3A_188 : i32
    %dma_wait3A_190 = arith.constant 0 : i32
    %dma_wait3A_191 = tpu.memref_slice %arg3[%mul3A_189, %dma_wait3A_190] : memref<8192x1024xf32, #tpu.memory_space<hbm>> -> memref<16x1024xf32, #tpu.memory_space<hbm>>
    %dma_wait3A_192 = arith.constant 0 : i32
    %dma_wait3A_193 = tpu.memref_slice %arg3[%mul3A_189, %dma_wait3A_192] : memref<8192x1024xf32, #tpu.memory_space<hbm>> -> memref<16x1024xf32, #tpu.memory_space<hbm>>
    tpu.wait_dma2 semaphore(%arg21 : memref<!tpu.dma_semaphore, #tpu.memory_space<semaphore_mem>>) src(%arg7 : memref<16x1024xf32, #tpu.memory_space<vmem>>) dst(%dma_wait3A_193 : memref<16x1024xf32, #tpu.memory_space<hbm>>)
    %add3A_194 = arith.constant 320 : i32
    %add3A_195 = arith.addi %add3A_194, %add3A : i32
    %mul3A_196 = arith.constant 16 : i32
    %mul3A_197 = arith.muli %add3A_195, %mul3A_196 : i32
    %dma_start3A_198 = arith.constant 0 : i32
    %dma_start3A_199 = tpu.memref_slice %arg2[%mul3A_197, %dma_start3A_198] : memref<8192x1024xf32, #tpu.memory_space<hbm>> -> memref<16x1024xf32, #tpu.memory_space<hbm>>
    %dma_start3A_200 = arith.constant 0 : i32
    %dma_start3A_201 = tpu.memref_slice %arg2[%mul3A_197, %dma_start3A_200] : memref<8192x1024xf32, #tpu.memory_space<hbm>> -> memref<16x1024xf32, #tpu.memory_space<hbm>>
    tpu.enqueue_dma source(%dma_start3A_201 : memref<16x1024xf32, #tpu.memory_space<hbm>>) target(%arg7 : memref<16x1024xf32, #tpu.memory_space<vmem>>) target_semaphore(%arg14 : memref<!tpu.dma_semaphore, #tpu.memory_space<semaphore_mem>>)
    %parallel_loop3A_202 = arith.constant 0 : i32
    %parallel_loop3A_203 = arith.constant 1024 : i32
    %parallel_loop3A_204 = arith.constant 1 : i32
    scf.for %parallel_loop3A_558 = %parallel_loop3A_202 to %parallel_loop3A_203 step %parallel_loop3A_204  : i32 {
      %parallel_loop3A_559 = arith.constant 6 : i32
      %parallel_loop3A_560 = arith.shrsi %parallel_loop3A_558, %parallel_loop3A_559 : i32
      %parallel_loop3A_561 = arith.constant 63 : i32
      %parallel_loop3A_562 = arith.andi %parallel_loop3A_558, %parallel_loop3A_561 : i32
      %parallel_loop3A_563 = arith.constant 16 : i32
      %parallel_loop3A_564 = arith.muli %parallel_loop3A_562, %parallel_loop3A_563 : i32
      %parallel_loop3A_565 = tpu.assume_multiple %parallel_loop3A_564, 16 : i32
      %parallel_loop3A_566 = arith.index_cast %parallel_loop3A_560 : i32 to index
      %parallel_loop3A_567 = arith.index_cast %parallel_loop3A_565 : i32 to index
      %parallel_loop3A_568 = tpu.vector_load %arg8[%parallel_loop3A_566, %parallel_loop3A_567] {strides = array<i32>} : memref<16x1024xf32, #tpu.memory_space<vmem>>, vector<1x16xf32>,
      %parallel_loop3A_569 = vector.shape_cast %parallel_loop3A_568 : vector<1x16xf32> to vector<16xf32>
      %parallel_loop3A_570 = arith.constant 3.125000e-02 : f32
      %parallel_loop3A_571 = vector.broadcast %parallel_loop3A_570 : f32 to vector<16xf32>
      %parallel_loop3A_572 = arith.mulf %parallel_loop3A_569, %parallel_loop3A_571 : vector<16xf32>
      %parallel_loop3A_573 = arith.index_cast %parallel_loop3A_560 : i32 to index
      %parallel_loop3A_574 = arith.index_cast %parallel_loop3A_565 : i32 to index
      %parallel_loop3A_575 = tpu.vector_load %arg8[%parallel_loop3A_573, %parallel_loop3A_574] {strides = array<i32>} : memref<16x1024xf32, #tpu.memory_space<vmem>>, vector<1x16xf32>,
      %parallel_loop3A_576 = vector.shape_cast %parallel_loop3A_575 : vector<1x16xf32> to vector<16xf32>
      %parallel_loop3A_577 = vector.shape_cast %parallel_loop3A_572 : vector<16xf32> to vector<1x16xf32>
      tpu.vector_store %arg8[%parallel_loop3A_573, %parallel_loop3A_574], %parallel_loop3A_577 {strides = array<i32>} : memref<16x1024xf32, #tpu.memory_space<vmem>>, vector<1x16xf32>,
    } {sc.loop_unroll_factor = 16 : i64, sc.parallel_access}
    %add3A_205 = arith.constant 128 : i32
    %add3A_206 = arith.addi %add3A_205, %add3A : i32
    %mul3A_207 = arith.constant 16 : i32
    %mul3A_208 = arith.muli %add3A_206, %mul3A_207 : i32
    %dma_start3A_209 = arith.constant 0 : i32
    %dma_start3A_210 = tpu.memref_slice %arg3[%mul3A_208, %dma_start3A_209] : memref<8192x1024xf32, #tpu.memory_space<hbm>> -> memref<16x1024xf32, #tpu.memory_space<hbm>>
    %dma_start3A_211 = arith.constant 0 : i32
    %dma_start3A_212 = tpu.memref_slice %arg3[%mul3A_208, %dma_start3A_211] : memref<8192x1024xf32, #tpu.memory_space<hbm>> -> memref<16x1024xf32, #tpu.memory_space<hbm>>
    tpu.enqueue_dma source(%arg8 : memref<16x1024xf32, #tpu.memory_space<vmem>>) target(%dma_start3A_212 : memref<16x1024xf32, #tpu.memory_space<hbm>>) target_semaphore(%arg22 : memref<!tpu.dma_semaphore, #tpu.memory_space<semaphore_mem>>)
    %add3A_213 = arith.constant 160 : i32
    %add3A_214 = arith.addi %add3A_213, %add3A : i32
    %mul3A_215 = arith.constant 16 : i32
    %mul3A_216 = arith.muli %add3A_214, %mul3A_215 : i32
    %dma_wait3A_217 = arith.constant 0 : i32
    %dma_wait3A_218 = tpu.memref_slice %arg2[%mul3A_216, %dma_wait3A_217] : memref<8192x1024xf32, #tpu.memory_space<hbm>> -> memref<16x1024xf32, #tpu.memory_space<hbm>>
    %dma_wait3A_219 = arith.constant 0 : i32
    %dma_wait3A_220 = tpu.memref_slice %arg2[%mul3A_216, %dma_wait3A_219] : memref<8192x1024xf32, #tpu.memory_space<hbm>> -> memref<16x1024xf32, #tpu.memory_space<hbm>>
    tpu.wait_dma2 semaphore(%arg16 : memref<!tpu.dma_semaphore, #tpu.memory_space<semaphore_mem>>) src(%dma_wait3A_220 : memref<16x1024xf32, #tpu.memory_space<hbm>>) dst(%arg9 : memref<16x1024xf32, #tpu.memory_space<vmem>>)
    %add3A_221 = arith.constant 128 : i32
    %add3A_222 = arith.addi %add3A_221, %add3A : i32
    %mul3A_223 = arith.constant 16 : i32
    %mul3A_224 = arith.muli %add3A_222, %mul3A_223 : i32
    %dma_wait3A_225 = arith.constant 0 : i32
    %dma_wait3A_226 = tpu.memref_slice %arg3[%mul3A_224, %dma_wait3A_225] : memref<8192x1024xf32, #tpu.memory_space<hbm>> -> memref<16x1024xf32, #tpu.memory_space<hbm>>
    %dma_wait3A_227 = arith.constant 0 : i32
    %dma_wait3A_228 = tpu.memref_slice %arg3[%mul3A_224, %dma_wait3A_227] : memref<8192x1024xf32, #tpu.memory_space<hbm>> -> memref<16x1024xf32, #tpu.memory_space<hbm>>
    tpu.wait_dma2 semaphore(%arg22 : memref<!tpu.dma_semaphore, #tpu.memory_space<semaphore_mem>>) src(%arg8 : memref<16x1024xf32, #tpu.memory_space<vmem>>) dst(%dma_wait3A_228 : memref<16x1024xf32, #tpu.memory_space<hbm>>)
    %add3A_229 = arith.constant 352 : i32
    %add3A_230 = arith.addi %add3A_229, %add3A : i32
    %mul3A_231 = arith.constant 16 : i32
    %mul3A_232 = arith.muli %add3A_230, %mul3A_231 : i32
    %dma_start3A_233 = arith.constant 0 : i32
    %dma_start3A_234 = tpu.memref_slice %arg2[%mul3A_232, %dma_start3A_233] : memref<8192x1024xf32, #tpu.memory_space<hbm>> -> memref<16x1024xf32, #tpu.memory_space<hbm>>
    %dma_start3A_235 = arith.constant 0 : i32
    %dma_start3A_236 = tpu.memref_slice %arg2[%mul3A_232, %dma_start3A_235] : memref<8192x1024xf32, #tpu.memory_space<hbm>> -> memref<16x1024xf32, #tpu.memory_space<hbm>>
    tpu.enqueue_dma source(%dma_start3A_236 : memref<16x1024xf32, #tpu.memory_space<hbm>>) target(%arg8 : memref<16x1024xf32, #tpu.memory_space<vmem>>) target_semaphore(%arg15 : memref<!tpu.dma_semaphore, #tpu.memory_space<semaphore_mem>>)
    %parallel_loop3A_237 = arith.constant 0 : i32
    %parallel_loop3A_238 = arith.constant 1024 : i32
    %parallel_loop3A_239 = arith.constant 1 : i32
    scf.for %parallel_loop3A_558 = %parallel_loop3A_237 to %parallel_loop3A_238 step %parallel_loop3A_239  : i32 {
      %parallel_loop3A_559 = arith.constant 6 : i32
      %parallel_loop3A_560 = arith.shrsi %parallel_loop3A_558, %parallel_loop3A_559 : i32
      %parallel_loop3A_561 = arith.constant 63 : i32
      %parallel_loop3A_562 = arith.andi %parallel_loop3A_558, %parallel_loop3A_561 : i32
      %parallel_loop3A_563 = arith.constant 16 : i32
      %parallel_loop3A_564 = arith.muli %parallel_loop3A_562, %parallel_loop3A_563 : i32
      %parallel_loop3A_565 = tpu.assume_multiple %parallel_loop3A_564, 16 : i32
      %parallel_loop3A_566 = arith.index_cast %parallel_loop3A_560 : i32 to index
      %parallel_loop3A_567 = arith.index_cast %parallel_loop3A_565 : i32 to index
      %parallel_loop3A_568 = tpu.vector_load %arg9[%parallel_loop3A_566, %parallel_loop3A_567] {strides = array<i32>} : memref<16x1024xf32, #tpu.memory_space<vmem>>, vector<1x16xf32>,
      %parallel_loop3A_569 = vector.shape_cast %parallel_loop3A_568 : vector<1x16xf32> to vector<16xf32>
      %parallel_loop3A_570 = arith.constant 3.125000e-02 : f32
      %parallel_loop3A_571 = vector.broadcast %parallel_loop3A_570 : f32 to vector<16xf32>
      %parallel_loop3A_572 = arith.mulf %parallel_loop3A_569, %parallel_loop3A_571 : vector<16xf32>
      %parallel_loop3A_573 = arith.index_cast %parallel_loop3A_560 : i32 to index
      %parallel_loop3A_574 = arith.index_cast %parallel_loop3A_565 : i32 to index
      %parallel_loop3A_575 = tpu.vector_load %arg9[%parallel_loop3A_573, %parallel_loop3A_574] {strides = array<i32>} : memref<16x1024xf32, #tpu.memory_space<vmem>>, vector<1x16xf32>,
      %parallel_loop3A_576 = vector.shape_cast %parallel_loop3A_575 : vector<1x16xf32> to vector<16xf32>
      %parallel_loop3A_577 = vector.shape_cast %parallel_loop3A_572 : vector<16xf32> to vector<1x16xf32>
      tpu.vector_store %arg9[%parallel_loop3A_573, %parallel_loop3A_574], %parallel_loop3A_577 {strides = array<i32>} : memref<16x1024xf32, #tpu.memory_space<vmem>>, vector<1x16xf32>,
    } {sc.loop_unroll_factor = 16 : i64, sc.parallel_access}
    %add3A_240 = arith.constant 160 : i32
    %add3A_241 = arith.addi %add3A_240, %add3A : i32
    %mul3A_242 = arith.constant 16 : i32
    %mul3A_243 = arith.muli %add3A_241, %mul3A_242 : i32
    %dma_start3A_244 = arith.constant 0 : i32
    %dma_start3A_245 = tpu.memref_slice %arg3[%mul3A_243, %dma_start3A_244] : memref<8192x1024xf32, #tpu.memory_space<hbm>> -> memref<16x1024xf32, #tpu.memory_space<hbm>>
    %dma_start3A_246 = arith.constant 0 : i32
    %dma_start3A_247 = tpu.memref_slice %arg3[%mul3A_243, %dma_start3A_246] : memref<8192x1024xf32, #tpu.memory_space<hbm>> -> memref<16x1024xf32, #tpu.memory_space<hbm>>
    tpu.enqueue_dma source(%arg9 : memref<16x1024xf32, #tpu.memory_space<vmem>>) target(%dma_start3A_247 : memref<16x1024xf32, #tpu.memory_space<hbm>>) target_semaphore(%arg23 : memref<!tpu.dma_semaphore, #tpu.memory_space<semaphore_mem>>)
    %add3A_248 = arith.constant 192 : i32
    %add3A_249 = arith.addi %add3A_248, %add3A : i32
    %mul3A_250 = arith.constant 16 : i32
    %mul3A_251 = arith.muli %add3A_249, %mul3A_250 : i32
    %dma_wait3A_252 = arith.constant 0 : i32
    %dma_wait3A_253 = tpu.memref_slice %arg2[%mul3A_251, %dma_wait3A_252] : memref<8192x1024xf32, #tpu.memory_space<hbm>> -> memref<16x1024xf32, #tpu.memory_space<hbm>>
    %dma_wait3A_254 = arith.constant 0 : i32
    %dma_wait3A_255 = tpu.memref_slice %arg2[%mul3A_251, %dma_wait3A_254] : memref<8192x1024xf32, #tpu.memory_space<hbm>> -> memref<16x1024xf32, #tpu.memory_space<hbm>>
    tpu.wait_dma2 semaphore(%arg17 : memref<!tpu.dma_semaphore, #tpu.memory_space<semaphore_mem>>) src(%dma_wait3A_255 : memref<16x1024xf32, #tpu.memory_space<hbm>>) dst(%arg10 : memref<16x1024xf32, #tpu.memory_space<vmem>>)
    %add3A_256 = arith.constant 160 : i32
    %add3A_257 = arith.addi %add3A_256, %add3A : i32
    %mul3A_258 = arith.constant 16 : i32
    %mul3A_259 = arith.muli %add3A_257, %mul3A_258 : i32
    %dma_wait3A_260 = arith.constant 0 : i32
    %dma_wait3A_261 = tpu.memref_slice %arg3[%mul3A_259, %dma_wait3A_260] : memref<8192x1024xf32, #tpu.memory_space<hbm>> -> memref<16x1024xf32, #tpu.memory_space<hbm>>
    %dma_wait3A_262 = arith.constant 0 : i32
    %dma_wait3A_263 = tpu.memref_slice %arg3[%mul3A_259, %dma_wait3A_262] : memref<8192x1024xf32, #tpu.memory_space<hbm>> -> memref<16x1024xf32, #tpu.memory_space<hbm>>
    tpu.wait_dma2 semaphore(%arg23 : memref<!tpu.dma_semaphore, #tpu.memory_space<semaphore_mem>>) src(%arg9 : memref<16x1024xf32, #tpu.memory_space<vmem>>) dst(%dma_wait3A_263 : memref<16x1024xf32, #tpu.memory_space<hbm>>)
    %add3A_264 = arith.constant 384 : i32
    %add3A_265 = arith.addi %add3A_264, %add3A : i32
    %mul3A_266 = arith.constant 16 : i32
    %mul3A_267 = arith.muli %add3A_265, %mul3A_266 : i32
    %dma_start3A_268 = arith.constant 0 : i32
    %dma_start3A_269 = tpu.memref_slice %arg2[%mul3A_267, %dma_start3A_268] : memref<8192x1024xf32, #tpu.memory_space<hbm>> -> memref<16x1024xf32, #tpu.memory_space<hbm>>
    %dma_start3A_270 = arith.constant 0 : i32
    %dma_start3A_271 = tpu.memref_slice %arg2[%mul3A_267, %dma_start3A_270] : memref<8192x1024xf32, #tpu.memory_space<hbm>> -> memref<16x1024xf32, #tpu.memory_space<hbm>>
    tpu.enqueue_dma source(%dma_start3A_271 : memref<16x1024xf32, #tpu.memory_space<hbm>>) target(%arg9 : memref<16x1024xf32, #tpu.memory_space<vmem>>) target_semaphore(%arg16 : memref<!tpu.dma_semaphore, #tpu.memory_space<semaphore_mem>>)
    %parallel_loop3A_272 = arith.constant 0 : i32
    %parallel_loop3A_273 = arith.constant 1024 : i32
    %parallel_loop3A_274 = arith.constant 1 : i32
    scf.for %parallel_loop3A_558 = %parallel_loop3A_272 to %parallel_loop3A_273 step %parallel_loop3A_274  : i32 {
      %parallel_loop3A_559 = arith.constant 6 : i32
      %parallel_loop3A_560 = arith.shrsi %parallel_loop3A_558, %parallel_loop3A_559 : i32
      %parallel_loop3A_561 = arith.constant 63 : i32
      %parallel_loop3A_562 = arith.andi %parallel_loop3A_558, %parallel_loop3A_561 : i32
      %parallel_loop3A_563 = arith.constant 16 : i32
      %parallel_loop3A_564 = arith.muli %parallel_loop3A_562, %parallel_loop3A_563 : i32
      %parallel_loop3A_565 = tpu.assume_multiple %parallel_loop3A_564, 16 : i32
      %parallel_loop3A_566 = arith.index_cast %parallel_loop3A_560 : i32 to index
      %parallel_loop3A_567 = arith.index_cast %parallel_loop3A_565 : i32 to index
      %parallel_loop3A_568 = tpu.vector_load %arg10[%parallel_loop3A_566, %parallel_loop3A_567] {strides = array<i32>} : memref<16x1024xf32, #tpu.memory_space<vmem>>, vector<1x16xf32>,
      %parallel_loop3A_569 = vector.shape_cast %parallel_loop3A_568 : vector<1x16xf32> to vector<16xf32>
      %parallel_loop3A_570 = arith.constant 3.125000e-02 : f32
      %parallel_loop3A_571 = vector.broadcast %parallel_loop3A_570 : f32 to vector<16xf32>
      %parallel_loop3A_572 = arith.mulf %parallel_loop3A_569, %parallel_loop3A_571 : vector<16xf32>
      %parallel_loop3A_573 = arith.index_cast %parallel_loop3A_560 : i32 to index
      %parallel_loop3A_574 = arith.index_cast %parallel_loop3A_565 : i32 to index
      %parallel_loop3A_575 = tpu.vector_load %arg10[%parallel_loop3A_573, %parallel_loop3A_574] {strides = array<i32>} : memref<16x1024xf32, #tpu.memory_space<vmem>>, vector<1x16xf32>,
      %parallel_loop3A_576 = vector.shape_cast %parallel_loop3A_575 : vector<1x16xf32> to vector<16xf32>
      %parallel_loop3A_577 = vector.shape_cast %parallel_loop3A_572 : vector<16xf32> to vector<1x16xf32>
      tpu.vector_store %arg10[%parallel_loop3A_573, %parallel_loop3A_574], %parallel_loop3A_577 {strides = array<i32>} : memref<16x1024xf32, #tpu.memory_space<vmem>>, vector<1x16xf32>,
    } {sc.loop_unroll_factor = 16 : i64, sc.parallel_access}
    %add3A_275 = arith.constant 192 : i32
    %add3A_276 = arith.addi %add3A_275, %add3A : i32
    %mul3A_277 = arith.constant 16 : i32
    %mul3A_278 = arith.muli %add3A_276, %mul3A_277 : i32
    %dma_start3A_279 = arith.constant 0 : i32
    %dma_start3A_280 = tpu.memref_slice %arg3[%mul3A_278, %dma_start3A_279] : memref<8192x1024xf32, #tpu.memory_space<hbm>> -> memref<16x1024xf32, #tpu.memory_space<hbm>>
    %dma_start3A_281 = arith.constant 0 : i32
    %dma_start3A_282 = tpu.memref_slice %arg3[%mul3A_278, %dma_start3A_281] : memref<8192x1024xf32, #tpu.memory_space<hbm>> -> memref<16x1024xf32, #tpu.memory_space<hbm>>
    tpu.enqueue_dma source(%arg10 : memref<16x1024xf32, #tpu.memory_space<vmem>>) target(%dma_start3A_282 : memref<16x1024xf32, #tpu.memory_space<hbm>>) target_semaphore(%arg24 : memref<!tpu.dma_semaphore, #tpu.memory_space<semaphore_mem>>)
    %add3A_283 = arith.constant 224 : i32
    %add3A_284 = arith.addi %add3A_283, %add3A : i32
    %mul3A_285 = arith.constant 16 : i32
    %mul3A_286 = arith.muli %add3A_284, %mul3A_285 : i32
    %dma_wait3A_287 = arith.constant 0 : i32
    %dma_wait3A_288 = tpu.memref_slice %arg2[%mul3A_286, %dma_wait3A_287] : memref<8192x1024xf32, #tpu.memory_space<hbm>> -> memref<16x1024xf32, #tpu.memory_space<hbm>>
    %dma_wait3A_289 = arith.constant 0 : i32
    %dma_wait3A_290 = tpu.memref_slice %arg2[%mul3A_286, %dma_wait3A_289] : memref<8192x1024xf32, #tpu.memory_space<hbm>> -> memref<16x1024xf32, #tpu.memory_space<hbm>>
    tpu.wait_dma2 semaphore(%arg11 : memref<!tpu.dma_semaphore, #tpu.memory_space<semaphore_mem>>) src(%dma_wait3A_290 : memref<16x1024xf32, #tpu.memory_space<hbm>>) dst(%arg4 : memref<16x1024xf32, #tpu.memory_space<vmem>>)
    %add3A_291 = arith.constant 192 : i32
    %add3A_292 = arith.addi %add3A_291, %add3A : i32
    %mul3A_293 = arith.constant 16 : i32
    %mul3A_294 = arith.muli %add3A_292, %mul3A_293 : i32
    %dma_wait3A_295 = arith.constant 0 : i32
    %dma_wait3A_296 = tpu.memref_slice %arg3[%mul3A_294, %dma_wait3A_295] : memref<8192x1024xf32, #tpu.memory_space<hbm>> -> memref<16x1024xf32, #tpu.memory_space<hbm>>
    %dma_wait3A_297 = arith.constant 0 : i32
    %dma_wait3A_298 = tpu.memref_slice %arg3[%mul3A_294, %dma_wait3A_297] : memref<8192x1024xf32, #tpu.memory_space<hbm>> -> memref<16x1024xf32, #tpu.memory_space<hbm>>
    tpu.wait_dma2 semaphore(%arg24 : memref<!tpu.dma_semaphore, #tpu.memory_space<semaphore_mem>>) src(%arg10 : memref<16x1024xf32, #tpu.memory_space<vmem>>) dst(%dma_wait3A_298 : memref<16x1024xf32, #tpu.memory_space<hbm>>)
    %add3A_299 = arith.constant 416 : i32
    %add3A_300 = arith.addi %add3A_299, %add3A : i32
    %mul3A_301 = arith.constant 16 : i32
    %mul3A_302 = arith.muli %add3A_300, %mul3A_301 : i32
    %dma_start3A_303 = arith.constant 0 : i32
    %dma_start3A_304 = tpu.memref_slice %arg2[%mul3A_302, %dma_start3A_303] : memref<8192x1024xf32, #tpu.memory_space<hbm>> -> memref<16x1024xf32, #tpu.memory_space<hbm>>
    %dma_start3A_305 = arith.constant 0 : i32
    %dma_start3A_306 = tpu.memref_slice %arg2[%mul3A_302, %dma_start3A_305] : memref<8192x1024xf32, #tpu.memory_space<hbm>> -> memref<16x1024xf32, #tpu.memory_space<hbm>>
    tpu.enqueue_dma source(%dma_start3A_306 : memref<16x1024xf32, #tpu.memory_space<hbm>>) target(%arg10 : memref<16x1024xf32, #tpu.memory_space<vmem>>) target_semaphore(%arg17 : memref<!tpu.dma_semaphore, #tpu.memory_space<semaphore_mem>>)
    %parallel_loop3A_307 = arith.constant 0 : i32
    %parallel_loop3A_308 = arith.constant 1024 : i32
    %parallel_loop3A_309 = arith.constant 1 : i32
    scf.for %parallel_loop3A_558 = %parallel_loop3A_307 to %parallel_loop3A_308 step %parallel_loop3A_309  : i32 {
      %parallel_loop3A_559 = arith.constant 6 : i32
      %parallel_loop3A_560 = arith.shrsi %parallel_loop3A_558, %parallel_loop3A_559 : i32
      %parallel_loop3A_561 = arith.constant 63 : i32
      %parallel_loop3A_562 = arith.andi %parallel_loop3A_558, %parallel_loop3A_561 : i32
      %parallel_loop3A_563 = arith.constant 16 : i32
      %parallel_loop3A_564 = arith.muli %parallel_loop3A_562, %parallel_loop3A_563 : i32
      %parallel_loop3A_565 = tpu.assume_multiple %parallel_loop3A_564, 16 : i32
      %parallel_loop3A_566 = arith.index_cast %parallel_loop3A_560 : i32 to index
      %parallel_loop3A_567 = arith.index_cast %parallel_loop3A_565 : i32 to index
      %parallel_loop3A_568 = tpu.vector_load %arg4[%parallel_loop3A_566, %parallel_loop3A_567] {strides = array<i32>} : memref<16x1024xf32, #tpu.memory_space<vmem>>, vector<1x16xf32>,
      %parallel_loop3A_569 = vector.shape_cast %parallel_loop3A_568 : vector<1x16xf32> to vector<16xf32>
      %parallel_loop3A_570 = arith.constant 3.125000e-02 : f32
      %parallel_loop3A_571 = vector.broadcast %parallel_loop3A_570 : f32 to vector<16xf32>
      %parallel_loop3A_572 = arith.mulf %parallel_loop3A_569, %parallel_loop3A_571 : vector<16xf32>
      %parallel_loop3A_573 = arith.index_cast %parallel_loop3A_560 : i32 to index
      %parallel_loop3A_574 = arith.index_cast %parallel_loop3A_565 : i32 to index
      %parallel_loop3A_575 = tpu.vector_load %arg4[%parallel_loop3A_573, %parallel_loop3A_574] {strides = array<i32>} : memref<16x1024xf32, #tpu.memory_space<vmem>>, vector<1x16xf32>,
      %parallel_loop3A_576 = vector.shape_cast %parallel_loop3A_575 : vector<1x16xf32> to vector<16xf32>
      %parallel_loop3A_577 = vector.shape_cast %parallel_loop3A_572 : vector<16xf32> to vector<1x16xf32>
      tpu.vector_store %arg4[%parallel_loop3A_573, %parallel_loop3A_574], %parallel_loop3A_577 {strides = array<i32>} : memref<16x1024xf32, #tpu.memory_space<vmem>>, vector<1x16xf32>,
    } {sc.loop_unroll_factor = 16 : i64, sc.parallel_access}
    %add3A_310 = arith.constant 224 : i32
    %add3A_311 = arith.addi %add3A_310, %add3A : i32
    %mul3A_312 = arith.constant 16 : i32
    %mul3A_313 = arith.muli %add3A_311, %mul3A_312 : i32
    %dma_start3A_314 = arith.constant 0 : i32
    %dma_start3A_315 = tpu.memref_slice %arg3[%mul3A_313, %dma_start3A_314] : memref<8192x1024xf32, #tpu.memory_space<hbm>> -> memref<16x1024xf32, #tpu.memory_space<hbm>>
    %dma_start3A_316 = arith.constant 0 : i32
    %dma_start3A_317 = tpu.memref_slice %arg3[%mul3A_313, %dma_start3A_316] : memref<8192x1024xf32, #tpu.memory_space<hbm>> -> memref<16x1024xf32, #tpu.memory_space<hbm>>
    tpu.enqueue_dma source(%arg4 : memref<16x1024xf32, #tpu.memory_space<vmem>>) target(%dma_start3A_317 : memref<16x1024xf32, #tpu.memory_space<hbm>>) target_semaphore(%arg18 : memref<!tpu.dma_semaphore, #tpu.memory_space<semaphore_mem>>)
    %add3A_318 = arith.constant 256 : i32
    %add3A_319 = arith.addi %add3A_318, %add3A : i32
    %mul3A_320 = arith.constant 16 : i32
    %mul3A_321 = arith.muli %add3A_319, %mul3A_320 : i32
    %dma_wait3A_322 = arith.constant 0 : i32
    %dma_wait3A_323 = tpu.memref_slice %arg2[%mul3A_321, %dma_wait3A_322] : memref<8192x1024xf32, #tpu.memory_space<hbm>> -> memref<16x1024xf32, #tpu.memory_space<hbm>>
    %dma_wait3A_324 = arith.constant 0 : i32
    %dma_wait3A_325 = tpu.memref_slice %arg2[%mul3A_321, %dma_wait3A_324] : memref<8192x1024xf32, #tpu.memory_space<hbm>> -> memref<16x1024xf32, #tpu.memory_space<hbm>>
    tpu.wait_dma2 semaphore(%arg12 : memref<!tpu.dma_semaphore, #tpu.memory_space<semaphore_mem>>) src(%dma_wait3A_325 : memref<16x1024xf32, #tpu.memory_space<hbm>>) dst(%arg5 : memref<16x1024xf32, #tpu.memory_space<vmem>>)
    %add3A_326 = arith.constant 224 : i32
    %add3A_327 = arith.addi %add3A_326, %add3A : i32
    %mul3A_328 = arith.constant 16 : i32
    %mul3A_329 = arith.muli %add3A_327, %mul3A_328 : i32
    %dma_wait3A_330 = arith.constant 0 : i32
    %dma_wait3A_331 = tpu.memref_slice %arg3[%mul3A_329, %dma_wait3A_330] : memref<8192x1024xf32, #tpu.memory_space<hbm>> -> memref<16x1024xf32, #tpu.memory_space<hbm>>
    %dma_wait3A_332 = arith.constant 0 : i32
    %dma_wait3A_333 = tpu.memref_slice %arg3[%mul3A_329, %dma_wait3A_332] : memref<8192x1024xf32, #tpu.memory_space<hbm>> -> memref<16x1024xf32, #tpu.memory_space<hbm>>
    tpu.wait_dma2 semaphore(%arg18 : memref<!tpu.dma_semaphore, #tpu.memory_space<semaphore_mem>>) src(%arg4 : memref<16x1024xf32, #tpu.memory_space<vmem>>) dst(%dma_wait3A_333 : memref<16x1024xf32, #tpu.memory_space<hbm>>)
    %add3A_334 = arith.constant 448 : i32
    %add3A_335 = arith.addi %add3A_334, %add3A : i32
    %mul3A_336 = arith.constant 16 : i32
    %mul3A_337 = arith.muli %add3A_335, %mul3A_336 : i32
    %dma_start3A_338 = arith.constant 0 : i32
    %dma_start3A_339 = tpu.memref_slice %arg2[%mul3A_337, %dma_start3A_338] : memref<8192x1024xf32, #tpu.memory_space<hbm>> -> memref<16x1024xf32, #tpu.memory_space<hbm>>
    %dma_start3A_340 = arith.constant 0 : i32
    %dma_start3A_341 = tpu.memref_slice %arg2[%mul3A_337, %dma_start3A_340] : memref<8192x1024xf32, #tpu.memory_space<hbm>> -> memref<16x1024xf32, #tpu.memory_space<hbm>>
    tpu.enqueue_dma source(%dma_start3A_341 : memref<16x1024xf32, #tpu.memory_space<hbm>>) target(%arg4 : memref<16x1024xf32, #tpu.memory_space<vmem>>) target_semaphore(%arg11 : memref<!tpu.dma_semaphore, #tpu.memory_space<semaphore_mem>>)
    %parallel_loop3A_342 = arith.constant 0 : i32
    %parallel_loop3A_343 = arith.constant 1024 : i32
    %parallel_loop3A_344 = arith.constant 1 : i32
    scf.for %parallel_loop3A_558 = %parallel_loop3A_342 to %parallel_loop3A_343 step %parallel_loop3A_344  : i32 {
      %parallel_loop3A_559 = arith.constant 6 : i32
      %parallel_loop3A_560 = arith.shrsi %parallel_loop3A_558, %parallel_loop3A_559 : i32
      %parallel_loop3A_561 = arith.constant 63 : i32
      %parallel_loop3A_562 = arith.andi %parallel_loop3A_558, %parallel_loop3A_561 : i32
      %parallel_loop3A_563 = arith.constant 16 : i32
      %parallel_loop3A_564 = arith.muli %parallel_loop3A_562, %parallel_loop3A_563 : i32
      %parallel_loop3A_565 = tpu.assume_multiple %parallel_loop3A_564, 16 : i32
      %parallel_loop3A_566 = arith.index_cast %parallel_loop3A_560 : i32 to index
      %parallel_loop3A_567 = arith.index_cast %parallel_loop3A_565 : i32 to index
      %parallel_loop3A_568 = tpu.vector_load %arg5[%parallel_loop3A_566, %parallel_loop3A_567] {strides = array<i32>} : memref<16x1024xf32, #tpu.memory_space<vmem>>, vector<1x16xf32>,
      %parallel_loop3A_569 = vector.shape_cast %parallel_loop3A_568 : vector<1x16xf32> to vector<16xf32>
      %parallel_loop3A_570 = arith.constant 3.125000e-02 : f32
      %parallel_loop3A_571 = vector.broadcast %parallel_loop3A_570 : f32 to vector<16xf32>
      %parallel_loop3A_572 = arith.mulf %parallel_loop3A_569, %parallel_loop3A_571 : vector<16xf32>
      %parallel_loop3A_573 = arith.index_cast %parallel_loop3A_560 : i32 to index
      %parallel_loop3A_574 = arith.index_cast %parallel_loop3A_565 : i32 to index
      %parallel_loop3A_575 = tpu.vector_load %arg5[%parallel_loop3A_573, %parallel_loop3A_574] {strides = array<i32>} : memref<16x1024xf32, #tpu.memory_space<vmem>>, vector<1x16xf32>,
      %parallel_loop3A_576 = vector.shape_cast %parallel_loop3A_575 : vector<1x16xf32> to vector<16xf32>
      %parallel_loop3A_577 = vector.shape_cast %parallel_loop3A_572 : vector<16xf32> to vector<1x16xf32>
      tpu.vector_store %arg5[%parallel_loop3A_573, %parallel_loop3A_574], %parallel_loop3A_577 {strides = array<i32>} : memref<16x1024xf32, #tpu.memory_space<vmem>>, vector<1x16xf32>,
    } {sc.loop_unroll_factor = 16 : i64, sc.parallel_access}
    %add3A_345 = arith.constant 256 : i32
    %add3A_346 = arith.addi %add3A_345, %add3A : i32
    %mul3A_347 = arith.constant 16 : i32
    %mul3A_348 = arith.muli %add3A_346, %mul3A_347 : i32
    %dma_start3A_349 = arith.constant 0 : i32
    %dma_start3A_350 = tpu.memref_slice %arg3[%mul3A_348, %dma_start3A_349] : memref<8192x1024xf32, #tpu.memory_space<hbm>> -> memref<16x1024xf32, #tpu.memory_space<hbm>>
    %dma_start3A_351 = arith.constant 0 : i32
    %dma_start3A_352 = tpu.memref_slice %arg3[%mul3A_348, %dma_start3A_351] : memref<8192x1024xf32, #tpu.memory_space<hbm>> -> memref<16x1024xf32, #tpu.memory_space<hbm>>
    tpu.enqueue_dma source(%arg5 : memref<16x1024xf32, #tpu.memory_space<vmem>>) target(%dma_start3A_352 : memref<16x1024xf32, #tpu.memory_space<hbm>>) target_semaphore(%arg19 : memref<!tpu.dma_semaphore, #tpu.memory_space<semaphore_mem>>)
    %add3A_353 = arith.constant 288 : i32
    %add3A_354 = arith.addi %add3A_353, %add3A : i32
    %mul3A_355 = arith.constant 16 : i32
    %mul3A_356 = arith.muli %add3A_354, %mul3A_355 : i32
    %dma_wait3A_357 = arith.constant 0 : i32
    %dma_wait3A_358 = tpu.memref_slice %arg2[%mul3A_356, %dma_wait3A_357] : memref<8192x1024xf32, #tpu.memory_space<hbm>> -> memref<16x1024xf32, #tpu.memory_space<hbm>>
    %dma_wait3A_359 = arith.constant 0 : i32
    %dma_wait3A_360 = tpu.memref_slice %arg2[%mul3A_356, %dma_wait3A_359] : memref<8192x1024xf32, #tpu.memory_space<hbm>> -> memref<16x1024xf32, #tpu.memory_space<hbm>>
    tpu.wait_dma2 semaphore(%arg13 : memref<!tpu.dma_semaphore, #tpu.memory_space<semaphore_mem>>) src(%dma_wait3A_360 : memref<16x1024xf32, #tpu.memory_space<hbm>>) dst(%arg6 : memref<16x1024xf32, #tpu.memory_space<vmem>>)
    %add3A_361 = arith.constant 256 : i32
    %add3A_362 = arith.addi %add3A_361, %add3A : i32
    %mul3A_363 = arith.constant 16 : i32
    %mul3A_364 = arith.muli %add3A_362, %mul3A_363 : i32
    %dma_wait3A_365 = arith.constant 0 : i32
    %dma_wait3A_366 = tpu.memref_slice %arg3[%mul3A_364, %dma_wait3A_365] : memref<8192x1024xf32, #tpu.memory_space<hbm>> -> memref<16x1024xf32, #tpu.memory_space<hbm>>
    %dma_wait3A_367 = arith.constant 0 : i32
    %dma_wait3A_368 = tpu.memref_slice %arg3[%mul3A_364, %dma_wait3A_367] : memref<8192x1024xf32, #tpu.memory_space<hbm>> -> memref<16x1024xf32, #tpu.memory_space<hbm>>
    tpu.wait_dma2 semaphore(%arg19 : memref<!tpu.dma_semaphore, #tpu.memory_space<semaphore_mem>>) src(%arg5 : memref<16x1024xf32, #tpu.memory_space<vmem>>) dst(%dma_wait3A_368 : memref<16x1024xf32, #tpu.memory_space<hbm>>)
    %add3A_369 = arith.constant 480 : i32
    %add3A_370 = arith.addi %add3A_369, %add3A : i32
    %mul3A_371 = arith.constant 16 : i32
    %mul3A_372 = arith.muli %add3A_370, %mul3A_371 : i32
    %dma_start3A_373 = arith.constant 0 : i32
    %dma_start3A_374 = tpu.memref_slice %arg2[%mul3A_372, %dma_start3A_373] : memref<8192x1024xf32, #tpu.memory_space<hbm>> -> memref<16x1024xf32, #tpu.memory_space<hbm>>
    %dma_start3A_375 = arith.constant 0 : i32
    %dma_start3A_376 = tpu.memref_slice %arg2[%mul3A_372, %dma_start3A_375] : memref<8192x1024xf32, #tpu.memory_space<hbm>> -> memref<16x1024xf32, #tpu.memory_space<hbm>>
    tpu.enqueue_dma source(%dma_start3A_376 : memref<16x1024xf32, #tpu.memory_space<hbm>>) target(%arg5 : memref<16x1024xf32, #tpu.memory_space<vmem>>) target_semaphore(%arg12 : memref<!tpu.dma_semaphore, #tpu.memory_space<semaphore_mem>>)
    %parallel_loop3A_377 = arith.constant 0 : i32
    %parallel_loop3A_378 = arith.constant 1024 : i32
    %parallel_loop3A_379 = arith.constant 1 : i32
    scf.for %parallel_loop3A_558 = %parallel_loop3A_377 to %parallel_loop3A_378 step %parallel_loop3A_379  : i32 {
      %parallel_loop3A_559 = arith.constant 6 : i32
      %parallel_loop3A_560 = arith.shrsi %parallel_loop3A_558, %parallel_loop3A_559 : i32
      %parallel_loop3A_561 = arith.constant 63 : i32
      %parallel_loop3A_562 = arith.andi %parallel_loop3A_558, %parallel_loop3A_561 : i32
      %parallel_loop3A_563 = arith.constant 16 : i32
      %parallel_loop3A_564 = arith.muli %parallel_loop3A_562, %parallel_loop3A_563 : i32
      %parallel_loop3A_565 = tpu.assume_multiple %parallel_loop3A_564, 16 : i32
      %parallel_loop3A_566 = arith.index_cast %parallel_loop3A_560 : i32 to index
      %parallel_loop3A_567 = arith.index_cast %parallel_loop3A_565 : i32 to index
      %parallel_loop3A_568 = tpu.vector_load %arg6[%parallel_loop3A_566, %parallel_loop3A_567] {strides = array<i32>} : memref<16x1024xf32, #tpu.memory_space<vmem>>, vector<1x16xf32>,
      %parallel_loop3A_569 = vector.shape_cast %parallel_loop3A_568 : vector<1x16xf32> to vector<16xf32>
      %parallel_loop3A_570 = arith.constant 3.125000e-02 : f32
      %parallel_loop3A_571 = vector.broadcast %parallel_loop3A_570 : f32 to vector<16xf32>
      %parallel_loop3A_572 = arith.mulf %parallel_loop3A_569, %parallel_loop3A_571 : vector<16xf32>
      %parallel_loop3A_573 = arith.index_cast %parallel_loop3A_560 : i32 to index
      %parallel_loop3A_574 = arith.index_cast %parallel_loop3A_565 : i32 to index
      %parallel_loop3A_575 = tpu.vector_load %arg6[%parallel_loop3A_573, %parallel_loop3A_574] {strides = array<i32>} : memref<16x1024xf32, #tpu.memory_space<vmem>>, vector<1x16xf32>,
      %parallel_loop3A_576 = vector.shape_cast %parallel_loop3A_575 : vector<1x16xf32> to vector<16xf32>
      %parallel_loop3A_577 = vector.shape_cast %parallel_loop3A_572 : vector<16xf32> to vector<1x16xf32>
      tpu.vector_store %arg6[%parallel_loop3A_573, %parallel_loop3A_574], %parallel_loop3A_577 {strides = array<i32>} : memref<16x1024xf32, #tpu.memory_space<vmem>>, vector<1x16xf32>,
    } {sc.loop_unroll_factor = 16 : i64, sc.parallel_access}
    %add3A_380 = arith.constant 288 : i32
    %add3A_381 = arith.addi %add3A_380, %add3A : i32
    %mul3A_382 = arith.constant 16 : i32
    %mul3A_383 = arith.muli %add3A_381, %mul3A_382 : i32
    %dma_start3A_384 = arith.constant 0 : i32
    %dma_start3A_385 = tpu.memref_slice %arg3[%mul3A_383, %dma_start3A_384] : memref<8192x1024xf32, #tpu.memory_space<hbm>> -> memref<16x1024xf32, #tpu.memory_space<hbm>>
    %dma_start3A_386 = arith.constant 0 : i32
    %dma_start3A_387 = tpu.memref_slice %arg3[%mul3A_383, %dma_start3A_386] : memref<8192x1024xf32, #tpu.memory_space<hbm>> -> memref<16x1024xf32, #tpu.memory_space<hbm>>
    tpu.enqueue_dma source(%arg6 : memref<16x1024xf32, #tpu.memory_space<vmem>>) target(%dma_start3A_387 : memref<16x1024xf32, #tpu.memory_space<hbm>>) target_semaphore(%arg20 : memref<!tpu.dma_semaphore, #tpu.memory_space<semaphore_mem>>)
    %add3A_388 = arith.constant 320 : i32
    %add3A_389 = arith.addi %add3A_388, %add3A : i32
    %mul3A_390 = arith.constant 16 : i32
    %mul3A_391 = arith.muli %add3A_389, %mul3A_390 : i32
    %dma_wait3A_392 = arith.constant 0 : i32
    %dma_wait3A_393 = tpu.memref_slice %arg2[%mul3A_391, %dma_wait3A_392] : memref<8192x1024xf32, #tpu.memory_space<hbm>> -> memref<16x1024xf32, #tpu.memory_space<hbm>>
    %dma_wait3A_394 = arith.constant 0 : i32
    %dma_wait3A_395 = tpu.memref_slice %arg2[%mul3A_391, %dma_wait3A_394] : memref<8192x1024xf32, #tpu.memory_space<hbm>> -> memref<16x1024xf32, #tpu.memory_space<hbm>>
    tpu.wait_dma2 semaphore(%arg14 : memref<!tpu.dma_semaphore, #tpu.memory_space<semaphore_mem>>) src(%dma_wait3A_395 : memref<16x1024xf32, #tpu.memory_space<hbm>>) dst(%arg7 : memref<16x1024xf32, #tpu.memory_space<vmem>>)
    %parallel_loop3A_396 = arith.constant 0 : i32
    %parallel_loop3A_397 = arith.constant 1024 : i32
    %parallel_loop3A_398 = arith.constant 1 : i32
    scf.for %parallel_loop3A_558 = %parallel_loop3A_396 to %parallel_loop3A_397 step %parallel_loop3A_398  : i32 {
      %parallel_loop3A_559 = arith.constant 6 : i32
      %parallel_loop3A_560 = arith.shrsi %parallel_loop3A_558, %parallel_loop3A_559 : i32
      %parallel_loop3A_561 = arith.constant 63 : i32
      %parallel_loop3A_562 = arith.andi %parallel_loop3A_558, %parallel_loop3A_561 : i32
      %parallel_loop3A_563 = arith.constant 16 : i32
      %parallel_loop3A_564 = arith.muli %parallel_loop3A_562, %parallel_loop3A_563 : i32
      %parallel_loop3A_565 = tpu.assume_multiple %parallel_loop3A_564, 16 : i32
      %parallel_loop3A_566 = arith.index_cast %parallel_loop3A_560 : i32 to index
      %parallel_loop3A_567 = arith.index_cast %parallel_loop3A_565 : i32 to index
      %parallel_loop3A_568 = tpu.vector_load %arg7[%parallel_loop3A_566, %parallel_loop3A_567] {strides = array<i32>} : memref<16x1024xf32, #tpu.memory_space<vmem>>, vector<1x16xf32>,
      %parallel_loop3A_569 = vector.shape_cast %parallel_loop3A_568 : vector<1x16xf32> to vector<16xf32>
      %parallel_loop3A_570 = arith.constant 3.125000e-02 : f32
      %parallel_loop3A_571 = vector.broadcast %parallel_loop3A_570 : f32 to vector<16xf32>
      %parallel_loop3A_572 = arith.mulf %parallel_loop3A_569, %parallel_loop3A_571 : vector<16xf32>
      %parallel_loop3A_573 = arith.index_cast %parallel_loop3A_560 : i32 to index
      %parallel_loop3A_574 = arith.index_cast %parallel_loop3A_565 : i32 to index
      %parallel_loop3A_575 = tpu.vector_load %arg7[%parallel_loop3A_573, %parallel_loop3A_574] {strides = array<i32>} : memref<16x1024xf32, #tpu.memory_space<vmem>>, vector<1x16xf32>,
      %parallel_loop3A_576 = vector.shape_cast %parallel_loop3A_575 : vector<1x16xf32> to vector<16xf32>
      %parallel_loop3A_577 = vector.shape_cast %parallel_loop3A_572 : vector<16xf32> to vector<1x16xf32>
      tpu.vector_store %arg7[%parallel_loop3A_573, %parallel_loop3A_574], %parallel_loop3A_577 {strides = array<i32>} : memref<16x1024xf32, #tpu.memory_space<vmem>>, vector<1x16xf32>,
    } {sc.loop_unroll_factor = 16 : i64, sc.parallel_access}
    %add3A_399 = arith.constant 320 : i32
    %add3A_400 = arith.addi %add3A_399, %add3A : i32
    %mul3A_401 = arith.constant 16 : i32
    %mul3A_402 = arith.muli %add3A_400, %mul3A_401 : i32
    %dma_start3A_403 = arith.constant 0 : i32
    %dma_start3A_404 = tpu.memref_slice %arg3[%mul3A_402, %dma_start3A_403] : memref<8192x1024xf32, #tpu.memory_space<hbm>> -> memref<16x1024xf32, #tpu.memory_space<hbm>>
    %dma_start3A_405 = arith.constant 0 : i32
    %dma_start3A_406 = tpu.memref_slice %arg3[%mul3A_402, %dma_start3A_405] : memref<8192x1024xf32, #tpu.memory_space<hbm>> -> memref<16x1024xf32, #tpu.memory_space<hbm>>
    tpu.enqueue_dma source(%arg7 : memref<16x1024xf32, #tpu.memory_space<vmem>>) target(%dma_start3A_406 : memref<16x1024xf32, #tpu.memory_space<hbm>>) target_semaphore(%arg21 : memref<!tpu.dma_semaphore, #tpu.memory_space<semaphore_mem>>)
    %add3A_407 = arith.constant 352 : i32
    %add3A_408 = arith.addi %add3A_407, %add3A : i32
    %mul3A_409 = arith.constant 16 : i32
    %mul3A_410 = arith.muli %add3A_408, %mul3A_409 : i32
    %dma_wait3A_411 = arith.constant 0 : i32
    %dma_wait3A_412 = tpu.memref_slice %arg2[%mul3A_410, %dma_wait3A_411] : memref<8192x1024xf32, #tpu.memory_space<hbm>> -> memref<16x1024xf32, #tpu.memory_space<hbm>>
    %dma_wait3A_413 = arith.constant 0 : i32
    %dma_wait3A_414 = tpu.memref_slice %arg2[%mul3A_410, %dma_wait3A_413] : memref<8192x1024xf32, #tpu.memory_space<hbm>> -> memref<16x1024xf32, #tpu.memory_space<hbm>>
    tpu.wait_dma2 semaphore(%arg15 : memref<!tpu.dma_semaphore, #tpu.memory_space<semaphore_mem>>) src(%dma_wait3A_414 : memref<16x1024xf32, #tpu.memory_space<hbm>>) dst(%arg8 : memref<16x1024xf32, #tpu.memory_space<vmem>>)
    %parallel_loop3A_415 = arith.constant 0 : i32
    %parallel_loop3A_416 = arith.constant 1024 : i32
    %parallel_loop3A_417 = arith.constant 1 : i32
    scf.for %parallel_loop3A_558 = %parallel_loop3A_415 to %parallel_loop3A_416 step %parallel_loop3A_417  : i32 {
      %parallel_loop3A_559 = arith.constant 6 : i32
      %parallel_loop3A_560 = arith.shrsi %parallel_loop3A_558, %parallel_loop3A_559 : i32
      %parallel_loop3A_561 = arith.constant 63 : i32
      %parallel_loop3A_562 = arith.andi %parallel_loop3A_558, %parallel_loop3A_561 : i32
      %parallel_loop3A_563 = arith.constant 16 : i32
      %parallel_loop3A_564 = arith.muli %parallel_loop3A_562, %parallel_loop3A_563 : i32
      %parallel_loop3A_565 = tpu.assume_multiple %parallel_loop3A_564, 16 : i32
      %parallel_loop3A_566 = arith.index_cast %parallel_loop3A_560 : i32 to index
      %parallel_loop3A_567 = arith.index_cast %parallel_loop3A_565 : i32 to index
      %parallel_loop3A_568 = tpu.vector_load %arg8[%parallel_loop3A_566, %parallel_loop3A_567] {strides = array<i32>} : memref<16x1024xf32, #tpu.memory_space<vmem>>, vector<1x16xf32>,
      %parallel_loop3A_569 = vector.shape_cast %parallel_loop3A_568 : vector<1x16xf32> to vector<16xf32>
      %parallel_loop3A_570 = arith.constant 3.125000e-02 : f32
      %parallel_loop3A_571 = vector.broadcast %parallel_loop3A_570 : f32 to vector<16xf32>
      %parallel_loop3A_572 = arith.mulf %parallel_loop3A_569, %parallel_loop3A_571 : vector<16xf32>
      %parallel_loop3A_573 = arith.index_cast %parallel_loop3A_560 : i32 to index
      %parallel_loop3A_574 = arith.index_cast %parallel_loop3A_565 : i32 to index
      %parallel_loop3A_575 = tpu.vector_load %arg8[%parallel_loop3A_573, %parallel_loop3A_574] {strides = array<i32>} : memref<16x1024xf32, #tpu.memory_space<vmem>>, vector<1x16xf32>,
      %parallel_loop3A_576 = vector.shape_cast %parallel_loop3A_575 : vector<1x16xf32> to vector<16xf32>
      %parallel_loop3A_577 = vector.shape_cast %parallel_loop3A_572 : vector<16xf32> to vector<1x16xf32>
      tpu.vector_store %arg8[%parallel_loop3A_573, %parallel_loop3A_574], %parallel_loop3A_577 {strides = array<i32>} : memref<16x1024xf32, #tpu.memory_space<vmem>>, vector<1x16xf32>,
    } {sc.loop_unroll_factor = 16 : i64, sc.parallel_access}
    %add3A_418 = arith.constant 352 : i32
    %add3A_419 = arith.addi %add3A_418, %add3A : i32
    %mul3A_420 = arith.constant 16 : i32
    %mul3A_421 = arith.muli %add3A_419, %mul3A_420 : i32
    %dma_start3A_422 = arith.constant 0 : i32
    %dma_start3A_423 = tpu.memref_slice %arg3[%mul3A_421, %dma_start3A_422] : memref<8192x1024xf32, #tpu.memory_space<hbm>> -> memref<16x1024xf32, #tpu.memory_space<hbm>>
    %dma_start3A_424 = arith.constant 0 : i32
    %dma_start3A_425 = tpu.memref_slice %arg3[%mul3A_421, %dma_start3A_424] : memref<8192x1024xf32, #tpu.memory_space<hbm>> -> memref<16x1024xf32, #tpu.memory_space<hbm>>
    tpu.enqueue_dma source(%arg8 : memref<16x1024xf32, #tpu.memory_space<vmem>>) target(%dma_start3A_425 : memref<16x1024xf32, #tpu.memory_space<hbm>>) target_semaphore(%arg22 : memref<!tpu.dma_semaphore, #tpu.memory_space<semaphore_mem>>)
    %add3A_426 = arith.constant 384 : i32
    %add3A_427 = arith.addi %add3A_426, %add3A : i32
    %mul3A_428 = arith.constant 16 : i32
    %mul3A_429 = arith.muli %add3A_427, %mul3A_428 : i32
    %dma_wait3A_430 = arith.constant 0 : i32
    %dma_wait3A_431 = tpu.memref_slice %arg2[%mul3A_429, %dma_wait3A_430] : memref<8192x1024xf32, #tpu.memory_space<hbm>> -> memref<16x1024xf32, #tpu.memory_space<hbm>>
    %dma_wait3A_432 = arith.constant 0 : i32
    %dma_wait3A_433 = tpu.memref_slice %arg2[%mul3A_429, %dma_wait3A_432] : memref<8192x1024xf32, #tpu.memory_space<hbm>> -> memref<16x1024xf32, #tpu.memory_space<hbm>>
    tpu.wait_dma2 semaphore(%arg16 : memref<!tpu.dma_semaphore, #tpu.memory_space<semaphore_mem>>) src(%dma_wait3A_433 : memref<16x1024xf32, #tpu.memory_space<hbm>>) dst(%arg9 : memref<16x1024xf32, #tpu.memory_space<vmem>>)
    %parallel_loop3A_434 = arith.constant 0 : i32
    %parallel_loop3A_435 = arith.constant 1024 : i32
    %parallel_loop3A_436 = arith.constant 1 : i32
    scf.for %parallel_loop3A_558 = %parallel_loop3A_434 to %parallel_loop3A_435 step %parallel_loop3A_436  : i32 {
      %parallel_loop3A_559 = arith.constant 6 : i32
      %parallel_loop3A_560 = arith.shrsi %parallel_loop3A_558, %parallel_loop3A_559 : i32
      %parallel_loop3A_561 = arith.constant 63 : i32
      %parallel_loop3A_562 = arith.andi %parallel_loop3A_558, %parallel_loop3A_561 : i32
      %parallel_loop3A_563 = arith.constant 16 : i32
      %parallel_loop3A_564 = arith.muli %parallel_loop3A_562, %parallel_loop3A_563 : i32
      %parallel_loop3A_565 = tpu.assume_multiple %parallel_loop3A_564, 16 : i32
      %parallel_loop3A_566 = arith.index_cast %parallel_loop3A_560 : i32 to index
      %parallel_loop3A_567 = arith.index_cast %parallel_loop3A_565 : i32 to index
      %parallel_loop3A_568 = tpu.vector_load %arg9[%parallel_loop3A_566, %parallel_loop3A_567] {strides = array<i32>} : memref<16x1024xf32, #tpu.memory_space<vmem>>, vector<1x16xf32>,
      %parallel_loop3A_569 = vector.shape_cast %parallel_loop3A_568 : vector<1x16xf32> to vector<16xf32>
      %parallel_loop3A_570 = arith.constant 3.125000e-02 : f32
      %parallel_loop3A_571 = vector.broadcast %parallel_loop3A_570 : f32 to vector<16xf32>
      %parallel_loop3A_572 = arith.mulf %parallel_loop3A_569, %parallel_loop3A_571 : vector<16xf32>
      %parallel_loop3A_573 = arith.index_cast %parallel_loop3A_560 : i32 to index
      %parallel_loop3A_574 = arith.index_cast %parallel_loop3A_565 : i32 to index
      %parallel_loop3A_575 = tpu.vector_load %arg9[%parallel_loop3A_573, %parallel_loop3A_574] {strides = array<i32>} : memref<16x1024xf32, #tpu.memory_space<vmem>>, vector<1x16xf32>,
      %parallel_loop3A_576 = vector.shape_cast %parallel_loop3A_575 : vector<1x16xf32> to vector<16xf32>
      %parallel_loop3A_577 = vector.shape_cast %parallel_loop3A_572 : vector<16xf32> to vector<1x16xf32>
      tpu.vector_store %arg9[%parallel_loop3A_573, %parallel_loop3A_574], %parallel_loop3A_577 {strides = array<i32>} : memref<16x1024xf32, #tpu.memory_space<vmem>>, vector<1x16xf32>,
    } {sc.loop_unroll_factor = 16 : i64, sc.parallel_access}
    %add3A_437 = arith.constant 384 : i32
    %add3A_438 = arith.addi %add3A_437, %add3A : i32
    %mul3A_439 = arith.constant 16 : i32
    %mul3A_440 = arith.muli %add3A_438, %mul3A_439 : i32
    %dma_start3A_441 = arith.constant 0 : i32
    %dma_start3A_442 = tpu.memref_slice %arg3[%mul3A_440, %dma_start3A_441] : memref<8192x1024xf32, #tpu.memory_space<hbm>> -> memref<16x1024xf32, #tpu.memory_space<hbm>>
    %dma_start3A_443 = arith.constant 0 : i32
    %dma_start3A_444 = tpu.memref_slice %arg3[%mul3A_440, %dma_start3A_443] : memref<8192x1024xf32, #tpu.memory_space<hbm>> -> memref<16x1024xf32, #tpu.memory_space<hbm>>
    tpu.enqueue_dma source(%arg9 : memref<16x1024xf32, #tpu.memory_space<vmem>>) target(%dma_start3A_444 : memref<16x1024xf32, #tpu.memory_space<hbm>>) target_semaphore(%arg23 : memref<!tpu.dma_semaphore, #tpu.memory_space<semaphore_mem>>)
    %add3A_445 = arith.constant 416 : i32
    %add3A_446 = arith.addi %add3A_445, %add3A : i32
    %mul3A_447 = arith.constant 16 : i32
    %mul3A_448 = arith.muli %add3A_446, %mul3A_447 : i32
    %dma_wait3A_449 = arith.constant 0 : i32
    %dma_wait3A_450 = tpu.memref_slice %arg2[%mul3A_448, %dma_wait3A_449] : memref<8192x1024xf32, #tpu.memory_space<hbm>> -> memref<16x1024xf32, #tpu.memory_space<hbm>>
    %dma_wait3A_451 = arith.constant 0 : i32
    %dma_wait3A_452 = tpu.memref_slice %arg2[%mul3A_448, %dma_wait3A_451] : memref<8192x1024xf32, #tpu.memory_space<hbm>> -> memref<16x1024xf32, #tpu.memory_space<hbm>>
    tpu.wait_dma2 semaphore(%arg17 : memref<!tpu.dma_semaphore, #tpu.memory_space<semaphore_mem>>) src(%dma_wait3A_452 : memref<16x1024xf32, #tpu.memory_space<hbm>>) dst(%arg10 : memref<16x1024xf32, #tpu.memory_space<vmem>>)
    %parallel_loop3A_453 = arith.constant 0 : i32
    %parallel_loop3A_454 = arith.constant 1024 : i32
    %parallel_loop3A_455 = arith.constant 1 : i32
    scf.for %parallel_loop3A_558 = %parallel_loop3A_453 to %parallel_loop3A_454 step %parallel_loop3A_455  : i32 {
      %parallel_loop3A_559 = arith.constant 6 : i32
      %parallel_loop3A_560 = arith.shrsi %parallel_loop3A_558, %parallel_loop3A_559 : i32
      %parallel_loop3A_561 = arith.constant 63 : i32
      %parallel_loop3A_562 = arith.andi %parallel_loop3A_558, %parallel_loop3A_561 : i32
      %parallel_loop3A_563 = arith.constant 16 : i32
      %parallel_loop3A_564 = arith.muli %parallel_loop3A_562, %parallel_loop3A_563 : i32
      %parallel_loop3A_565 = tpu.assume_multiple %parallel_loop3A_564, 16 : i32
      %parallel_loop3A_566 = arith.index_cast %parallel_loop3A_560 : i32 to index
      %parallel_loop3A_567 = arith.index_cast %parallel_loop3A_565 : i32 to index
      %parallel_loop3A_568 = tpu.vector_load %arg10[%parallel_loop3A_566, %parallel_loop3A_567] {strides = array<i32>} : memref<16x1024xf32, #tpu.memory_space<vmem>>, vector<1x16xf32>,
      %parallel_loop3A_569 = vector.shape_cast %parallel_loop3A_568 : vector<1x16xf32> to vector<16xf32>
      %parallel_loop3A_570 = arith.constant 3.125000e-02 : f32
      %parallel_loop3A_571 = vector.broadcast %parallel_loop3A_570 : f32 to vector<16xf32>
      %parallel_loop3A_572 = arith.mulf %parallel_loop3A_569, %parallel_loop3A_571 : vector<16xf32>
      %parallel_loop3A_573 = arith.index_cast %parallel_loop3A_560 : i32 to index
      %parallel_loop3A_574 = arith.index_cast %parallel_loop3A_565 : i32 to index
      %parallel_loop3A_575 = tpu.vector_load %arg10[%parallel_loop3A_573, %parallel_loop3A_574] {strides = array<i32>} : memref<16x1024xf32, #tpu.memory_space<vmem>>, vector<1x16xf32>,
      %parallel_loop3A_576 = vector.shape_cast %parallel_loop3A_575 : vector<1x16xf32> to vector<16xf32>
      %parallel_loop3A_577 = vector.shape_cast %parallel_loop3A_572 : vector<16xf32> to vector<1x16xf32>
      tpu.vector_store %arg10[%parallel_loop3A_573, %parallel_loop3A_574], %parallel_loop3A_577 {strides = array<i32>} : memref<16x1024xf32, #tpu.memory_space<vmem>>, vector<1x16xf32>,
    } {sc.loop_unroll_factor = 16 : i64, sc.parallel_access}
    %add3A_456 = arith.constant 416 : i32
    %add3A_457 = arith.addi %add3A_456, %add3A : i32
    %mul3A_458 = arith.constant 16 : i32
    %mul3A_459 = arith.muli %add3A_457, %mul3A_458 : i32
    %dma_start3A_460 = arith.constant 0 : i32
    %dma_start3A_461 = tpu.memref_slice %arg3[%mul3A_459, %dma_start3A_460] : memref<8192x1024xf32, #tpu.memory_space<hbm>> -> memref<16x1024xf32, #tpu.memory_space<hbm>>
    %dma_start3A_462 = arith.constant 0 : i32
    %dma_start3A_463 = tpu.memref_slice %arg3[%mul3A_459, %dma_start3A_462] : memref<8192x1024xf32, #tpu.memory_space<hbm>> -> memref<16x1024xf32, #tpu.memory_space<hbm>>
    tpu.enqueue_dma source(%arg10 : memref<16x1024xf32, #tpu.memory_space<vmem>>) target(%dma_start3A_463 : memref<16x1024xf32, #tpu.memory_space<hbm>>) target_semaphore(%arg24 : memref<!tpu.dma_semaphore, #tpu.memory_space<semaphore_mem>>)
    %add3A_464 = arith.constant 448 : i32
    %add3A_465 = arith.addi %add3A_464, %add3A : i32
    %mul3A_466 = arith.constant 16 : i32
    %mul3A_467 = arith.muli %add3A_465, %mul3A_466 : i32
    %dma_wait3A_468 = arith.constant 0 : i32
    %dma_wait3A_469 = tpu.memref_slice %arg2[%mul3A_467, %dma_wait3A_468] : memref<8192x1024xf32, #tpu.memory_space<hbm>> -> memref<16x1024xf32, #tpu.memory_space<hbm>>
    %dma_wait3A_470 = arith.constant 0 : i32
    %dma_wait3A_471 = tpu.memref_slice %arg2[%mul3A_467, %dma_wait3A_470] : memref<8192x1024xf32, #tpu.memory_space<hbm>> -> memref<16x1024xf32, #tpu.memory_space<hbm>>
    tpu.wait_dma2 semaphore(%arg11 : memref<!tpu.dma_semaphore, #tpu.memory_space<semaphore_mem>>) src(%dma_wait3A_471 : memref<16x1024xf32, #tpu.memory_space<hbm>>) dst(%arg4 : memref<16x1024xf32, #tpu.memory_space<vmem>>)
    %parallel_loop3A_472 = arith.constant 0 : i32
    %parallel_loop3A_473 = arith.constant 1024 : i32
    %parallel_loop3A_474 = arith.constant 1 : i32
    scf.for %parallel_loop3A_558 = %parallel_loop3A_472 to %parallel_loop3A_473 step %parallel_loop3A_474  : i32 {
      %parallel_loop3A_559 = arith.constant 6 : i32
      %parallel_loop3A_560 = arith.shrsi %parallel_loop3A_558, %parallel_loop3A_559 : i32
      %parallel_loop3A_561 = arith.constant 63 : i32
      %parallel_loop3A_562 = arith.andi %parallel_loop3A_558, %parallel_loop3A_561 : i32
      %parallel_loop3A_563 = arith.constant 16 : i32
      %parallel_loop3A_564 = arith.muli %parallel_loop3A_562, %parallel_loop3A_563 : i32
      %parallel_loop3A_565 = tpu.assume_multiple %parallel_loop3A_564, 16 : i32
      %parallel_loop3A_566 = arith.index_cast %parallel_loop3A_560 : i32 to index
      %parallel_loop3A_567 = arith.index_cast %parallel_loop3A_565 : i32 to index
      %parallel_loop3A_568 = tpu.vector_load %arg4[%parallel_loop3A_566, %parallel_loop3A_567] {strides = array<i32>} : memref<16x1024xf32, #tpu.memory_space<vmem>>, vector<1x16xf32>,
      %parallel_loop3A_569 = vector.shape_cast %parallel_loop3A_568 : vector<1x16xf32> to vector<16xf32>
      %parallel_loop3A_570 = arith.constant 3.125000e-02 : f32
      %parallel_loop3A_571 = vector.broadcast %parallel_loop3A_570 : f32 to vector<16xf32>
      %parallel_loop3A_572 = arith.mulf %parallel_loop3A_569, %parallel_loop3A_571 : vector<16xf32>
      %parallel_loop3A_573 = arith.index_cast %parallel_loop3A_560 : i32 to index
      %parallel_loop3A_574 = arith.index_cast %parallel_loop3A_565 : i32 to index
      %parallel_loop3A_575 = tpu.vector_load %arg4[%parallel_loop3A_573, %parallel_loop3A_574] {strides = array<i32>} : memref<16x1024xf32, #tpu.memory_space<vmem>>, vector<1x16xf32>,
      %parallel_loop3A_576 = vector.shape_cast %parallel_loop3A_575 : vector<1x16xf32> to vector<16xf32>
      %parallel_loop3A_577 = vector.shape_cast %parallel_loop3A_572 : vector<16xf32> to vector<1x16xf32>
      tpu.vector_store %arg4[%parallel_loop3A_573, %parallel_loop3A_574], %parallel_loop3A_577 {strides = array<i32>} : memref<16x1024xf32, #tpu.memory_space<vmem>>, vector<1x16xf32>,
    } {sc.loop_unroll_factor = 16 : i64, sc.parallel_access}
    %add3A_475 = arith.constant 448 : i32
    %add3A_476 = arith.addi %add3A_475, %add3A : i32
    %mul3A_477 = arith.constant 16 : i32
    %mul3A_478 = arith.muli %add3A_476, %mul3A_477 : i32
    %dma_start3A_479 = arith.constant 0 : i32
    %dma_start3A_480 = tpu.memref_slice %arg3[%mul3A_478, %dma_start3A_479] : memref<8192x1024xf32, #tpu.memory_space<hbm>> -> memref<16x1024xf32, #tpu.memory_space<hbm>>
    %dma_start3A_481 = arith.constant 0 : i32
    %dma_start3A_482 = tpu.memref_slice %arg3[%mul3A_478, %dma_start3A_481] : memref<8192x1024xf32, #tpu.memory_space<hbm>> -> memref<16x1024xf32, #tpu.memory_space<hbm>>
    tpu.enqueue_dma source(%arg4 : memref<16x1024xf32, #tpu.memory_space<vmem>>) target(%dma_start3A_482 : memref<16x1024xf32, #tpu.memory_space<hbm>>) target_semaphore(%arg18 : memref<!tpu.dma_semaphore, #tpu.memory_space<semaphore_mem>>)
    %add3A_483 = arith.constant 480 : i32
    %add3A_484 = arith.addi %add3A_483, %add3A : i32
    %mul3A_485 = arith.constant 16 : i32
    %mul3A_486 = arith.muli %add3A_484, %mul3A_485 : i32
    %dma_wait3A_487 = arith.constant 0 : i32
    %dma_wait3A_488 = tpu.memref_slice %arg2[%mul3A_486, %dma_wait3A_487] : memref<8192x1024xf32, #tpu.memory_space<hbm>> -> memref<16x1024xf32, #tpu.memory_space<hbm>>
    %dma_wait3A_489 = arith.constant 0 : i32
    %dma_wait3A_490 = tpu.memref_slice %arg2[%mul3A_486, %dma_wait3A_489] : memref<8192x1024xf32, #tpu.memory_space<hbm>> -> memref<16x1024xf32, #tpu.memory_space<hbm>>
    tpu.wait_dma2 semaphore(%arg12 : memref<!tpu.dma_semaphore, #tpu.memory_space<semaphore_mem>>) src(%dma_wait3A_490 : memref<16x1024xf32, #tpu.memory_space<hbm>>) dst(%arg5 : memref<16x1024xf32, #tpu.memory_space<vmem>>)
    %parallel_loop3A_491 = arith.constant 0 : i32
    %parallel_loop3A_492 = arith.constant 1024 : i32
    %parallel_loop3A_493 = arith.constant 1 : i32
    scf.for %parallel_loop3A_558 = %parallel_loop3A_491 to %parallel_loop3A_492 step %parallel_loop3A_493  : i32 {
      %parallel_loop3A_559 = arith.constant 6 : i32
      %parallel_loop3A_560 = arith.shrsi %parallel_loop3A_558, %parallel_loop3A_559 : i32
      %parallel_loop3A_561 = arith.constant 63 : i32
      %parallel_loop3A_562 = arith.andi %parallel_loop3A_558, %parallel_loop3A_561 : i32
      %parallel_loop3A_563 = arith.constant 16 : i32
      %parallel_loop3A_564 = arith.muli %parallel_loop3A_562, %parallel_loop3A_563 : i32
      %parallel_loop3A_565 = tpu.assume_multiple %parallel_loop3A_564, 16 : i32
      %parallel_loop3A_566 = arith.index_cast %parallel_loop3A_560 : i32 to index
      %parallel_loop3A_567 = arith.index_cast %parallel_loop3A_565 : i32 to index
      %parallel_loop3A_568 = tpu.vector_load %arg5[%parallel_loop3A_566, %parallel_loop3A_567] {strides = array<i32>} : memref<16x1024xf32, #tpu.memory_space<vmem>>, vector<1x16xf32>,
      %parallel_loop3A_569 = vector.shape_cast %parallel_loop3A_568 : vector<1x16xf32> to vector<16xf32>
      %parallel_loop3A_570 = arith.constant 3.125000e-02 : f32
      %parallel_loop3A_571 = vector.broadcast %parallel_loop3A_570 : f32 to vector<16xf32>
      %parallel_loop3A_572 = arith.mulf %parallel_loop3A_569, %parallel_loop3A_571 : vector<16xf32>
      %parallel_loop3A_573 = arith.index_cast %parallel_loop3A_560 : i32 to index
      %parallel_loop3A_574 = arith.index_cast %parallel_loop3A_565 : i32 to index
      %parallel_loop3A_575 = tpu.vector_load %arg5[%parallel_loop3A_573, %parallel_loop3A_574] {strides = array<i32>} : memref<16x1024xf32, #tpu.memory_space<vmem>>, vector<1x16xf32>,
      %parallel_loop3A_576 = vector.shape_cast %parallel_loop3A_575 : vector<1x16xf32> to vector<16xf32>
      %parallel_loop3A_577 = vector.shape_cast %parallel_loop3A_572 : vector<16xf32> to vector<1x16xf32>
      tpu.vector_store %arg5[%parallel_loop3A_573, %parallel_loop3A_574], %parallel_loop3A_577 {strides = array<i32>} : memref<16x1024xf32, #tpu.memory_space<vmem>>, vector<1x16xf32>,
    } {sc.loop_unroll_factor = 16 : i64, sc.parallel_access}
    %add3A_494 = arith.constant 480 : i32
    %add3A_495 = arith.addi %add3A_494, %add3A : i32
    %mul3A_496 = arith.constant 16 : i32
    %mul3A_497 = arith.muli %add3A_495, %mul3A_496 : i32
    %dma_start3A_498 = arith.constant 0 : i32
    %dma_start3A_499 = tpu.memref_slice %arg3[%mul3A_497, %dma_start3A_498] : memref<8192x1024xf32, #tpu.memory_space<hbm>> -> memref<16x1024xf32, #tpu.memory_space<hbm>>
    %dma_start3A_500 = arith.constant 0 : i32
    %dma_start3A_501 = tpu.memref_slice %arg3[%mul3A_497, %dma_start3A_500] : memref<8192x1024xf32, #tpu.memory_space<hbm>> -> memref<16x1024xf32, #tpu.memory_space<hbm>>
    tpu.enqueue_dma source(%arg5 : memref<16x1024xf32, #tpu.memory_space<vmem>>) target(%dma_start3A_501 : memref<16x1024xf32, #tpu.memory_space<hbm>>) target_semaphore(%arg19 : memref<!tpu.dma_semaphore, #tpu.memory_space<semaphore_mem>>)
    %add3A_502 = arith.constant 288 : i32
    %add3A_503 = arith.addi %add3A_502, %add3A : i32
    %mul3A_504 = arith.constant 16 : i32
    %mul3A_505 = arith.muli %add3A_503, %mul3A_504 : i32
    %dma_wait3A_506 = arith.constant 0 : i32
    %dma_wait3A_507 = tpu.memref_slice %arg3[%mul3A_505, %dma_wait3A_506] : memref<8192x1024xf32, #tpu.memory_space<hbm>> -> memref<16x1024xf32, #tpu.memory_space<hbm>>
    %dma_wait3A_508 = arith.constant 0 : i32
    %dma_wait3A_509 = tpu.memref_slice %arg3[%mul3A_505, %dma_wait3A_508] : memref<8192x1024xf32, #tpu.memory_space<hbm>> -> memref<16x1024xf32, #tpu.memory_space<hbm>>
    tpu.wait_dma2 semaphore(%arg20 : memref<!tpu.dma_semaphore, #tpu.memory_space<semaphore_mem>>) src(%arg6 : memref<16x1024xf32, #tpu.memory_space<vmem>>) dst(%dma_wait3A_509 : memref<16x1024xf32, #tpu.memory_space<hbm>>)
    %add3A_510 = arith.constant 320 : i32
    %add3A_511 = arith.addi %add3A_510, %add3A : i32
    %mul3A_512 = arith.constant 16 : i32
    %mul3A_513 = arith.muli %add3A_511, %mul3A_512 : i32
    %dma_wait3A_514 = arith.constant 0 : i32
    %dma_wait3A_515 = tpu.memref_slice %arg3[%mul3A_513, %dma_wait3A_514] : memref<8192x1024xf32, #tpu.memory_space<hbm>> -> memref<16x1024xf32, #tpu.memory_space<hbm>>
    %dma_wait3A_516 = arith.constant 0 : i32
    %dma_wait3A_517 = tpu.memref_slice %arg3[%mul3A_513, %dma_wait3A_516] : memref<8192x1024xf32, #tpu.memory_space<hbm>> -> memref<16x1024xf32, #tpu.memory_space<hbm>>
    tpu.wait_dma2 semaphore(%arg21 : memref<!tpu.dma_semaphore, #tpu.memory_space<semaphore_mem>>) src(%arg7 : memref<16x1024xf32, #tpu.memory_space<vmem>>) dst(%dma_wait3A_517 : memref<16x1024xf32, #tpu.memory_space<hbm>>)
    %add3A_518 = arith.constant 352 : i32
    %add3A_519 = arith.addi %add3A_518, %add3A : i32
    %mul3A_520 = arith.constant 16 : i32
    %mul3A_521 = arith.muli %add3A_519, %mul3A_520 : i32
    %dma_wait3A_522 = arith.constant 0 : i32
    %dma_wait3A_523 = tpu.memref_slice %arg3[%mul3A_521, %dma_wait3A_522] : memref<8192x1024xf32, #tpu.memory_space<hbm>> -> memref<16x1024xf32, #tpu.memory_space<hbm>>
    %dma_wait3A_524 = arith.constant 0 : i32
    %dma_wait3A_525 = tpu.memref_slice %arg3[%mul3A_521, %dma_wait3A_524] : memref<8192x1024xf32, #tpu.memory_space<hbm>> -> memref<16x1024xf32, #tpu.memory_space<hbm>>
    tpu.wait_dma2 semaphore(%arg22 : memref<!tpu.dma_semaphore, #tpu.memory_space<semaphore_mem>>) src(%arg8 : memref<16x1024xf32, #tpu.memory_space<vmem>>) dst(%dma_wait3A_525 : memref<16x1024xf32, #tpu.memory_space<hbm>>)
    %add3A_526 = arith.constant 384 : i32
    %add3A_527 = arith.addi %add3A_526, %add3A : i32
    %mul3A_528 = arith.constant 16 : i32
    %mul3A_529 = arith.muli %add3A_527, %mul3A_528 : i32
    %dma_wait3A_530 = arith.constant 0 : i32
    %dma_wait3A_531 = tpu.memref_slice %arg3[%mul3A_529, %dma_wait3A_530] : memref<8192x1024xf32, #tpu.memory_space<hbm>> -> memref<16x1024xf32, #tpu.memory_space<hbm>>
    %dma_wait3A_532 = arith.constant 0 : i32
    %dma_wait3A_533 = tpu.memref_slice %arg3[%mul3A_529, %dma_wait3A_532] : memref<8192x1024xf32, #tpu.memory_space<hbm>> -> memref<16x1024xf32, #tpu.memory_space<hbm>>
    tpu.wait_dma2 semaphore(%arg23 : memref<!tpu.dma_semaphore, #tpu.memory_space<semaphore_mem>>) src(%arg9 : memref<16x1024xf32, #tpu.memory_space<vmem>>) dst(%dma_wait3A_533 : memref<16x1024xf32, #tpu.memory_space<hbm>>)
    %add3A_534 = arith.constant 416 : i32
    %add3A_535 = arith.addi %add3A_534, %add3A : i32
    %mul3A_536 = arith.constant 16 : i32
    %mul3A_537 = arith.muli %add3A_535, %mul3A_536 : i32
    %dma_wait3A_538 = arith.constant 0 : i32
    %dma_wait3A_539 = tpu.memref_slice %arg3[%mul3A_537, %dma_wait3A_538] : memref<8192x1024xf32, #tpu.memory_space<hbm>> -> memref<16x1024xf32, #tpu.memory_space<hbm>>
    %dma_wait3A_540 = arith.constant 0 : i32
    %dma_wait3A_541 = tpu.memref_slice %arg3[%mul3A_537, %dma_wait3A_540] : memref<8192x1024xf32, #tpu.memory_space<hbm>> -> memref<16x1024xf32, #tpu.memory_space<hbm>>
    tpu.wait_dma2 semaphore(%arg24 : memref<!tpu.dma_semaphore, #tpu.memory_space<semaphore_mem>>) src(%arg10 : memref<16x1024xf32, #tpu.memory_space<vmem>>) dst(%dma_wait3A_541 : memref<16x1024xf32, #tpu.memory_space<hbm>>)
    %add3A_542 = arith.constant 448 : i32
    %add3A_543 = arith.addi %add3A_542, %add3A : i32
    %mul3A_544 = arith.constant 16 : i32
    %mul3A_545 = arith.muli %add3A_543, %mul3A_544 : i32
    %dma_wait3A_546 = arith.constant 0 : i32
    %dma_wait3A_547 = tpu.memref_slice %arg3[%mul3A_545, %dma_wait3A_546] : memref<8192x1024xf32, #tpu.memory_space<hbm>> -> memref<16x1024xf32, #tpu.memory_space<hbm>>
    %dma_wait3A_548 = arith.constant 0 : i32
    %dma_wait3A_549 = tpu.memref_slice %arg3[%mul3A_545, %dma_wait3A_548] : memref<8192x1024xf32, #tpu.memory_space<hbm>> -> memref<16x1024xf32, #tpu.memory_space<hbm>>
    tpu.wait_dma2 semaphore(%arg18 : memref<!tpu.dma_semaphore, #tpu.memory_space<semaphore_mem>>) src(%arg4 : memref<16x1024xf32, #tpu.memory_space<vmem>>) dst(%dma_wait3A_549 : memref<16x1024xf32, #tpu.memory_space<hbm>>)
    %add3A_550 = arith.constant 480 : i32
    %add3A_551 = arith.addi %add3A_550, %add3A : i32
    %mul3A_552 = arith.constant 16 : i32
    %mul3A_553 = arith.muli %add3A_551, %mul3A_552 : i32
    %dma_wait3A_554 = arith.constant 0 : i32
    %dma_wait3A_555 = tpu.memref_slice %arg3[%mul3A_553, %dma_wait3A_554] : memref<8192x1024xf32, #tpu.memory_space<hbm>> -> memref<16x1024xf32, #tpu.memory_space<hbm>>
    %dma_wait3A_556 = arith.constant 0 : i32
    %dma_wait3A_557 = tpu.memref_slice %arg3[%mul3A_553, %dma_wait3A_556] : memref<8192x1024xf32, #tpu.memory_space<hbm>> -> memref<16x1024xf32, #tpu.memory_space<hbm>>
    tpu.wait_dma2 semaphore(%arg19 : memref<!tpu.dma_semaphore, #tpu.memory_space<semaphore_mem>>) src(%arg5 : memref<16x1024xf32, #tpu.memory_space<vmem>>) dst(%dma_wait3A_557 : memref<16x1024xf32, #tpu.memory_space<hbm>>)
    return
  }
}

</mosaic_0001>

<sc_bundles>
// kernel: kernel.3.cloned.1.call-start
scs
__scs_entry_jumppad:
0x0: {  	(pc) =	sbr.rel $0x88, $3  }
0x1: {  	(tag) =	ssettag $0x0;
	lr =	simm.s32 $0x1  }
0x2: {  	[smem:$0x3FA0] =	sst lr;
	_ =	strace $0xD0000000  }
0x3: {  	_ = 	snop  }
0x4: {  	_ = 	snop  }
0x5: {  	_ = 	snop  }
0x6: {  	_ = 	snop  }
0x7: {  	_ = 	snop  }
__scs_overlays_trampoline_lowered:
0x8: {  	[smem:$0x3FAF] =	sst s0  }
0x9: {  	[smem:$0x3FB0] =	sst s1  }
0xa: {  	[smem:$0x3FB1] =	sst s2  }
0xb: {  	[smem:$0x3FB2] =	sst s3  }
0xc: {  	[smem:$0x3FB3] =	sst s4  }
0xd: {  	[smem:$0x3FB4] =	sst s5  }
0xe: {  	[smem:$0x3FB5] =	sst s6  }
0xf: {  	[smem:$0x3FB6] =	sst s7  }
0x10: {  	[smem:$0x3FB7] =	sst s8  }
0x11: {  	[smem:$0x3FB8] =	sst s9;
	s0 =	simm.s32 @!p0 $0x0  }
0x12: {  	s1 =	sld [smem:$0x3F9E];
	s0 =	simm.s32 @p0 $0x1  }
0x13: {  	[smem:$0x3FB9] =	sst s0;
	s0 =	simm.s32 @!p1 $0x0  }
0x14: {  	s2 =	sld [smem:$0x3F9D];
	s0 =	simm.s32 @p1 $0x1  }
0x15: {  	[smem:$0x3FBA] =	sst s0;
	s0 =	simm.s32 @!p2 $0x0  }
0x16: {  	s3 =	sld [smem:$0x3FDB];
	s0 =	simm.s32 @p2 $0x1  }
0x17: {  	s4 =	simm.s32 $0x1BF5;
	[smem:$0x3FBC] =	sst s0  }
0x18: {  	s0 =	sld [smem:$0x3F9F];
	_ =	swait.ge [sflag:s4], $0x0  }
0x19: {  	s7 =	sld [smem:$0x3FA0]  }
0x1a: {  	s8 =	sadd.s32 $0xFFFFE003, lr  }
0x1b: {  	s9 =	sadd.s32 $0xFFFFFEF7, lr;
	s5 =	simm.s32 $0xFFFFFFFF;
	p2 =	slt.u32 s8, $0xFFFFF086  }
0x1c: {  	p1 =	slt.u32 s9, $0xF7A;
	s5 =	simm.s32 @!p2 $0x0  }
0x1d: {  	s5 =	simm.s32 @p1 $0x1;
	p0 =	seq.s32 s7, s2  }
0x1e: {  	s7 =	smul.u32 @!p0 $0xF7A, s2;
	p2 =	seq.s32 @!p0 s5, $0x0  }
0x1f: {  	s9 =	smul.u32 $0xF7A, s1;
	s8 =	simm.s32 @!p0 $0x1BF5;
	p2 =	por !p2, p0  }
0x20: {  	[sflag:s8] =	ssyncset.s32 @!p0 $0xFFFFF086;
	s6 =	sadd.s32 @!p0 s3, s7;
	s7 =	simm.s32 @!p0 $0x108  }
0x21: {  	s3 =	sadd.s32 s3, s9;
	s6 =	sadd.s32 @!p0 $0x88, s6;
	s7 =	simm.s32 @p2 $0x1082  }
0x22: {  	[simem:s7], [sflag:s8] =	dma.local @!p0 [hbm:s6], $0xF7A  }
0x23: {  	s9 =	sor.u32 $0xD0000000, s2;
	s6 =	simm.s32 $0x108;
	_ =	swait.ge @!p0 [sflag:s8], $0x0  }
0x24: {  	s3 =	sadd.s32 $0x88, s3;
	s6 =	simm.s32 @!p1 $0x1082;
	[sflag:s4] =	ssyncset.s32 $0xFFFFF086  }
0x25: {  	[simem:s6], [sflag:s4] =	dma.local [hbm:s3], $0xF7A  }
0x26: {  	[smem:$0x3FA0] =	sst s1;
	(tag) =	ssettag s2;
	_ =	strace s9  }
0x27: {  	s1 =	sld [smem:$0x3FB0]  }
0x28: {  	s2 =	sld [smem:$0x3FB1]  }
0x29: {  	s4 =	sld [smem:$0x3FB3]  }
0x2a: {  	p0 =	seq.s32 s5, $0x0;
	s5 =	sld [smem:$0x3FB4]  }
0x2b: {  	s6 =	sld [smem:$0x3FB5]  }
0x2c: {  	s7 =	sld [smem:$0x3FB6]  }
0x2d: {  	s3 =	simm.s32 $0x108;
	s8 =	sld [smem:$0x3FB7]  }
0x2e: {  	s3 =	simm.s32 @!p0 $0x1082;
	s9 =	sld [smem:$0x3FB8]  }
0x2f: {  	lr =	sadd.s32 s0, s3;
	s0 =	sld [smem:$0x3FAF]  }
0x30: {  	s3 =	sld [smem:$0x3FB2]  }
0x31: {  	[smem:$0x3FBB] =	sst s10  }
0x32: {  	s10 =	sld [smem:$0x3FB9];
	_ =	sdelay $0x3  }
0x33: {  	p0 =	seq.s32 s10, $0x1;
	s10 =	sld [smem:$0x3FBB];
	_ =	sdelay $0x3  }
0x34: {  	[smem:$0x3FBB] =	sst s10  }
0x35: {  	s10 =	sld [smem:$0x3FBA];
	_ =	sdelay $0x3  }
0x36: {  	p1 =	seq.s32 s10, $0x1;
	s10 =	sld [smem:$0x3FBB];
	_ =	sdelay $0x3  }
0x37: {  	[smem:$0x3FBB] =	sst s10  }
0x38: {  	s10 =	sld [smem:$0x3FBC]  }
0x39: {  	_ = 	snop;
	(pc) =	sbr.ind lr, $3  }
0x3a: {  	_ = 	snop  }
0x3b: {  	_ = 	snop  }
0x3c: {  	p2 =	seq.s32 s10, $0x1;
	s10 =	sld [smem:$0x3FBB]  }
0x3d: {  	_ =	shalt  }
0x3e: {  	_ =	shalt  }
0x3f: {  	_ =	shalt  }
0x40: {  	_ =	shalt  }
0x41: {  	_ =	shalt  }
0x42: {  	_ =	shalt  }
0x43: {  	_ =	shalt  }
0x44: {  	_ =	shalt  }
0x45: {  	_ =	shalt  }
0x46: {  	_ =	shalt  }
0x47: {  	_ =	shalt  }
0x48: {  	_ =	shalt  }
0x49: {  	_ =	shalt  }
0x4a: {  	_ =	shalt  }
0x4b: {  	_ =	shalt  }
0x4c: {  	_ =	shalt  }
0x4d: {  	_ =	shalt  }
0x4e: {  	_ =	shalt  }
0x4f: {  	_ =	shalt  }
0x50: {  	_ =	shalt  }
0x51: {  	_ =	shalt  }
0x52: {  	_ =	shalt  }
0x53: {  	_ =	shalt  }
0x54: {  	_ =	shalt  }
0x55: {  	_ =	shalt  }
0x56: {  	_ =	shalt  }
0x57: {  	_ =	shalt  }
0x58: {  	_ =	shalt  }
0x59: {  	_ =	shalt  }
0x5a: {  	_ =	shalt  }
0x5b: {  	_ =	shalt  }
0x5c: {  	_ =	shalt  }
0x5d: {  	_ =	shalt  }
0x5e: {  	_ =	shalt  }
0x5f: {  	_ =	shalt  }
0x60: {  	_ =	shalt  }
0x61: {  	_ =	shalt  }
0x62: {  	_ =	shalt  }
0x63: {  	_ =	shalt  }
0x64: {  	_ =	shalt  }
0x65: {  	_ =	shalt  }
0x66: {  	_ =	shalt  }
0x67: {  	_ =	shalt  }
0x68: {  	_ =	shalt  }
0x69: {  	_ =	shalt  }
0x6a: {  	_ =	shalt  }
0x6b: {  	_ =	shalt  }
0x6c: {  	_ =	shalt  }
0x6d: {  	_ =	shalt  }
0x6e: {  	_ =	shalt  }
0x6f: {  	_ =	shalt  }
0x70: {  	_ =	shalt  }
0x71: {  	_ =	shalt  }
0x72: {  	_ =	shalt  }
0x73: {  	_ =	shalt  }
0x74: {  	_ =	shalt  }
0x75: {  	_ =	shalt  }
0x76: {  	_ =	shalt  }
0x77: {  	_ =	shalt  }
0x78: {  	_ =	shalt  }
0x79: {  	_ =	shalt  }
0x7a: {  	_ =	shalt  }
0x7b: {  	_ =	shalt  }
0x7c: {  	_ =	shalt  }
0x7d: {  	_ =	shalt  }
0x7e: {  	_ =	shalt  }
0x7f: {  	_ =	shalt  }
0x80: {  	_ =	shalt  }
0x81: {  	_ =	shalt  }
0x82: {  	_ =	shalt  }
0x83: {  	_ =	shalt  }
0x84: {  	_ =	shalt  }
0x85: {  	_ =	shalt  }
0x86: {  	_ =	shalt  }
0x87: {  	_ =	shalt  }
.Lfunc_end0:
.L_simem_size_0:
called_computation_lowered:
.L_overlay_start_0:
0x88: {  	s2 =	sld [smem:$0x3FD9]  }
0x89: {  	s3 =	sld [smem:$0x3FFE];
	_ =	sdelay $0x1  }
0x8a: {  	s1 =	srdreg.scid  }
0x8b: {  	s0 =	sand.u32 $0x1, s1  }
0x8c: {  	s18 =	sshll.u32 s0, $0xA;
	s2 =	sadd.s32 s3, s2  }
0x8d: {  	s2 =	sadd.s32 s2, s18  }
0x8e: {  	[smem:$0x3FC7] =	sst s2  }
0x8f: {  	_ = 	snop  }
0x90: {  	s2 =	sld [smem:$0x3FC9]  }
0x91: {  	s19 =	sld [smem:$0x3FD0];
	(tm) =	ssettm $0x1  }
0x92: {  	s4 =	sld [smem:$0x3FFB];
	_ =	sdelay $0x3  }
0x93: {  	_ =	strace s4  }
0x94: {  	s4 =	sld [smem:$0x3FFC];
	_ =	sdelay $0x3  }
0x95: {  	_ =	strace s4  }
0x96: {  	s4 =	sld [smem:$0x3FFD];
	_ =	sdelay $0x3  }
0x97: {  	_ =	strace s4  }
0x98: {  	_ =	strace $0x8FFFFFFF  }
0x99: {  	s20 =	sld [smem:$0x3FDB];
	_ =	sdelay $0x1  }
0x9a: {  	s5 =	simm.s32 $_scs_section_size  }
0x9b: {  	s6 =	simm.s32 $_size__tile_overlayer_lowered;
	s7 =	simm.s32 $_tile_overlayer_lowered  }
0x9c: {  	s23 =	simm.s32 $0x1BFF;
	s22 =	sshll.u32 s7, $0x1;
	s4 =	sadd.s32 s5, s20  }
0x9d: {  	s8 =	simm.s32 $0x0;
	s21 =	sshll.u32 s6, $0x1;
	s6 =	sadd.s32 s22, s4  }
0x9e: {  	[timem:s8], [sflag:s23] =	dma.local [hbm:s6], s21  }
0x9f: {  	_ =	swait.ge [sflag:s23], s21  }
0xa0: {  	s5 =	ssub.s32 $0x0, s21;
	[sflag:s23] =	ssyncset.done $0x0  }
0xa1: {  	[sflag:s23] =	ssyncadd.s32 s5;
	_ =	sdelay $0x1  }
0xa2: {  	s24 =	simm.s32 $0x1B8B  }
0xa3: {  	_ =	swait.ge [sflag:s24], $0x1  }
0xa4: {  	[sflag:s24] =	ssyncset.done $0x0  }
0xa5: {  	s25 =	simm.s32 $0x1B8E;
	[sflag:s24] =	ssyncadd.s32 $0xFFFFFFFF  }
0xa6: {  	s26 =	simm.s32 $execute0_lowered;
	[smem:$0x3FD2] =	sst s25  }
0xa7: {  	s5 =	sshll.u32 s26, $0x1;
	_ =	strace $0x80000046;
	[dreg:$0x1] =	wrdreg $0xFFFFFFFF  }
0xa8: {  	s28 =	simm.s32 $_size_execute0_lowered;
	s4 =	sadd.s32 s4, s5;
	[dreg:$0x0] =	wrdreg $0x0  }
0xa9: {  	s5 =	sshll.u32 s28, $0x1;
	[dreg:$0x2] =	wrdreg s4  }
0xaa: {  	[dreg:$0x3] =	wrdreg s5  }
0xab: {  	[dreg:$0x4] =	wrdreg $0xC0  }
0xac: {  	_ =	task [dreg:s8], $0x5FFFF  }
0xad: {  	[dreg:$0x1] =	wrdreg $0xFFFFFFFF  }
0xae: {  	[dreg:$0x0] =	wrdreg $0x60  }
0xaf: {  	[dreg:$0x2] =	wrdreg s2  }
0xb0: {  	[dreg:$0x3] =	wrdreg s19  }
0xb1: {  	[dreg:$0x4] =	wrdreg $0x9  }
0xb2: {  	_ =	task.clear_ibuf [dreg:s8], $0x5FFFF;
	_ =	strace $0x90000046  }
0xb3: {  	s29 =	simm.s32 $0x9;
	_ =	strace $0x80000048  }
0xb4: {  	_ =	swait.ge [sflag:s29], $0x1  }
0xb5: {  	[sflag:s29] =	ssyncadd.s32 $0xFFFFFFFF  }
0xb6: {  	_ =	strace $0x90000048  }
0xb7: {  	_ =	sfence  }
0xb8: {  	s30 =	sld [smem:$0x0];
	_ =	sdelay $0x2  }
0xb9: {  	s31 =	sshll.u32 s1, $0xD;
	s1 =	sshrl.u32 s1, $0x2  }
0xba: {  	s3 =	sand.u32 $0x4000, s31;
	s1 =	sadd.s32 s1, s30  }
0xbb: {  	s0 =	sor.u32 s3, s0;
	s1 =	sshll.u32 s1, $0x11  }
0xbc: {  	s0 =	sor.u32 s1, s0  }
0xbd: {  	s0 =	sadd.s32 $0x8F2B, s0  }
0xbe: {  	[sflag:s0] =	ssyncadd.remote.s32 $0x1  }
0xbf: {  	_ =	sfence.sel $0xFFFF  }
0xc0: {  	[dreg:$0x0] =	wrdreg $0xFFFFFFFF;
	(pc) =	sbr.abs _section_cstart, $3  }
0xc1: {  	[dreg:$0x1] =	wrdreg $0xFFFFFFFF  }
0xc2: {  	_ =	task.clear_ibuf [dreg:s8], $0x2FFFF;
	_ =	strace $0x9FFFFFFF  }
0xc3: {  	(tm) =	ssettm $0x7FFFFFFF  }
tec
execute0_lowered:
.L_overlay_start_1:
0x0: {  	(tag) =	ssettag $0x1  }
0x1: {  	s0 =	rddreg [dreg:$0x0];
	s2 =	srdreg.scid  }
0x2: {  	s3 =	rddreg [dreg:$0x1];
	s5 =	stileid.u32;
	s2 =	sand.u32 $0x1, s2  }
0x3: {  	s5 =	sshll.u32 s5, $0xC;
	s4 =	ssub.s32 $0x2, s2;
	s2 =	sshll.u32 s2, $0xB  }
0x4: {  	s1 =	simm.s32 $0x0;
	s6 =	sshrl.u32 s4, $0x1;
	s2 =	sor.u32 s2, s5  }
0x5: {  	[smem:$0x7FF] =	sst s1;
	s4 =	ssub.s32 s4, s6;
	s5 =	sadd.s32 s0, s2  }
0x6: {  	s16 =	sor.u32 $0x10000, s2;
	s18 =	sor.u32 $0x20000, s2;
	s7 =	sor.u32 $0x30000, s2  }
0x7: {  	s20 =	sor.u32 $0x40000, s2;
	s12 =	sadd.s32 s3, s2;
	[dreg:$0x3] =	wrdreg s5  }
0x8: {  	s21 =	sor.u32 $0x50000, s2;
	s17 =	sadd.s32 s0, s16;
	[dreg:$0xa] =	wrdreg s12  }
0x9: {  	s10 =	sor.u32 $0x60000, s2;
	s8 =	sadd.s32 s0, s18;
	[dreg:$0x4] =	wrdreg s17  }
0xa: {  	s23 =	sor.u32 $0x70000, s2;
	s19 =	sadd.s32 s0, s7;
	[dreg:$0x5] =	wrdreg s8  }
0xb: {  	s25 =	sor.u32 $0x80000, s2;
	s9 =	sadd.s32 s0, s20;
	[dreg:$0x6] =	wrdreg s19  }
0xc: {  	s29 =	sor.u32 $0x90000, s2;
	s11 =	sadd.s32 s0, s21;
	[dreg:$0x7] =	wrdreg s9  }
0xd: {  	s31 =	sor.u32 $0xA0000, s2;
	s22 =	sadd.s32 s0, s10;
	[dreg:$0x8] =	wrdreg s11  }
0xe: {  	s15 =	sor.u32 $0xB0000, s2;
	s24 =	sadd.s32 s0, s23;
	[dreg:$0x9] =	wrdreg s22  }
0xf: {  	s6 =	simm.s32 $0x8000;
	s5 =	sadd.s32 s3, s16;
	[dreg:$0xb] =	wrdreg s24  }
0x10: {  	s26 =	sadd.s32 s0, s25;
	s28 =	sadd.s32 s3, s18;
	[dreg:$0xc] =	wrdreg s5  }
0x11: {  	s30 =	sadd.s32 s3, s7;
	s10 =	sadd.s32 s3, s10;
	[dreg:$0xd] =	wrdreg s26  }
0x12: {  	s13 =	sadd.s32 s3, s23;
	s14 =	sadd.s32 s3, s25;
	[dreg:$0xe] =	wrdreg s28  }
0x13: {  	s16 =	sor.u32 $0xC0000, s2;
	s18 =	sor.u32 $0xE0000, s2;
	[dreg:$0xf] =	wrdreg s30  }
0x14: {  	s4 =	smax.u32 s4, $0x1;
	s7 =	simm.s32 $0xC000;
	[dreg:$0x12] =	wrdreg s10  }
0x15: {  	s12 =	simm.s32 $0x2;
	s8 =	sadd.s32 s3, s20;
	[dreg:$0x13] =	wrdreg s13  }
0x16: {  	s9 =	sadd.s32 s3, s21;
	[dreg:$0x14] =	wrdreg s14;
	s17 =	sor.u32 $0xD0000, s2  }
0x17: {  	s19 =	sor.u32 $0xF0000, s2;
	s20 =	sadd.s32 s0, s29;
	[dreg:$0x10] =	wrdreg s8  }
0x18: {  	s21 =	sadd.s32 s0, s31;
	s22 =	sadd.s32 s0, s15;
	[dreg:$0x11] =	wrdreg s9  }
0x19: {  	s23 =	sadd.s32 s0, s16;
	s25 =	sadd.s32 s0, s18;
	[dreg:$0x15] =	wrdreg s20  }
0x1a: {  	s26 =	sadd.s32 s3, s29;
	s28 =	sadd.s32 s3, s31;
	[dreg:$0x16] =	wrdreg s21  }
0x1b: {  	s29 =	sadd.s32 s3, s15;
	s30 =	sadd.s32 s3, s16;
	[dreg:$0x17] =	wrdreg s22  }
0x1c: {  	s2 =	sadd.s32 s3, s18;
	s5 =	simm.s32 $0x4000;
	[dreg:$0x18] =	wrdreg s23  }
0x1d: {  	s10 =	simm.s32 $0x1;
	s11 =	simm.s32 $0x18000;
	[dreg:$0x1a] =	wrdreg s25  }
0x1e: {  	s13 =	simm.s32 $0x8;
	s14 =	simm.s32 $0x3;
	[dreg:$0x1c] =	wrdreg s26  }
0x1f: {  	s15 =	simm.s32 $0x9;
	s16 =	simm.s32 $0x4;
	[dreg:$0x1d] =	wrdreg s28  }
0x20: {  	s18 =	simm.s32 $0x5;
	s24 =	sadd.s32 s0, s17;
	[dreg:$0x1e] =	wrdreg s29  }
0x21: {  	s0 =	sadd.s32 s0, s19;
	[dreg:$0x1f] =	wrdreg s30;
	s31 =	sadd.s32 s3, s17  }
0x22: {  	s3 =	sadd.s32 s3, s19;
	s8 =	simm.s32 $0x10000;
	s9 =	simm.s32 $0x14000  }
0x23: {  	s17 =	simm.s32 $0xA;
	s19 =	simm.s32 $0xB;
	[dreg:$0x19] =	wrdreg s24  }
0x24: {  	s20 =	simm.s32 $0x6;
	s21 =	simm.s32 $0xC;
	[dreg:$0x1b] =	wrdreg s0  }
0x25: {  	s22 =	simm.s32 $0x7;
	s23 =	simm.s32 $0xD;
	[smem:$0x7FD] =	sst s31  }
0x26: {  	s25 =	simm.s32 $0x0;
	s24 =	simm.s32 $0xE;
	_ =	strace $0x80000047  }
.LBB2_1:
0x27: {  	s0 =	rddreg [dreg:$0x3]  }
0x28: {  	[tilespmem:s1], [sflag:$0x1] =	stream.linear.gather [hbm4b:s0+s1], $0x4000, $0x38;
	[tilespmem:$0x1C000] =	vst v63  }
0x29: {  	s26 =	rddreg [dreg:$0x4]  }
0x2a: {  	[tilespmem:s5], [sflag:$0x2] =	stream.linear.gather [hbm4b:s26+s1], $0x4000, $0x38;
	[tilespmem:$0x1C000] =	vst v63  }
0x2b: {  	s28 =	rddreg [dreg:$0x5]  }
0x2c: {  	[tilespmem:s6], [sflag:$0x3] =	stream.linear.gather [hbm4b:s28+s1], $0x4000, $0x38;
	[tilespmem:$0x1C000] =	vst v63  }
0x2d: {  	s31 =	rddreg [dreg:$0x6]  }
0x2e: {  	[tilespmem:s7], [sflag:$0x4] =	stream.linear.gather [hbm4b:s31+s1], $0x4000, $0x38;
	[tilespmem:$0x1C000] =	vst v63  }
0x2f: {  	s26 =	rddreg [dreg:$0x7]  }
0x30: {  	[tilespmem:s8], [sflag:$0x5] =	stream.linear.gather [hbm4b:s26+s1], $0x4000, $0x38;
	[tilespmem:$0x1C000] =	vst v63  }
0x31: {  	s29 =	sand.u32 $0x1800, s1;
	s28 =	rddreg [dreg:$0x8];
	s26 =	simm.s32 $0x0  }
0x32: {  	[tilespmem:s9], [sflag:$0x6] =	stream.linear.gather [hbm4b:s28+s1], $0x4000, $0x38;
	[tilespmem:$0x1C000] =	vst v63  }
0x33: {  	s30 =	simm.s32 $0x0;
	s26 =	sand.u32 $0x2000, s26;
	_ =	swait.ge [sflag:s10], $0x4000  }
0x34: {  	s30 =	sand.u32 $0x380, s30;
	s26 =	sor.u32 s29, s26;
	[sflag:s10] =	ssyncset.done $0x0  }
0x35: {  	s26 =	sor.u32 s30, s26;
	s31 =	rddreg [dreg:$0x9];
	[sflag:s10] =	ssyncadd.s32 $0xFFFFC000  }
0x36: {  	[tilespmem:s11], [sflag:$0x7] =	stream.linear.gather [hbm4b:s31+s1], $0x4000, $0x38;
	[tilespmem:$0x1C000] =	vst v63  }
0x37: {  	v0 =	vld [tilespmem:s26+$0x470]  }
0x38: {  	v1 =	vld [tilespmem:s26+$0x0]  }
0x39: {  	v2 =	vld [tilespmem:s26+$0x10]  }
0x3a: {  	v5 =	vld [tilespmem:s26+$0x20]  }
0x3b: {  	v6 =	vld [tilespmem:s26+$0x30]  }
0x3c: {  	v7 =	vld [tilespmem:s26+$0x40];
	v0 =	vmul.f32 $3.125000000e-02, v0  }
0x3d: {  	v4 =	vld [tilespmem:s26+$0x50];
	v1 =	vmul.f32 $3.125000000e-02, v1  }
0x3e: {  	v3 =	vld [tilespmem:s26+$0x60];
	v8 =	vmul.f32 $3.125000000e-02, v2;
	[tilespmem:s26+$0x470] =	vst v0  }
0x3f: {  	v2 =	vld [tilespmem:s26+$0x70];
	[tilespmem:s26+$0x0] =	vst v1;
	v1 =	vmul.f32 $3.125000000e-02, v5  }
0x40: {  	v6 =	vmul.f32 $3.125000000e-02, v6;
	[tilespmem:s26+$0x10] =	vst v8;
	v0 =	vld [tilespmem:s26+$0x400]  }
0x41: {  	s29 =	simm.s32 $0x0;
	s30 =	simm.s32 $0x0;
	v5 =	vmul.f32 $3.125000000e-02, v7;
	[tilespmem:s26+$0x20] =	vst v1;
	v1 =	vld [tilespmem:s26+$0x410]  }
.LBB2_2:
0x42: {  	s29 =	sadd.s32 $0x10, s29;
	[tilespmem:s26+$0x30] =	vst v6;
	v4 =	vmul.f32 $3.125000000e-02, v4;
	v6 =	vld [tilespmem:s26+$0x420]  }
0x43: {  	s30 =	sadd.s32 $0x800, s30;
	s31 =	sshll.u32 s29, $0x4;
	p0 =	slt.u32 s29, $0x3F0;
	[tilespmem:s26+$0x40] =	vst v5;
	v3 =	vmul.f32 $3.125000000e-02, v3;
	v5 =	vld [tilespmem:s26+$0x430]  }
0x44: {  	s28 =	sand.u32 $0x1800, s30;
	s0 =	sshll.u32 s29, $0x1;
	s31 =	sand.u32 $0x2000, s31;
	[tilespmem:s26+$0x50] =	vst v4;
	v2 =	vmul.f32 $3.125000000e-02, v2;
	v4 =	vld [tilespmem:s26+$0x440]  }
0x45: {  	s0 =	sand.u32 $0x380, s0;
	s28 =	sor.u32 s28, s31;
	[tilespmem:s26+$0x60] =	vst v3;
	v0 =	vmul.f32 $3.125000000e-02, v0;
	v3 =	vld [tilespmem:s26+$0x450]  }
0x46: {  	s0 =	sor.u32 s0, s28;
	[tilespmem:s26+$0x70] =	vst v2;
	v1 =	vmul.f32 $3.125000000e-02, v1;
	v2 =	vld [tilespmem:s26+$0x460]  }
0x47: {  	v7 =	vld [tilespmem:s0+$0x470];
	[tilespmem:s26+$0x400] =	vst v0;
	v0 =	vmul.f32 $3.125000000e-02, v6  }
0x48: {  	v6 =	vld [tilespmem:s0+$0x0];
	[tilespmem:s26+$0x410] =	vst v1;
	v1 =	vmul.f32 $3.125000000e-02, v5  }
0x49: {  	v5 =	vld [tilespmem:s0+$0x10];
	[tilespmem:s26+$0x420] =	vst v0;
	v0 =	vmul.f32 $3.125000000e-02, v4  }
0x4a: {  	v8 =	vld [tilespmem:s0+$0x20];
	[tilespmem:s26+$0x430] =	vst v1;
	v1 =	vmul.f32 $3.125000000e-02, v3  }
0x4b: {  	v9 =	vld [tilespmem:s0+$0x30];
	[tilespmem:s26+$0x440] =	vst v0;
	v0 =	vmul.f32 $3.125000000e-02, v2  }
0x4c: {  	v10 =	vld [tilespmem:s0+$0x40];
	v2 =	vmul.f32 $3.125000000e-02, v7;
	[tilespmem:s26+$0x450] =	vst v1  }
.Ltmp0:
0x4d: {  	v1 =	vmul.f32 $3.125000000e-02, v6;
	v4 =	vld [tilespmem:s0+$0x50];
	[tilespmem:s26+$0x460] =	vst v0;
	s26 =	smov.u32 s0;
	(pc) =	sbr.rel @p0 .LBB2_2-.Ltmp0, $4  }
0x4e: {  	v0 =	vmul.f32 $3.125000000e-02, v5;
	v3 =	vld [tilespmem:s26+$0x60];
	[tilespmem:s26+$0x470] =	vst v2  }
0x4f: {  	[tilespmem:s26+$0x0] =	vst v1;
	v1 =	vmul.f32 $3.125000000e-02, v8;
	v2 =	vld [tilespmem:s26+$0x70]  }
0x50: {  	[tilespmem:s26+$0x10] =	vst v0;
	v6 =	vmul.f32 $3.125000000e-02, v9;
	v0 =	vld [tilespmem:s26+$0x400]  }
0x51: {  	[tilespmem:s26+$0x20] =	vst v1;
	v5 =	vmul.f32 $3.125000000e-02, v10;
	v1 =	vld [tilespmem:s26+$0x410]  }
0x52: {  	[tilespmem:s26+$0x30] =	vst v6;
	v4 =	vmul.f32 $3.125000000e-02, v4;
	v6 =	vld [tilespmem:s26+$0x420]  }
0x53: {  	[tilespmem:s26+$0x40] =	vst v5;
	v3 =	vmul.f32 $3.125000000e-02, v3;
	v5 =	vld [tilespmem:s26+$0x430]  }
0x54: {  	[tilespmem:s26+$0x50] =	vst v4;
	v2 =	vmul.f32 $3.125000000e-02, v2;
	v4 =	vld [tilespmem:s26+$0x440]  }
0x55: {  	[tilespmem:s26+$0x60] =	vst v3;
	v0 =	vmul.f32 $3.125000000e-02, v0;
	v3 =	vld [tilespmem:s26+$0x450]  }
0x56: {  	[tilespmem:s26+$0x70] =	vst v2;
	v1 =	vmul.f32 $3.125000000e-02, v1;
	v2 =	vld [tilespmem:s26+$0x460]  }
0x57: {  	[tilespmem:s26+$0x400] =	vst v0;
	v0 =	vmul.f32 $3.125000000e-02, v6  }
0x58: {  	[tilespmem:s26+$0x410] =	vst v1;
	v1 =	vmul.f32 $3.125000000e-02, v5  }
0x59: {  	[tilespmem:s26+$0x420] =	vst v0;
	v0 =	vmul.f32 $3.125000000e-02, v4  }
0x5a: {  	[tilespmem:s26+$0x430] =	vst v1;
	v1 =	vmul.f32 $3.125000000e-02, v3  }
0x5b: {  	[tilespmem:s26+$0x440] =	vst v0;
	v0 =	vmul.f32 $3.125000000e-02, v2  }
0x5c: {  	[tilespmem:s26+$0x450] =	vst v1  }
0x5d: {  	[tilespmem:s26+$0x460] =	vst v0  }
0x5e: {  	s29 =	simm.s32 $0x0;
	s0 =	rddreg [dreg:$0xa]  }
0x5f: {  	[hbm4b:s0+s29] =	stream.linear.scatter [tilespmem:s29], [sflag:$0x8], $0x4000, $0x38;
	[tilespmem:$0x1C000] =	vst v63  }
0x60: {  	_ =	swait.ge [sflag:s12], $0x4000  }
0x61: {  	[sflag:s12] =	ssyncset.done $0x0  }
0x62: {  	s28 =	simm.s32 $0x0;
	[sflag:s12] =	ssyncadd.s32 $0xFFFFC000  }
0x63: {  	s0 =	sand.u32 $0x2000, s28;
	s28 =	simm.s32 $0x0;
	_ =	swait.ge [sflag:s13], $0x4000  }
0x64: {  	s31 =	sand.u32 $0x1800, s29;
	s28 =	sand.u32 $0x380, s28;
	[sflag:s13] =	ssyncset.done $0x0  }
0x65: {  	s0 =	sor.u32 s31, s0;
	s26 =	rddreg [dreg:$0xb];
	[sflag:s13] =	ssyncadd.s32 $0xFFFFC000  }
0x66: {  	[tilespmem:s29], [sflag:$0x1] =	stream.linear.gather [hbm4b:s26+s29], $0x4000, $0x38;
	[tilespmem:$0x1C000] =	vst v63  }
0x67: {  	s26 =	sor.u32 s28, s0  }
0x68: {  	v0 =	vld [tilespmem:s26+$0x4470]  }
0x69: {  	v1 =	vld [tilespmem:s26+$0x4000]  }
0x6a: {  	v2 =	vld [tilespmem:s26+$0x4010]  }
0x6b: {  	v5 =	vld [tilespmem:s26+$0x4020]  }
0x6c: {  	v6 =	vld [tilespmem:s26+$0x4030]  }
0x6d: {  	v7 =	vld [tilespmem:s26+$0x4040];
	v0 =	vmul.f32 $3.125000000e-02, v0  }
0x6e: {  	v4 =	vld [tilespmem:s26+$0x4050];
	v1 =	vmul.f32 $3.125000000e-02, v1  }
0x6f: {  	v3 =	vld [tilespmem:s26+$0x4060];
	v8 =	vmul.f32 $3.125000000e-02, v2;
	[tilespmem:s26+$0x4470] =	vst v0  }
0x70: {  	v2 =	vld [tilespmem:s26+$0x4070];
	[tilespmem:s26+$0x4000] =	vst v1;
	v1 =	vmul.f32 $3.125000000e-02, v5  }
0x71: {  	v6 =	vmul.f32 $3.125000000e-02, v6;
	[tilespmem:s26+$0x4010] =	vst v8;
	v0 =	vld [tilespmem:s26+$0x4400]  }
0x72: {  	s30 =	simm.s32 $0x0;
	v5 =	vmul.f32 $3.125000000e-02, v7;
	[tilespmem:s26+$0x4020] =	vst v1;
	v1 =	vld [tilespmem:s26+$0x4410]  }
.LBB2_4:
0x73: {  	s30 =	sadd.s32 $0x10, s30;
	[tilespmem:s26+$0x4030] =	vst v6;
	v4 =	vmul.f32 $3.125000000e-02, v4;
	v6 =	vld [tilespmem:s26+$0x4420]  }
0x74: {  	s29 =	sadd.s32 $0x800, s29;
	s0 =	sshll.u32 s30, $0x4;
	p0 =	slt.u32 s30, $0x3F0;
	[tilespmem:s26+$0x4040] =	vst v5;
	v3 =	vmul.f32 $3.125000000e-02, v3;
	v5 =	vld [tilespmem:s26+$0x4430]  }
0x75: {  	s28 =	sand.u32 $0x1800, s29;
	s31 =	sshll.u32 s30, $0x1;
	s0 =	sand.u32 $0x2000, s0;
	[tilespmem:s26+$0x4050] =	vst v4;
	v2 =	vmul.f32 $3.125000000e-02, v2;
	v4 =	vld [tilespmem:s26+$0x4440]  }
0x76: {  	s31 =	sand.u32 $0x380, s31;
	s0 =	sor.u32 s28, s0;
	[tilespmem:s26+$0x4060] =	vst v3;
	v0 =	vmul.f32 $3.125000000e-02, v0;
	v3 =	vld [tilespmem:s26+$0x4450]  }
0x77: {  	s0 =	sor.u32 s31, s0;
	[tilespmem:s26+$0x4070] =	vst v2;
	v1 =	vmul.f32 $3.125000000e-02, v1;
	v2 =	vld [tilespmem:s26+$0x4460]  }
0x78: {  	v7 =	vld [tilespmem:s0+$0x4470];
	[tilespmem:s26+$0x4400] =	vst v0;
	v0 =	vmul.f32 $3.125000000e-02, v6  }
0x79: {  	v6 =	vld [tilespmem:s0+$0x4000];
	[tilespmem:s26+$0x4410] =	vst v1;
	v1 =	vmul.f32 $3.125000000e-02, v5  }
0x7a: {  	v5 =	vld [tilespmem:s0+$0x4010];
	[tilespmem:s26+$0x4420] =	vst v0;
	v0 =	vmul.f32 $3.125000000e-02, v4  }
0x7b: {  	v8 =	vld [tilespmem:s0+$0x4020];
	[tilespmem:s26+$0x4430] =	vst v1;
	v1 =	vmul.f32 $3.125000000e-02, v3  }
0x7c: {  	v9 =	vld [tilespmem:s0+$0x4030];
	[tilespmem:s26+$0x4440] =	vst v0;
	v0 =	vmul.f32 $3.125000000e-02, v2  }
0x7d: {  	v10 =	vld [tilespmem:s0+$0x4040];
	v2 =	vmul.f32 $3.125000000e-02, v7;
	[tilespmem:s26+$0x4450] =	vst v1  }
.Ltmp1:
0x7e: {  	v1 =	vmul.f32 $3.125000000e-02, v6;
	v4 =	vld [tilespmem:s0+$0x4050];
	[tilespmem:s26+$0x4460] =	vst v0;
	s26 =	smov.u32 s0;
	(pc) =	sbr.rel @p0 .LBB2_4-.Ltmp1, $4  }
0x7f: {  	v0 =	vmul.f32 $3.125000000e-02, v5;
	v3 =	vld [tilespmem:s26+$0x4060];
	[tilespmem:s26+$0x4470] =	vst v2  }
0x80: {  	[tilespmem:s26+$0x4000] =	vst v1;
	v1 =	vmul.f32 $3.125000000e-02, v8;
	v2 =	vld [tilespmem:s26+$0x4070]  }
0x81: {  	[tilespmem:s26+$0x4010] =	vst v0;
	v6 =	vmul.f32 $3.125000000e-02, v9;
	v0 =	vld [tilespmem:s26+$0x4400]  }
0x82: {  	[tilespmem:s26+$0x4020] =	vst v1;
	v5 =	vmul.f32 $3.125000000e-02, v10;
	v1 =	vld [tilespmem:s26+$0x4410]  }
0x83: {  	[tilespmem:s26+$0x4030] =	vst v6;
	v4 =	vmul.f32 $3.125000000e-02, v4;
	v6 =	vld [tilespmem:s26+$0x4420]  }
0x84: {  	[tilespmem:s26+$0x4040] =	vst v5;
	v3 =	vmul.f32 $3.125000000e-02, v3;
	v5 =	vld [tilespmem:s26+$0x4430]  }
0x85: {  	[tilespmem:s26+$0x4050] =	vst v4;
	v2 =	vmul.f32 $3.125000000e-02, v2;
	v4 =	vld [tilespmem:s26+$0x4440]  }
0x86: {  	[tilespmem:s26+$0x4060] =	vst v3;
	v0 =	vmul.f32 $3.125000000e-02, v0;
	v3 =	vld [tilespmem:s26+$0x4450]  }
0x87: {  	[tilespmem:s26+$0x4070] =	vst v2;
	v1 =	vmul.f32 $3.125000000e-02, v1;
	v2 =	vld [tilespmem:s26+$0x4460]  }
0x88: {  	[tilespmem:s26+$0x4400] =	vst v0;
	v0 =	vmul.f32 $3.125000000e-02, v6  }
0x89: {  	[tilespmem:s26+$0x4410] =	vst v1;
	v1 =	vmul.f32 $3.125000000e-02, v5  }
0x8a: {  	[tilespmem:s26+$0x4420] =	vst v0;
	v0 =	vmul.f32 $3.125000000e-02, v4  }
0x8b: {  	[tilespmem:s26+$0x4430] =	vst v1;
	v1 =	vmul.f32 $3.125000000e-02, v3  }
0x8c: {  	[tilespmem:s26+$0x4440] =	vst v0;
	v0 =	vmul.f32 $3.125000000e-02, v2  }
0x8d: {  	[tilespmem:s26+$0x4450] =	vst v1  }
0x8e: {  	[tilespmem:s26+$0x4460] =	vst v0  }
0x8f: {  	s29 =	simm.s32 $0x0;
	s0 =	rddreg [dreg:$0xc]  }
0x90: {  	[hbm4b:s0+s29] =	stream.linear.scatter [tilespmem:s5], [sflag:$0x9], $0x4000, $0x38;
	[tilespmem:$0x1C000] =	vst v63  }
0x91: {  	_ =	swait.ge [sflag:s14], $0x4000  }
0x92: {  	[sflag:s14] =	ssyncset.done $0x0  }
0x93: {  	s28 =	simm.s32 $0x0;
	[sflag:s14] =	ssyncadd.s32 $0xFFFFC000  }
0x94: {  	s0 =	sand.u32 $0x2000, s28;
	s28 =	simm.s32 $0x0;
	_ =	swait.ge [sflag:s15], $0x4000  }
0x95: {  	s31 =	sand.u32 $0x1800, s29;
	s28 =	sand.u32 $0x380, s28;
	[sflag:s15] =	ssyncset.done $0x0  }
0x96: {  	s0 =	sor.u32 s31, s0;
	s26 =	rddreg [dreg:$0xd];
	[sflag:s15] =	ssyncadd.s32 $0xFFFFC000  }
0x97: {  	[tilespmem:s5], [sflag:$0x2] =	stream.linear.gather [hbm4b:s26+s29], $0x4000, $0x38;
	[tilespmem:$0x1C000] =	vst v63  }
0x98: {  	s26 =	sor.u32 s28, s0  }
0x99: {  	v0 =	vld [tilespmem:s26+$0x8470]  }
0x9a: {  	v1 =	vld [tilespmem:s26+$0x8000]  }
0x9b: {  	v2 =	vld [tilespmem:s26+$0x8010]  }
0x9c: {  	v5 =	vld [tilespmem:s26+$0x8020]  }
0x9d: {  	v6 =	vld [tilespmem:s26+$0x8030]  }
0x9e: {  	v7 =	vld [tilespmem:s26+$0x8040];
	v0 =	vmul.f32 $3.125000000e-02, v0  }
0x9f: {  	v4 =	vld [tilespmem:s26+$0x8050];
	v1 =	vmul.f32 $3.125000000e-02, v1  }
0xa0: {  	v3 =	vld [tilespmem:s26+$0x8060];
	v8 =	vmul.f32 $3.125000000e-02, v2;
	[tilespmem:s26+$0x8470] =	vst v0  }
0xa1: {  	v2 =	vld [tilespmem:s26+$0x8070];
	[tilespmem:s26+$0x8000] =	vst v1;
	v1 =	vmul.f32 $3.125000000e-02, v5  }
0xa2: {  	v6 =	vmul.f32 $3.125000000e-02, v6;
	[tilespmem:s26+$0x8010] =	vst v8;
	v0 =	vld [tilespmem:s26+$0x8400]  }
0xa3: {  	s30 =	simm.s32 $0x0;
	v5 =	vmul.f32 $3.125000000e-02, v7;
	[tilespmem:s26+$0x8020] =	vst v1;
	v1 =	vld [tilespmem:s26+$0x8410]  }
.LBB2_6:
0xa4: {  	s30 =	sadd.s32 $0x10, s30;
	[tilespmem:s26+$0x8030] =	vst v6;
	v4 =	vmul.f32 $3.125000000e-02, v4;
	v6 =	vld [tilespmem:s26+$0x8420]  }
0xa5: {  	s29 =	sadd.s32 $0x800, s29;
	s0 =	sshll.u32 s30, $0x4;
	p0 =	slt.u32 s30, $0x3F0;
	[tilespmem:s26+$0x8040] =	vst v5;
	v3 =	vmul.f32 $3.125000000e-02, v3;
	v5 =	vld [tilespmem:s26+$0x8430]  }
0xa6: {  	s28 =	sand.u32 $0x1800, s29;
	s31 =	sshll.u32 s30, $0x1;
	s0 =	sand.u32 $0x2000, s0;
	[tilespmem:s26+$0x8050] =	vst v4;
	v2 =	vmul.f32 $3.125000000e-02, v2;
	v4 =	vld [tilespmem:s26+$0x8440]  }
0xa7: {  	s31 =	sand.u32 $0x380, s31;
	s0 =	sor.u32 s28, s0;
	[tilespmem:s26+$0x8060] =	vst v3;
	v0 =	vmul.f32 $3.125000000e-02, v0;
	v3 =	vld [tilespmem:s26+$0x8450]  }
0xa8: {  	s0 =	sor.u32 s31, s0;
	[tilespmem:s26+$0x8070] =	vst v2;
	v1 =	vmul.f32 $3.125000000e-02, v1;
	v2 =	vld [tilespmem:s26+$0x8460]  }
0xa9: {  	v7 =	vld [tilespmem:s0+$0x8470];
	[tilespmem:s26+$0x8400] =	vst v0;
	v0 =	vmul.f32 $3.125000000e-02, v6  }
0xaa: {  	v6 =	vld [tilespmem:s0+$0x8000];
	[tilespmem:s26+$0x8410] =	vst v1;
	v1 =	vmul.f32 $3.125000000e-02, v5  }
0xab: {  	v5 =	vld [tilespmem:s0+$0x8010];
	[tilespmem:s26+$0x8420] =	vst v0;
	v0 =	vmul.f32 $3.125000000e-02, v4  }
0xac: {  	v8 =	vld [tilespmem:s0+$0x8020];
	[tilespmem:s26+$0x8430] =	vst v1;
	v1 =	vmul.f32 $3.125000000e-02, v3  }
0xad: {  	v9 =	vld [tilespmem:s0+$0x8030];
	[tilespmem:s26+$0x8440] =	vst v0;
	v0 =	vmul.f32 $3.125000000e-02, v2  }
0xae: {  	v10 =	vld [tilespmem:s0+$0x8040];
	v2 =	vmul.f32 $3.125000000e-02, v7;
	[tilespmem:s26+$0x8450] =	vst v1  }
.Ltmp2:
0xaf: {  	v1 =	vmul.f32 $3.125000000e-02, v6;
	v4 =	vld [tilespmem:s0+$0x8050];
	[tilespmem:s26+$0x8460] =	vst v0;
	s26 =	smov.u32 s0;
	(pc) =	sbr.rel @p0 .LBB2_6-.Ltmp2, $4  }
0xb0: {  	v0 =	vmul.f32 $3.125000000e-02, v5;
	v3 =	vld [tilespmem:s26+$0x8060];
	[tilespmem:s26+$0x8470] =	vst v2  }
0xb1: {  	[tilespmem:s26+$0x8000] =	vst v1;
	v1 =	vmul.f32 $3.125000000e-02, v8;
	v2 =	vld [tilespmem:s26+$0x8070]  }
0xb2: {  	[tilespmem:s26+$0x8010] =	vst v0;
	v6 =	vmul.f32 $3.125000000e-02, v9;
	v0 =	vld [tilespmem:s26+$0x8400]  }
0xb3: {  	[tilespmem:s26+$0x8020] =	vst v1;
	v5 =	vmul.f32 $3.125000000e-02, v10;
	v1 =	vld [tilespmem:s26+$0x8410]  }
0xb4: {  	[tilespmem:s26+$0x8030] =	vst v6;
	v4 =	vmul.f32 $3.125000000e-02, v4;
	v6 =	vld [tilespmem:s26+$0x8420]  }
0xb5: {  	[tilespmem:s26+$0x8040] =	vst v5;
	v3 =	vmul.f32 $3.125000000e-02, v3;
	v5 =	vld [tilespmem:s26+$0x8430]  }
0xb6: {  	[tilespmem:s26+$0x8050] =	vst v4;
	v2 =	vmul.f32 $3.125000000e-02, v2;
	v4 =	vld [tilespmem:s26+$0x8440]  }
0xb7: {  	[tilespmem:s26+$0x8060] =	vst v3;
	v0 =	vmul.f32 $3.125000000e-02, v0;
	v3 =	vld [tilespmem:s26+$0x8450]  }
0xb8: {  	[tilespmem:s26+$0x8070] =	vst v2;
	v1 =	vmul.f32 $3.125000000e-02, v1;
	v2 =	vld [tilespmem:s26+$0x8460]  }
0xb9: {  	[tilespmem:s26+$0x8400] =	vst v0;
	v0 =	vmul.f32 $3.125000000e-02, v6  }
0xba: {  	[tilespmem:s26+$0x8410] =	vst v1;
	v1 =	vmul.f32 $3.125000000e-02, v5  }
0xbb: {  	[tilespmem:s26+$0x8420] =	vst v0;
	v0 =	vmul.f32 $3.125000000e-02, v4  }
0xbc: {  	[tilespmem:s26+$0x8430] =	vst v1;
	v1 =	vmul.f32 $3.125000000e-02, v3  }
0xbd: {  	[tilespmem:s26+$0x8440] =	vst v0;
	v0 =	vmul.f32 $3.125000000e-02, v2  }
0xbe: {  	[tilespmem:s26+$0x8450] =	vst v1  }
0xbf: {  	[tilespmem:s26+$0x8460] =	vst v0  }
0xc0: {  	s29 =	simm.s32 $0x0;
	s0 =	rddreg [dreg:$0xe]  }
0xc1: {  	[hbm4b:s0+s29] =	stream.linear.scatter [tilespmem:s6], [sflag:$0xA], $0x4000, $0x38;
	[tilespmem:$0x1C000] =	vst v63  }
0xc2: {  	_ =	swait.ge [sflag:s16], $0x4000  }
0xc3: {  	[sflag:s16] =	ssyncset.done $0x0  }
0xc4: {  	s28 =	simm.s32 $0x0;
	[sflag:s16] =	ssyncadd.s32 $0xFFFFC000  }
0xc5: {  	s0 =	sand.u32 $0x2000, s28;
	s28 =	simm.s32 $0x0;
	_ =	swait.ge [sflag:s17], $0x4000  }
0xc6: {  	s31 =	sand.u32 $0x1800, s29;
	s28 =	sand.u32 $0x380, s28;
	[sflag:s17] =	ssyncset.done $0x0  }
0xc7: {  	s0 =	sor.u32 s31, s0;
	s26 =	rddreg [dreg:$0x15];
	[sflag:s17] =	ssyncadd.s32 $0xFFFFC000  }
0xc8: {  	[tilespmem:s6], [sflag:$0x3] =	stream.linear.gather [hbm4b:s26+s29], $0x4000, $0x38;
	[tilespmem:$0x1C000] =	vst v63  }
0xc9: {  	s26 =	sor.u32 s28, s0  }
0xca: {  	v0 =	vld [tilespmem:s26+$0xC470]  }
0xcb: {  	v1 =	vld [tilespmem:s26+$0xC000]  }
0xcc: {  	v2 =	vld [tilespmem:s26+$0xC010]  }
0xcd: {  	v5 =	vld [tilespmem:s26+$0xC020]  }
0xce: {  	v6 =	vld [tilespmem:s26+$0xC030]  }
0xcf: {  	v7 =	vld [tilespmem:s26+$0xC040];
	v0 =	vmul.f32 $3.125000000e-02, v0  }
0xd0: {  	v4 =	vld [tilespmem:s26+$0xC050];
	v1 =	vmul.f32 $3.125000000e-02, v1  }
0xd1: {  	v3 =	vld [tilespmem:s26+$0xC060];
	v8 =	vmul.f32 $3.125000000e-02, v2;
	[tilespmem:s26+$0xC470] =	vst v0  }
0xd2: {  	v2 =	vld [tilespmem:s26+$0xC070];
	[tilespmem:s26+$0xC000] =	vst v1;
	v1 =	vmul.f32 $3.125000000e-02, v5  }
0xd3: {  	v6 =	vmul.f32 $3.125000000e-02, v6;
	[tilespmem:s26+$0xC010] =	vst v8;
	v0 =	vld [tilespmem:s26+$0xC400]  }
0xd4: {  	s30 =	simm.s32 $0x0;
	v5 =	vmul.f32 $3.125000000e-02, v7;
	[tilespmem:s26+$0xC020] =	vst v1;
	v1 =	vld [tilespmem:s26+$0xC410]  }
.LBB2_8:
0xd5: {  	s30 =	sadd.s32 $0x10, s30;
	[tilespmem:s26+$0xC030] =	vst v6;
	v4 =	vmul.f32 $3.125000000e-02, v4;
	v6 =	vld [tilespmem:s26+$0xC420]  }
0xd6: {  	s29 =	sadd.s32 $0x800, s29;
	s0 =	sshll.u32 s30, $0x4;
	p0 =	slt.u32 s30, $0x3F0;
	[tilespmem:s26+$0xC040] =	vst v5;
	v3 =	vmul.f32 $3.125000000e-02, v3;
	v5 =	vld [tilespmem:s26+$0xC430]  }
0xd7: {  	s28 =	sand.u32 $0x1800, s29;
	s31 =	sshll.u32 s30, $0x1;
	s0 =	sand.u32 $0x2000, s0;
	[tilespmem:s26+$0xC050] =	vst v4;
	v2 =	vmul.f32 $3.125000000e-02, v2;
	v4 =	vld [tilespmem:s26+$0xC440]  }
0xd8: {  	s31 =	sand.u32 $0x380, s31;
	s0 =	sor.u32 s28, s0;
	[tilespmem:s26+$0xC060] =	vst v3;
	v0 =	vmul.f32 $3.125000000e-02, v0;
	v3 =	vld [tilespmem:s26+$0xC450]  }
0xd9: {  	s0 =	sor.u32 s31, s0;
	[tilespmem:s26+$0xC070] =	vst v2;
	v1 =	vmul.f32 $3.125000000e-02, v1;
	v2 =	vld [tilespmem:s26+$0xC460]  }
0xda: {  	v7 =	vld [tilespmem:s0+$0xC470];
	[tilespmem:s26+$0xC400] =	vst v0;
	v0 =	vmul.f32 $3.125000000e-02, v6  }
0xdb: {  	v6 =	vld [tilespmem:s0+$0xC000];
	[tilespmem:s26+$0xC410] =	vst v1;
	v1 =	vmul.f32 $3.125000000e-02, v5  }
0xdc: {  	v5 =	vld [tilespmem:s0+$0xC010];
	[tilespmem:s26+$0xC420] =	vst v0;
	v0 =	vmul.f32 $3.125000000e-02, v4  }
0xdd: {  	v8 =	vld [tilespmem:s0+$0xC020];
	[tilespmem:s26+$0xC430] =	vst v1;
	v1 =	vmul.f32 $3.125000000e-02, v3  }
0xde: {  	v9 =	vld [tilespmem:s0+$0xC030];
	[tilespmem:s26+$0xC440] =	vst v0;
	v0 =	vmul.f32 $3.125000000e-02, v2  }
0xdf: {  	v10 =	vld [tilespmem:s0+$0xC040];
	v2 =	vmul.f32 $3.125000000e-02, v7;
	[tilespmem:s26+$0xC450] =	vst v1  }
.Ltmp3:
0xe0: {  	v1 =	vmul.f32 $3.125000000e-02, v6;
	v4 =	vld [tilespmem:s0+$0xC050];
	[tilespmem:s26+$0xC460] =	vst v0;
	s26 =	smov.u32 s0;
	(pc) =	sbr.rel @p0 .LBB2_8-.Ltmp3, $4  }
0xe1: {  	v0 =	vmul.f32 $3.125000000e-02, v5;
	v3 =	vld [tilespmem:s26+$0xC060];
	[tilespmem:s26+$0xC470] =	vst v2  }
0xe2: {  	[tilespmem:s26+$0xC000] =	vst v1;
	v1 =	vmul.f32 $3.125000000e-02, v8;
	v2 =	vld [tilespmem:s26+$0xC070]  }
0xe3: {  	[tilespmem:s26+$0xC010] =	vst v0;
	v6 =	vmul.f32 $3.125000000e-02, v9;
	v0 =	vld [tilespmem:s26+$0xC400]  }
0xe4: {  	[tilespmem:s26+$0xC020] =	vst v1;
	v5 =	vmul.f32 $3.125000000e-02, v10;
	v1 =	vld [tilespmem:s26+$0xC410]  }
0xe5: {  	[tilespmem:s26+$0xC030] =	vst v6;
	v4 =	vmul.f32 $3.125000000e-02, v4;
	v6 =	vld [tilespmem:s26+$0xC420]  }
0xe6: {  	[tilespmem:s26+$0xC040] =	vst v5;
	v3 =	vmul.f32 $3.125000000e-02, v3;
	v5 =	vld [tilespmem:s26+$0xC430]  }
0xe7: {  	[tilespmem:s26+$0xC050] =	vst v4;
	v2 =	vmul.f32 $3.125000000e-02, v2;
	v4 =	vld [tilespmem:s26+$0xC440]  }
0xe8: {  	[tilespmem:s26+$0xC060] =	vst v3;
	v0 =	vmul.f32 $3.125000000e-02, v0;
	v3 =	vld [tilespmem:s26+$0xC450]  }
0xe9: {  	[tilespmem:s26+$0xC070] =	vst v2;
	v1 =	vmul.f32 $3.125000000e-02, v1;
	v2 =	vld [tilespmem:s26+$0xC460]  }
0xea: {  	[tilespmem:s26+$0xC400] =	vst v0;
	v0 =	vmul.f32 $3.125000000e-02, v6  }
0xeb: {  	[tilespmem:s26+$0xC410] =	vst v1;
	v1 =	vmul.f32 $3.125000000e-02, v5  }
0xec: {  	[tilespmem:s26+$0xC420] =	vst v0;
	v0 =	vmul.f32 $3.125000000e-02, v4  }
0xed: {  	[tilespmem:s26+$0xC430] =	vst v1;
	v1 =	vmul.f32 $3.125000000e-02, v3  }
0xee: {  	[tilespmem:s26+$0xC440] =	vst v0;
	v0 =	vmul.f32 $3.125000000e-02, v2  }
0xef: {  	[tilespmem:s26+$0xC450] =	vst v1  }
0xf0: {  	[tilespmem:s26+$0xC460] =	vst v0  }
0xf1: {  	s29 =	simm.s32 $0x0;
	s0 =	rddreg [dreg:$0xf]  }
0xf2: {  	[hbm4b:s0+s29] =	stream.linear.scatter [tilespmem:s7], [sflag:$0xB], $0x4000, $0x38;
	[tilespmem:$0x1C000] =	vst v63  }
0xf3: {  	_ =	swait.ge [sflag:s18], $0x4000  }
0xf4: {  	[sflag:s18] =	ssyncset.done $0x0  }
0xf5: {  	s28 =	simm.s32 $0x0;
	[sflag:s18] =	ssyncadd.s32 $0xFFFFC000  }
0xf6: {  	s0 =	sand.u32 $0x2000, s28;
	s28 =	simm.s32 $0x0;
	_ =	swait.ge [sflag:s19], $0x4000  }
0xf7: {  	s31 =	sand.u32 $0x1800, s29;
	s28 =	sand.u32 $0x380, s28;
	[sflag:s19] =	ssyncset.done $0x0  }
0xf8: {  	s0 =	sor.u32 s31, s0;
	s26 =	rddreg [dreg:$0x16];
	[sflag:s19] =	ssyncadd.s32 $0xFFFFC000  }
0xf9: {  	[tilespmem:s7], [sflag:$0x4] =	stream.linear.gather [hbm4b:s26+s29], $0x4000, $0x38;
	[tilespmem:$0x1C000] =	vst v63  }
0xfa: {  	s26 =	sor.u32 s28, s0  }
0xfb: {  	v0 =	vld [tilespmem:s26+$0x10470]  }
0xfc: {  	v1 =	vld [tilespmem:s26+$0x10000]  }
0xfd: {  	v2 =	vld [tilespmem:s26+$0x10010]  }
0xfe: {  	v5 =	vld [tilespmem:s26+$0x10020]  }
0xff: {  	v6 =	vld [tilespmem:s26+$0x10030]  }
0x100: {  	v7 =	vld [tilespmem:s26+$0x10040];
	v0 =	vmul.f32 $3.125000000e-02, v0  }
0x101: {  	v4 =	vld [tilespmem:s26+$0x10050];
	v1 =	vmul.f32 $3.125000000e-02, v1  }
0x102: {  	v3 =	vld [tilespmem:s26+$0x10060];
	v8 =	vmul.f32 $3.125000000e-02, v2;
	[tilespmem:s26+$0x10470] =	vst v0  }
0x103: {  	v2 =	vld [tilespmem:s26+$0x10070];
	[tilespmem:s26+$0x10000] =	vst v1;
	v1 =	vmul.f32 $3.125000000e-02, v5  }
0x104: {  	v6 =	vmul.f32 $3.125000000e-02, v6;
	[tilespmem:s26+$0x10010] =	vst v8;
	v0 =	vld [tilespmem:s26+$0x10400]  }
0x105: {  	s30 =	simm.s32 $0x0;
	v5 =	vmul.f32 $3.125000000e-02, v7;
	[tilespmem:s26+$0x10020] =	vst v1;
	v1 =	vld [tilespmem:s26+$0x10410]  }
.LBB2_10:
0x106: {  	s30 =	sadd.s32 $0x10, s30;
	[tilespmem:s26+$0x10030] =	vst v6;
	v4 =	vmul.f32 $3.125000000e-02, v4;
	v6 =	vld [tilespmem:s26+$0x10420]  }
0x107: {  	s29 =	sadd.s32 $0x800, s29;
	s0 =	sshll.u32 s30, $0x4;
	p0 =	slt.u32 s30, $0x3F0;
	[tilespmem:s26+$0x10040] =	vst v5;
	v3 =	vmul.f32 $3.125000000e-02, v3;
	v5 =	vld [tilespmem:s26+$0x10430]  }
0x108: {  	s28 =	sand.u32 $0x1800, s29;
	s31 =	sshll.u32 s30, $0x1;
	s0 =	sand.u32 $0x2000, s0;
	[tilespmem:s26+$0x10050] =	vst v4;
	v2 =	vmul.f32 $3.125000000e-02, v2;
	v4 =	vld [tilespmem:s26+$0x10440]  }
0x109: {  	s31 =	sand.u32 $0x380, s31;
	s0 =	sor.u32 s28, s0;
	[tilespmem:s26+$0x10060] =	vst v3;
	v0 =	vmul.f32 $3.125000000e-02, v0;
	v3 =	vld [tilespmem:s26+$0x10450]  }
0x10a: {  	s0 =	sor.u32 s31, s0;
	[tilespmem:s26+$0x10070] =	vst v2;
	v1 =	vmul.f32 $3.125000000e-02, v1;
	v2 =	vld [tilespmem:s26+$0x10460]  }
0x10b: {  	v7 =	vld [tilespmem:s0+$0x10470];
	[tilespmem:s26+$0x10400] =	vst v0;
	v0 =	vmul.f32 $3.125000000e-02, v6  }
0x10c: {  	v6 =	vld [tilespmem:s0+$0x10000];
	[tilespmem:s26+$0x10410] =	vst v1;
	v1 =	vmul.f32 $3.125000000e-02, v5  }
0x10d: {  	v5 =	vld [tilespmem:s0+$0x10010];
	[tilespmem:s26+$0x10420] =	vst v0;
	v0 =	vmul.f32 $3.125000000e-02, v4  }
0x10e: {  	v8 =	vld [tilespmem:s0+$0x10020];
	[tilespmem:s26+$0x10430] =	vst v1;
	v1 =	vmul.f32 $3.125000000e-02, v3  }
0x10f: {  	v9 =	vld [tilespmem:s0+$0x10030];
	[tilespmem:s26+$0x10440] =	vst v0;
	v0 =	vmul.f32 $3.125000000e-02, v2  }
0x110: {  	v10 =	vld [tilespmem:s0+$0x10040];
	v2 =	vmul.f32 $3.125000000e-02, v7;
	[tilespmem:s26+$0x10450] =	vst v1  }
.Ltmp4:
0x111: {  	v1 =	vmul.f32 $3.125000000e-02, v6;
	v4 =	vld [tilespmem:s0+$0x10050];
	[tilespmem:s26+$0x10460] =	vst v0;
	s26 =	smov.u32 s0;
	(pc) =	sbr.rel @p0 .LBB2_10-.Ltmp4, $4  }
0x112: {  	v0 =	vmul.f32 $3.125000000e-02, v5;
	v3 =	vld [tilespmem:s26+$0x10060];
	[tilespmem:s26+$0x10470] =	vst v2  }
0x113: {  	[tilespmem:s26+$0x10000] =	vst v1;
	v1 =	vmul.f32 $3.125000000e-02, v8;
	v2 =	vld [tilespmem:s26+$0x10070]  }
0x114: {  	[tilespmem:s26+$0x10010] =	vst v0;
	v6 =	vmul.f32 $3.125000000e-02, v9;
	v0 =	vld [tilespmem:s26+$0x10400]  }
0x115: {  	[tilespmem:s26+$0x10020] =	vst v1;
	v5 =	vmul.f32 $3.125000000e-02, v10;
	v1 =	vld [tilespmem:s26+$0x10410]  }
0x116: {  	[tilespmem:s26+$0x10030] =	vst v6;
	v4 =	vmul.f32 $3.125000000e-02, v4;
	v6 =	vld [tilespmem:s26+$0x10420]  }
0x117: {  	[tilespmem:s26+$0x10040] =	vst v5;
	v3 =	vmul.f32 $3.125000000e-02, v3;
	v5 =	vld [tilespmem:s26+$0x10430]  }
0x118: {  	[tilespmem:s26+$0x10050] =	vst v4;
	v2 =	vmul.f32 $3.125000000e-02, v2;
	v4 =	vld [tilespmem:s26+$0x10440]  }
0x119: {  	[tilespmem:s26+$0x10060] =	vst v3;
	v0 =	vmul.f32 $3.125000000e-02, v0;
	v3 =	vld [tilespmem:s26+$0x10450]  }
0x11a: {  	[tilespmem:s26+$0x10070] =	vst v2;
	v1 =	vmul.f32 $3.125000000e-02, v1;
	v2 =	vld [tilespmem:s26+$0x10460]  }
0x11b: {  	[tilespmem:s26+$0x10400] =	vst v0;
	v0 =	vmul.f32 $3.125000000e-02, v6  }
0x11c: {  	[tilespmem:s26+$0x10410] =	vst v1;
	v1 =	vmul.f32 $3.125000000e-02, v5  }
0x11d: {  	[tilespmem:s26+$0x10420] =	vst v0;
	v0 =	vmul.f32 $3.125000000e-02, v4  }
0x11e: {  	[tilespmem:s26+$0x10430] =	vst v1;
	v1 =	vmul.f32 $3.125000000e-02, v3  }
0x11f: {  	[tilespmem:s26+$0x10440] =	vst v0;
	v0 =	vmul.f32 $3.125000000e-02, v2  }
0x120: {  	[tilespmem:s26+$0x10450] =	vst v1  }
0x121: {  	[tilespmem:s26+$0x10460] =	vst v0  }
0x122: {  	s29 =	simm.s32 $0x0;
	s0 =	rddreg [dreg:$0x10]  }
0x123: {  	[hbm4b:s0+s29] =	stream.linear.scatter [tilespmem:s8], [sflag:$0xC], $0x4000, $0x38;
	[tilespmem:$0x1C000] =	vst v63  }
0x124: {  	_ =	swait.ge [sflag:s20], $0x4000  }
0x125: {  	[sflag:s20] =	ssyncset.done $0x0  }
0x126: {  	s28 =	simm.s32 $0x0;
	[sflag:s20] =	ssyncadd.s32 $0xFFFFC000  }
0x127: {  	s0 =	sand.u32 $0x2000, s28;
	s28 =	simm.s32 $0x0;
	_ =	swait.ge [sflag:s21], $0x4000  }
0x128: {  	s31 =	sand.u32 $0x1800, s29;
	s28 =	sand.u32 $0x380, s28;
	[sflag:s21] =	ssyncset.done $0x0  }
0x129: {  	s0 =	sor.u32 s31, s0;
	s26 =	rddreg [dreg:$0x17];
	[sflag:s21] =	ssyncadd.s32 $0xFFFFC000  }
0x12a: {  	[tilespmem:s8], [sflag:$0x5] =	stream.linear.gather [hbm4b:s26+s29], $0x4000, $0x38;
	[tilespmem:$0x1C000] =	vst v63  }
0x12b: {  	s26 =	sor.u32 s28, s0  }
0x12c: {  	v0 =	vld [tilespmem:s26+$0x14470]  }
0x12d: {  	v1 =	vld [tilespmem:s26+$0x14000]  }
0x12e: {  	v2 =	vld [tilespmem:s26+$0x14010]  }
0x12f: {  	v5 =	vld [tilespmem:s26+$0x14020]  }
0x130: {  	v6 =	vld [tilespmem:s26+$0x14030]  }
0x131: {  	v7 =	vld [tilespmem:s26+$0x14040];
	v0 =	vmul.f32 $3.125000000e-02, v0  }
0x132: {  	v4 =	vld [tilespmem:s26+$0x14050];
	v1 =	vmul.f32 $3.125000000e-02, v1  }
0x133: {  	v3 =	vld [tilespmem:s26+$0x14060];
	v8 =	vmul.f32 $3.125000000e-02, v2;
	[tilespmem:s26+$0x14470] =	vst v0  }
0x134: {  	v2 =	vld [tilespmem:s26+$0x14070];
	[tilespmem:s26+$0x14000] =	vst v1;
	v1 =	vmul.f32 $3.125000000e-02, v5  }
0x135: {  	v6 =	vmul.f32 $3.125000000e-02, v6;
	[tilespmem:s26+$0x14010] =	vst v8;
	v0 =	vld [tilespmem:s26+$0x14400]  }
0x136: {  	s30 =	simm.s32 $0x0;
	v5 =	vmul.f32 $3.125000000e-02, v7;
	[tilespmem:s26+$0x14020] =	vst v1;
	v1 =	vld [tilespmem:s26+$0x14410]  }
.LBB2_12:
0x137: {  	s30 =	sadd.s32 $0x10, s30;
	[tilespmem:s26+$0x14030] =	vst v6;
	v4 =	vmul.f32 $3.125000000e-02, v4;
	v6 =	vld [tilespmem:s26+$0x14420]  }
0x138: {  	s29 =	sadd.s32 $0x800, s29;
	s0 =	sshll.u32 s30, $0x4;
	p0 =	slt.u32 s30, $0x3F0;
	[tilespmem:s26+$0x14040] =	vst v5;
	v3 =	vmul.f32 $3.125000000e-02, v3;
	v5 =	vld [tilespmem:s26+$0x14430]  }
0x139: {  	s28 =	sand.u32 $0x1800, s29;
	s31 =	sshll.u32 s30, $0x1;
	s0 =	sand.u32 $0x2000, s0;
	[tilespmem:s26+$0x14050] =	vst v4;
	v2 =	vmul.f32 $3.125000000e-02, v2;
	v4 =	vld [tilespmem:s26+$0x14440]  }
0x13a: {  	s31 =	sand.u32 $0x380, s31;
	s0 =	sor.u32 s28, s0;
	[tilespmem:s26+$0x14060] =	vst v3;
	v0 =	vmul.f32 $3.125000000e-02, v0;
	v3 =	vld [tilespmem:s26+$0x14450]  }
0x13b: {  	s0 =	sor.u32 s31, s0;
	[tilespmem:s26+$0x14070] =	vst v2;
	v1 =	vmul.f32 $3.125000000e-02, v1;
	v2 =	vld [tilespmem:s26+$0x14460]  }
0x13c: {  	v7 =	vld [tilespmem:s0+$0x14470];
	[tilespmem:s26+$0x14400] =	vst v0;
	v0 =	vmul.f32 $3.125000000e-02, v6  }
0x13d: {  	v6 =	vld [tilespmem:s0+$0x14000];
	[tilespmem:s26+$0x14410] =	vst v1;
	v1 =	vmul.f32 $3.125000000e-02, v5  }
0x13e: {  	v5 =	vld [tilespmem:s0+$0x14010];
	[tilespmem:s26+$0x14420] =	vst v0;
	v0 =	vmul.f32 $3.125000000e-02, v4  }
0x13f: {  	v8 =	vld [tilespmem:s0+$0x14020];
	[tilespmem:s26+$0x14430] =	vst v1;
	v1 =	vmul.f32 $3.125000000e-02, v3  }
0x140: {  	v9 =	vld [tilespmem:s0+$0x14030];
	[tilespmem:s26+$0x14440] =	vst v0;
	v0 =	vmul.f32 $3.125000000e-02, v2  }
0x141: {  	v10 =	vld [tilespmem:s0+$0x14040];
	v2 =	vmul.f32 $3.125000000e-02, v7;
	[tilespmem:s26+$0x14450] =	vst v1  }
.Ltmp5:
0x142: {  	v1 =	vmul.f32 $3.125000000e-02, v6;
	v4 =	vld [tilespmem:s0+$0x14050];
	[tilespmem:s26+$0x14460] =	vst v0;
	s26 =	smov.u32 s0;
	(pc) =	sbr.rel @p0 .LBB2_12-.Ltmp5, $4  }
0x143: {  	v0 =	vmul.f32 $3.125000000e-02, v5;
	v3 =	vld [tilespmem:s26+$0x14060];
	[tilespmem:s26+$0x14470] =	vst v2  }
0x144: {  	[tilespmem:s26+$0x14000] =	vst v1;
	v1 =	vmul.f32 $3.125000000e-02, v8;
	v2 =	vld [tilespmem:s26+$0x14070]  }
0x145: {  	[tilespmem:s26+$0x14010] =	vst v0;
	v6 =	vmul.f32 $3.125000000e-02, v9;
	v0 =	vld [tilespmem:s26+$0x14400]  }
0x146: {  	[tilespmem:s26+$0x14020] =	vst v1;
	v5 =	vmul.f32 $3.125000000e-02, v10;
	v1 =	vld [tilespmem:s26+$0x14410]  }
0x147: {  	[tilespmem:s26+$0x14030] =	vst v6;
	v4 =	vmul.f32 $3.125000000e-02, v4;
	v6 =	vld [tilespmem:s26+$0x14420]  }
0x148: {  	[tilespmem:s26+$0x14040] =	vst v5;
	v3 =	vmul.f32 $3.125000000e-02, v3;
	v5 =	vld [tilespmem:s26+$0x14430]  }
0x149: {  	[tilespmem:s26+$0x14050] =	vst v4;
	v2 =	vmul.f32 $3.125000000e-02, v2;
	v4 =	vld [tilespmem:s26+$0x14440]  }
0x14a: {  	[tilespmem:s26+$0x14060] =	vst v3;
	v0 =	vmul.f32 $3.125000000e-02, v0;
	v3 =	vld [tilespmem:s26+$0x14450]  }
0x14b: {  	[tilespmem:s26+$0x14070] =	vst v2;
	v1 =	vmul.f32 $3.125000000e-02, v1;
	v2 =	vld [tilespmem:s26+$0x14460]  }
0x14c: {  	[tilespmem:s26+$0x14400] =	vst v0;
	v0 =	vmul.f32 $3.125000000e-02, v6  }
0x14d: {  	[tilespmem:s26+$0x14410] =	vst v1;
	v1 =	vmul.f32 $3.125000000e-02, v5  }
0x14e: {  	[tilespmem:s26+$0x14420] =	vst v0;
	v0 =	vmul.f32 $3.125000000e-02, v4  }
0x14f: {  	[tilespmem:s26+$0x14430] =	vst v1;
	v1 =	vmul.f32 $3.125000000e-02, v3  }
0x150: {  	[tilespmem:s26+$0x14440] =	vst v0;
	v0 =	vmul.f32 $3.125000000e-02, v2  }
0x151: {  	[tilespmem:s26+$0x14450] =	vst v1  }
0x152: {  	[tilespmem:s26+$0x14460] =	vst v0  }
0x153: {  	s29 =	simm.s32 $0x0;
	s0 =	rddreg [dreg:$0x11]  }
0x154: {  	[hbm4b:s0+s29] =	stream.linear.scatter [tilespmem:s9], [sflag:$0xD], $0x4000, $0x38;
	[tilespmem:$0x1C000] =	vst v63  }
0x155: {  	_ =	swait.ge [sflag:s22], $0x4000  }
0x156: {  	[sflag:s22] =	ssyncset.done $0x0  }
0x157: {  	s28 =	simm.s32 $0x0;
	[sflag:s22] =	ssyncadd.s32 $0xFFFFC000  }
0x158: {  	s0 =	sand.u32 $0x2000, s28;
	s28 =	simm.s32 $0x0;
	_ =	swait.ge [sflag:s23], $0x4000  }
0x159: {  	s31 =	sand.u32 $0x1800, s29;
	s28 =	sand.u32 $0x380, s28;
	[sflag:s23] =	ssyncset.done $0x0  }
0x15a: {  	s0 =	sor.u32 s31, s0;
	s26 =	rddreg [dreg:$0x18];
	[sflag:s23] =	ssyncadd.s32 $0xFFFFC000  }
0x15b: {  	[tilespmem:s9], [sflag:$0x6] =	stream.linear.gather [hbm4b:s26+s29], $0x4000, $0x38;
	[tilespmem:$0x1C000] =	vst v63  }
0x15c: {  	s26 =	sor.u32 s28, s0  }
0x15d: {  	v0 =	vld [tilespmem:s26+$0x18470]  }
0x15e: {  	v1 =	vld [tilespmem:s26+$0x18000]  }
0x15f: {  	v2 =	vld [tilespmem:s26+$0x18010]  }
0x160: {  	v5 =	vld [tilespmem:s26+$0x18020]  }
0x161: {  	v6 =	vld [tilespmem:s26+$0x18030]  }
0x162: {  	v7 =	vld [tilespmem:s26+$0x18040];
	v0 =	vmul.f32 $3.125000000e-02, v0  }
0x163: {  	v4 =	vld [tilespmem:s26+$0x18050];
	v1 =	vmul.f32 $3.125000000e-02, v1  }
0x164: {  	v3 =	vld [tilespmem:s26+$0x18060];
	v8 =	vmul.f32 $3.125000000e-02, v2;
	[tilespmem:s26+$0x18470] =	vst v0  }
0x165: {  	v2 =	vld [tilespmem:s26+$0x18070];
	[tilespmem:s26+$0x18000] =	vst v1;
	v1 =	vmul.f32 $3.125000000e-02, v5  }
0x166: {  	v6 =	vmul.f32 $3.125000000e-02, v6;
	[tilespmem:s26+$0x18010] =	vst v8;
	v0 =	vld [tilespmem:s26+$0x18400]  }
0x167: {  	s30 =	simm.s32 $0x0;
	v5 =	vmul.f32 $3.125000000e-02, v7;
	[tilespmem:s26+$0x18020] =	vst v1;
	v1 =	vld [tilespmem:s26+$0x18410]  }
.LBB2_14:
0x168: {  	s30 =	sadd.s32 $0x10, s30;
	[tilespmem:s26+$0x18030] =	vst v6;
	v4 =	vmul.f32 $3.125000000e-02, v4;
	v6 =	vld [tilespmem:s26+$0x18420]  }
0x169: {  	s29 =	sadd.s32 $0x800, s29;
	s0 =	sshll.u32 s30, $0x4;
	p0 =	slt.u32 s30, $0x3F0;
	[tilespmem:s26+$0x18040] =	vst v5;
	v3 =	vmul.f32 $3.125000000e-02, v3;
	v5 =	vld [tilespmem:s26+$0x18430]  }
0x16a: {  	s28 =	sand.u32 $0x1800, s29;
	s31 =	sshll.u32 s30, $0x1;
	s0 =	sand.u32 $0x2000, s0;
	[tilespmem:s26+$0x18050] =	vst v4;
	v2 =	vmul.f32 $3.125000000e-02, v2;
	v4 =	vld [tilespmem:s26+$0x18440]  }
0x16b: {  	s31 =	sand.u32 $0x380, s31;
	s0 =	sor.u32 s28, s0;
	[tilespmem:s26+$0x18060] =	vst v3;
	v0 =	vmul.f32 $3.125000000e-02, v0;
	v3 =	vld [tilespmem:s26+$0x18450]  }
0x16c: {  	s0 =	sor.u32 s31, s0;
	[tilespmem:s26+$0x18070] =	vst v2;
	v1 =	vmul.f32 $3.125000000e-02, v1;
	v2 =	vld [tilespmem:s26+$0x18460]  }
0x16d: {  	v7 =	vld [tilespmem:s0+$0x18470];
	[tilespmem:s26+$0x18400] =	vst v0;
	v0 =	vmul.f32 $3.125000000e-02, v6  }
0x16e: {  	v6 =	vld [tilespmem:s0+$0x18000];
	[tilespmem:s26+$0x18410] =	vst v1;
	v1 =	vmul.f32 $3.125000000e-02, v5  }
0x16f: {  	v5 =	vld [tilespmem:s0+$0x18010];
	[tilespmem:s26+$0x18420] =	vst v0;
	v0 =	vmul.f32 $3.125000000e-02, v4  }
0x170: {  	v8 =	vld [tilespmem:s0+$0x18020];
	[tilespmem:s26+$0x18430] =	vst v1;
	v1 =	vmul.f32 $3.125000000e-02, v3  }
0x171: {  	v9 =	vld [tilespmem:s0+$0x18030];
	[tilespmem:s26+$0x18440] =	vst v0;
	v0 =	vmul.f32 $3.125000000e-02, v2  }
0x172: {  	v10 =	vld [tilespmem:s0+$0x18040];
	v2 =	vmul.f32 $3.125000000e-02, v7;
	[tilespmem:s26+$0x18450] =	vst v1  }
.Ltmp6:
0x173: {  	v1 =	vmul.f32 $3.125000000e-02, v6;
	v4 =	vld [tilespmem:s0+$0x18050];
	[tilespmem:s26+$0x18460] =	vst v0;
	s26 =	smov.u32 s0;
	(pc) =	sbr.rel @p0 .LBB2_14-.Ltmp6, $4  }
0x174: {  	v0 =	vmul.f32 $3.125000000e-02, v5;
	v3 =	vld [tilespmem:s26+$0x18060];
	[tilespmem:s26+$0x18470] =	vst v2  }
0x175: {  	[tilespmem:s26+$0x18000] =	vst v1;
	v1 =	vmul.f32 $3.125000000e-02, v8;
	v2 =	vld [tilespmem:s26+$0x18070]  }
0x176: {  	[tilespmem:s26+$0x18010] =	vst v0;
	v6 =	vmul.f32 $3.125000000e-02, v9;
	v0 =	vld [tilespmem:s26+$0x18400]  }
0x177: {  	[tilespmem:s26+$0x18020] =	vst v1;
	v5 =	vmul.f32 $3.125000000e-02, v10;
	v1 =	vld [tilespmem:s26+$0x18410]  }
0x178: {  	[tilespmem:s26+$0x18030] =	vst v6;
	v4 =	vmul.f32 $3.125000000e-02, v4;
	v6 =	vld [tilespmem:s26+$0x18420]  }
0x179: {  	[tilespmem:s26+$0x18040] =	vst v5;
	v3 =	vmul.f32 $3.125000000e-02, v3;
	v5 =	vld [tilespmem:s26+$0x18430]  }
0x17a: {  	[tilespmem:s26+$0x18050] =	vst v4;
	v2 =	vmul.f32 $3.125000000e-02, v2;
	v4 =	vld [tilespmem:s26+$0x18440]  }
0x17b: {  	[tilespmem:s26+$0x18060] =	vst v3;
	v0 =	vmul.f32 $3.125000000e-02, v0;
	v3 =	vld [tilespmem:s26+$0x18450]  }
0x17c: {  	[tilespmem:s26+$0x18070] =	vst v2;
	v1 =	vmul.f32 $3.125000000e-02, v1;
	v2 =	vld [tilespmem:s26+$0x18460]  }
0x17d: {  	[tilespmem:s26+$0x18400] =	vst v0;
	v0 =	vmul.f32 $3.125000000e-02, v6  }
0x17e: {  	[tilespmem:s26+$0x18410] =	vst v1;
	v1 =	vmul.f32 $3.125000000e-02, v5  }
0x17f: {  	[tilespmem:s26+$0x18420] =	vst v0;
	v0 =	vmul.f32 $3.125000000e-02, v4  }
0x180: {  	[tilespmem:s26+$0x18430] =	vst v1;
	v1 =	vmul.f32 $3.125000000e-02, v3  }
0x181: {  	[tilespmem:s26+$0x18440] =	vst v0;
	v0 =	vmul.f32 $3.125000000e-02, v2  }
0x182: {  	[tilespmem:s26+$0x18450] =	vst v1  }
0x183: {  	[tilespmem:s26+$0x18460] =	vst v0  }
0x184: {  	s29 =	simm.s32 $0x0;
	s0 =	rddreg [dreg:$0x12]  }
0x185: {  	[hbm4b:s0+s29] =	stream.linear.scatter [tilespmem:s11], [sflag:$0xE], $0x4000, $0x38;
	[tilespmem:$0x1C000] =	vst v63  }
0x186: {  	_ =	swait.ge [sflag:s10], $0x4000  }
0x187: {  	[sflag:s10] =	ssyncset.done $0x0  }
0x188: {  	s28 =	simm.s32 $0x0;
	[sflag:s10] =	ssyncadd.s32 $0xFFFFC000  }
0x189: {  	s0 =	sand.u32 $0x2000, s28;
	s28 =	simm.s32 $0x0;
	_ =	swait.ge [sflag:s24], $0x4000  }
0x18a: {  	s31 =	sand.u32 $0x1800, s29;
	s28 =	sand.u32 $0x380, s28;
	[sflag:s24] =	ssyncset.done $0x0  }
0x18b: {  	s0 =	sor.u32 s31, s0;
	s26 =	rddreg [dreg:$0x19];
	[sflag:s24] =	ssyncadd.s32 $0xFFFFC000  }
0x18c: {  	[tilespmem:s11], [sflag:$0x7] =	stream.linear.gather [hbm4b:s26+s29], $0x4000, $0x38;
	[tilespmem:$0x1C000] =	vst v63  }
0x18d: {  	s26 =	sor.u32 s28, s0  }
0x18e: {  	v0 =	vld [tilespmem:s26+$0x470]  }
0x18f: {  	v1 =	vld [tilespmem:s26+$0x0]  }
0x190: {  	v2 =	vld [tilespmem:s26+$0x10]  }
0x191: {  	v5 =	vld [tilespmem:s26+$0x20]  }
0x192: {  	v6 =	vld [tilespmem:s26+$0x30]  }
0x193: {  	v7 =	vld [tilespmem:s26+$0x40];
	v0 =	vmul.f32 $3.125000000e-02, v0  }
0x194: {  	v4 =	vld [tilespmem:s26+$0x50];
	v1 =	vmul.f32 $3.125000000e-02, v1  }
0x195: {  	v3 =	vld [tilespmem:s26+$0x60];
	v8 =	vmul.f32 $3.125000000e-02, v2;
	[tilespmem:s26+$0x470] =	vst v0  }
0x196: {  	v2 =	vld [tilespmem:s26+$0x70];
	[tilespmem:s26+$0x0] =	vst v1;
	v1 =	vmul.f32 $3.125000000e-02, v5  }
0x197: {  	v6 =	vmul.f32 $3.125000000e-02, v6;
	[tilespmem:s26+$0x10] =	vst v8;
	v0 =	vld [tilespmem:s26+$0x400]  }
0x198: {  	s30 =	simm.s32 $0x0;
	v5 =	vmul.f32 $3.125000000e-02, v7;
	[tilespmem:s26+$0x20] =	vst v1;
	v1 =	vld [tilespmem:s26+$0x410]  }
.LBB2_16:
0x199: {  	s30 =	sadd.s32 $0x10, s30;
	[tilespmem:s26+$0x30] =	vst v6;
	v4 =	vmul.f32 $3.125000000e-02, v4;
	v6 =	vld [tilespmem:s26+$0x420]  }
0x19a: {  	s29 =	sadd.s32 $0x800, s29;
	s0 =	sshll.u32 s30, $0x4;
	p0 =	slt.u32 s30, $0x3F0;
	[tilespmem:s26+$0x40] =	vst v5;
	v3 =	vmul.f32 $3.125000000e-02, v3;
	v5 =	vld [tilespmem:s26+$0x430]  }
0x19b: {  	s28 =	sand.u32 $0x1800, s29;
	s31 =	sshll.u32 s30, $0x1;
	s0 =	sand.u32 $0x2000, s0;
	[tilespmem:s26+$0x50] =	vst v4;
	v2 =	vmul.f32 $3.125000000e-02, v2;
	v4 =	vld [tilespmem:s26+$0x440]  }
0x19c: {  	s31 =	sand.u32 $0x380, s31;
	s0 =	sor.u32 s28, s0;
	[tilespmem:s26+$0x60] =	vst v3;
	v0 =	vmul.f32 $3.125000000e-02, v0;
	v3 =	vld [tilespmem:s26+$0x450]  }
0x19d: {  	s0 =	sor.u32 s31, s0;
	[tilespmem:s26+$0x70] =	vst v2;
	v1 =	vmul.f32 $3.125000000e-02, v1;
	v2 =	vld [tilespmem:s26+$0x460]  }
0x19e: {  	v7 =	vld [tilespmem:s0+$0x470];
	[tilespmem:s26+$0x400] =	vst v0;
	v0 =	vmul.f32 $3.125000000e-02, v6  }
0x19f: {  	v6 =	vld [tilespmem:s0+$0x0];
	[tilespmem:s26+$0x410] =	vst v1;
	v1 =	vmul.f32 $3.125000000e-02, v5  }
0x1a0: {  	v5 =	vld [tilespmem:s0+$0x10];
	[tilespmem:s26+$0x420] =	vst v0;
	v0 =	vmul.f32 $3.125000000e-02, v4  }
0x1a1: {  	v8 =	vld [tilespmem:s0+$0x20];
	[tilespmem:s26+$0x430] =	vst v1;
	v1 =	vmul.f32 $3.125000000e-02, v3  }
0x1a2: {  	v9 =	vld [tilespmem:s0+$0x30];
	[tilespmem:s26+$0x440] =	vst v0;
	v0 =	vmul.f32 $3.125000000e-02, v2  }
0x1a3: {  	v10 =	vld [tilespmem:s0+$0x40];
	v2 =	vmul.f32 $3.125000000e-02, v7;
	[tilespmem:s26+$0x450] =	vst v1  }
.Ltmp7:
0x1a4: {  	v1 =	vmul.f32 $3.125000000e-02, v6;
	v4 =	vld [tilespmem:s0+$0x50];
	[tilespmem:s26+$0x460] =	vst v0;
	s26 =	smov.u32 s0;
	(pc) =	sbr.rel @p0 .LBB2_16-.Ltmp7, $4  }
0x1a5: {  	v0 =	vmul.f32 $3.125000000e-02, v5;
	v3 =	vld [tilespmem:s26+$0x60];
	[tilespmem:s26+$0x470] =	vst v2  }
0x1a6: {  	[tilespmem:s26+$0x0] =	vst v1;
	v1 =	vmul.f32 $3.125000000e-02, v8;
	v2 =	vld [tilespmem:s26+$0x70]  }
0x1a7: {  	[tilespmem:s26+$0x10] =	vst v0;
	v6 =	vmul.f32 $3.125000000e-02, v9;
	v0 =	vld [tilespmem:s26+$0x400]  }
0x1a8: {  	[tilespmem:s26+$0x20] =	vst v1;
	v5 =	vmul.f32 $3.125000000e-02, v10;
	v1 =	vld [tilespmem:s26+$0x410]  }
0x1a9: {  	[tilespmem:s26+$0x30] =	vst v6;
	v4 =	vmul.f32 $3.125000000e-02, v4;
	v6 =	vld [tilespmem:s26+$0x420]  }
0x1aa: {  	[tilespmem:s26+$0x40] =	vst v5;
	v3 =	vmul.f32 $3.125000000e-02, v3;
	v5 =	vld [tilespmem:s26+$0x430]  }
0x1ab: {  	[tilespmem:s26+$0x50] =	vst v4;
	v2 =	vmul.f32 $3.125000000e-02, v2;
	v4 =	vld [tilespmem:s26+$0x440]  }
0x1ac: {  	[tilespmem:s26+$0x60] =	vst v3;
	v0 =	vmul.f32 $3.125000000e-02, v0;
	v3 =	vld [tilespmem:s26+$0x450]  }
0x1ad: {  	[tilespmem:s26+$0x70] =	vst v2;
	v1 =	vmul.f32 $3.125000000e-02, v1;
	v2 =	vld [tilespmem:s26+$0x460]  }
0x1ae: {  	[tilespmem:s26+$0x400] =	vst v0;
	v0 =	vmul.f32 $3.125000000e-02, v6  }
0x1af: {  	[tilespmem:s26+$0x410] =	vst v1;
	v1 =	vmul.f32 $3.125000000e-02, v5  }
0x1b0: {  	[tilespmem:s26+$0x420] =	vst v0;
	v0 =	vmul.f32 $3.125000000e-02, v4  }
0x1b1: {  	[tilespmem:s26+$0x430] =	vst v1;
	v1 =	vmul.f32 $3.125000000e-02, v3  }
0x1b2: {  	[tilespmem:s26+$0x440] =	vst v0;
	v0 =	vmul.f32 $3.125000000e-02, v2  }
0x1b3: {  	[tilespmem:s26+$0x450] =	vst v1  }
0x1b4: {  	[tilespmem:s26+$0x460] =	vst v0  }
0x1b5: {  	s29 =	simm.s32 $0x0;
	s0 =	rddreg [dreg:$0x13]  }
0x1b6: {  	[hbm4b:s0+s29] =	stream.linear.scatter [tilespmem:s29], [sflag:$0x8], $0x4000, $0x38;
	[tilespmem:$0x1C000] =	vst v63  }
0x1b7: {  	_ =	swait.ge [sflag:s12], $0x4000  }
0x1b8: {  	[sflag:s12] =	ssyncset.done $0x0  }
0x1b9: {  	s28 =	simm.s32 $0x0;
	[sflag:s12] =	ssyncadd.s32 $0xFFFFC000  }
0x1ba: {  	s0 =	sand.u32 $0x2000, s28;
	s28 =	simm.s32 $0x0;
	_ =	swait.ge [sflag:s13], $0x4000  }
0x1bb: {  	s31 =	sand.u32 $0x1800, s29;
	s28 =	sand.u32 $0x380, s28;
	[sflag:s13] =	ssyncset.done $0x0  }
0x1bc: {  	s0 =	sor.u32 s31, s0;
	s26 =	rddreg [dreg:$0x1a];
	[sflag:s13] =	ssyncadd.s32 $0xFFFFC000  }
0x1bd: {  	[tilespmem:s29], [sflag:$0x1] =	stream.linear.gather [hbm4b:s26+s29], $0x4000, $0x38;
	[tilespmem:$0x1C000] =	vst v63  }
0x1be: {  	s26 =	sor.u32 s28, s0  }
0x1bf: {  	v0 =	vld [tilespmem:s26+$0x4470]  }
0x1c0: {  	v1 =	vld [tilespmem:s26+$0x4000]  }
0x1c1: {  	v2 =	vld [tilespmem:s26+$0x4010]  }
0x1c2: {  	v5 =	vld [tilespmem:s26+$0x4020]  }
0x1c3: {  	v6 =	vld [tilespmem:s26+$0x4030]  }
0x1c4: {  	v7 =	vld [tilespmem:s26+$0x4040];
	v0 =	vmul.f32 $3.125000000e-02, v0  }
0x1c5: {  	v4 =	vld [tilespmem:s26+$0x4050];
	v1 =	vmul.f32 $3.125000000e-02, v1  }
0x1c6: {  	v3 =	vld [tilespmem:s26+$0x4060];
	v8 =	vmul.f32 $3.125000000e-02, v2;
	[tilespmem:s26+$0x4470] =	vst v0  }
0x1c7: {  	v2 =	vld [tilespmem:s26+$0x4070];
	[tilespmem:s26+$0x4000] =	vst v1;
	v1 =	vmul.f32 $3.125000000e-02, v5  }
0x1c8: {  	v6 =	vmul.f32 $3.125000000e-02, v6;
	[tilespmem:s26+$0x4010] =	vst v8;
	v0 =	vld [tilespmem:s26+$0x4400]  }
0x1c9: {  	s30 =	simm.s32 $0x0;
	v5 =	vmul.f32 $3.125000000e-02, v7;
	[tilespmem:s26+$0x4020] =	vst v1;
	v1 =	vld [tilespmem:s26+$0x4410]  }
.LBB2_18:
0x1ca: {  	s30 =	sadd.s32 $0x10, s30;
	[tilespmem:s26+$0x4030] =	vst v6;
	v4 =	vmul.f32 $3.125000000e-02, v4;
	v6 =	vld [tilespmem:s26+$0x4420]  }
0x1cb: {  	s29 =	sadd.s32 $0x800, s29;
	s0 =	sshll.u32 s30, $0x4;
	p0 =	slt.u32 s30, $0x3F0;
	[tilespmem:s26+$0x4040] =	vst v5;
	v3 =	vmul.f32 $3.125000000e-02, v3;
	v5 =	vld [tilespmem:s26+$0x4430]  }
0x1cc: {  	s28 =	sand.u32 $0x1800, s29;
	s31 =	sshll.u32 s30, $0x1;
	s0 =	sand.u32 $0x2000, s0;
	[tilespmem:s26+$0x4050] =	vst v4;
	v2 =	vmul.f32 $3.125000000e-02, v2;
	v4 =	vld [tilespmem:s26+$0x4440]  }
0x1cd: {  	s31 =	sand.u32 $0x380, s31;
	s0 =	sor.u32 s28, s0;
	[tilespmem:s26+$0x4060] =	vst v3;
	v0 =	vmul.f32 $3.125000000e-02, v0;
	v3 =	vld [tilespmem:s26+$0x4450]  }
0x1ce: {  	s0 =	sor.u32 s31, s0;
	[tilespmem:s26+$0x4070] =	vst v2;
	v1 =	vmul.f32 $3.125000000e-02, v1;
	v2 =	vld [tilespmem:s26+$0x4460]  }
0x1cf: {  	v7 =	vld [tilespmem:s0+$0x4470];
	[tilespmem:s26+$0x4400] =	vst v0;
	v0 =	vmul.f32 $3.125000000e-02, v6  }
0x1d0: {  	v6 =	vld [tilespmem:s0+$0x4000];
	[tilespmem:s26+$0x4410] =	vst v1;
	v1 =	vmul.f32 $3.125000000e-02, v5  }
0x1d1: {  	v5 =	vld [tilespmem:s0+$0x4010];
	[tilespmem:s26+$0x4420] =	vst v0;
	v0 =	vmul.f32 $3.125000000e-02, v4  }
0x1d2: {  	v8 =	vld [tilespmem:s0+$0x4020];
	[tilespmem:s26+$0x4430] =	vst v1;
	v1 =	vmul.f32 $3.125000000e-02, v3  }
0x1d3: {  	v9 =	vld [tilespmem:s0+$0x4030];
	[tilespmem:s26+$0x4440] =	vst v0;
	v0 =	vmul.f32 $3.125000000e-02, v2  }
0x1d4: {  	v10 =	vld [tilespmem:s0+$0x4040];
	v2 =	vmul.f32 $3.125000000e-02, v7;
	[tilespmem:s26+$0x4450] =	vst v1  }
.Ltmp8:
0x1d5: {  	v1 =	vmul.f32 $3.125000000e-02, v6;
	v4 =	vld [tilespmem:s0+$0x4050];
	[tilespmem:s26+$0x4460] =	vst v0;
	s26 =	smov.u32 s0;
	(pc) =	sbr.rel @p0 .LBB2_18-.Ltmp8, $4  }
0x1d6: {  	v0 =	vmul.f32 $3.125000000e-02, v5;
	v3 =	vld [tilespmem:s26+$0x4060];
	[tilespmem:s26+$0x4470] =	vst v2  }
0x1d7: {  	[tilespmem:s26+$0x4000] =	vst v1;
	v1 =	vmul.f32 $3.125000000e-02, v8;
	v2 =	vld [tilespmem:s26+$0x4070]  }
0x1d8: {  	[tilespmem:s26+$0x4010] =	vst v0;
	v6 =	vmul.f32 $3.125000000e-02, v9;
	v0 =	vld [tilespmem:s26+$0x4400]  }
0x1d9: {  	[tilespmem:s26+$0x4020] =	vst v1;
	v5 =	vmul.f32 $3.125000000e-02, v10;
	v1 =	vld [tilespmem:s26+$0x4410]  }
0x1da: {  	[tilespmem:s26+$0x4030] =	vst v6;
	v4 =	vmul.f32 $3.125000000e-02, v4;
	v6 =	vld [tilespmem:s26+$0x4420]  }
0x1db: {  	[tilespmem:s26+$0x4040] =	vst v5;
	v3 =	vmul.f32 $3.125000000e-02, v3;
	v5 =	vld [tilespmem:s26+$0x4430]  }
0x1dc: {  	[tilespmem:s26+$0x4050] =	vst v4;
	v2 =	vmul.f32 $3.125000000e-02, v2;
	v4 =	vld [tilespmem:s26+$0x4440]  }
0x1dd: {  	[tilespmem:s26+$0x4060] =	vst v3;
	v0 =	vmul.f32 $3.125000000e-02, v0;
	v3 =	vld [tilespmem:s26+$0x4450]  }
0x1de: {  	[tilespmem:s26+$0x4070] =	vst v2;
	v1 =	vmul.f32 $3.125000000e-02, v1;
	v2 =	vld [tilespmem:s26+$0x4460]  }
0x1df: {  	[tilespmem:s26+$0x4400] =	vst v0;
	v0 =	vmul.f32 $3.125000000e-02, v6  }
0x1e0: {  	[tilespmem:s26+$0x4410] =	vst v1;
	v1 =	vmul.f32 $3.125000000e-02, v5  }
0x1e1: {  	[tilespmem:s26+$0x4420] =	vst v0;
	v0 =	vmul.f32 $3.125000000e-02, v4  }
0x1e2: {  	[tilespmem:s26+$0x4430] =	vst v1;
	v1 =	vmul.f32 $3.125000000e-02, v3  }
0x1e3: {  	[tilespmem:s26+$0x4440] =	vst v0;
	v0 =	vmul.f32 $3.125000000e-02, v2  }
0x1e4: {  	[tilespmem:s26+$0x4450] =	vst v1  }
0x1e5: {  	[tilespmem:s26+$0x4460] =	vst v0  }
0x1e6: {  	s29 =	simm.s32 $0x0;
	s0 =	rddreg [dreg:$0x14]  }
0x1e7: {  	[hbm4b:s0+s29] =	stream.linear.scatter [tilespmem:s5], [sflag:$0x9], $0x4000, $0x38;
	[tilespmem:$0x1C000] =	vst v63  }
0x1e8: {  	_ =	swait.ge [sflag:s14], $0x4000  }
0x1e9: {  	[sflag:s14] =	ssyncset.done $0x0  }
0x1ea: {  	s28 =	simm.s32 $0x0;
	[sflag:s14] =	ssyncadd.s32 $0xFFFFC000  }
0x1eb: {  	s0 =	sand.u32 $0x2000, s28;
	s28 =	simm.s32 $0x0;
	_ =	swait.ge [sflag:s15], $0x4000  }
0x1ec: {  	s31 =	sand.u32 $0x1800, s29;
	s28 =	sand.u32 $0x380, s28;
	[sflag:s15] =	ssyncset.done $0x0  }
0x1ed: {  	s0 =	sor.u32 s31, s0;
	s26 =	rddreg [dreg:$0x1b];
	[sflag:s15] =	ssyncadd.s32 $0xFFFFC000  }
0x1ee: {  	[tilespmem:s5], [sflag:$0x2] =	stream.linear.gather [hbm4b:s26+s29], $0x4000, $0x38;
	[tilespmem:$0x1C000] =	vst v63  }
0x1ef: {  	s26 =	sor.u32 s28, s0  }
0x1f0: {  	v0 =	vld [tilespmem:s26+$0x8470]  }
0x1f1: {  	v1 =	vld [tilespmem:s26+$0x8000]  }
0x1f2: {  	v2 =	vld [tilespmem:s26+$0x8010]  }
0x1f3: {  	v5 =	vld [tilespmem:s26+$0x8020]  }
0x1f4: {  	v6 =	vld [tilespmem:s26+$0x8030]  }
0x1f5: {  	v7 =	vld [tilespmem:s26+$0x8040];
	v0 =	vmul.f32 $3.125000000e-02, v0  }
0x1f6: {  	v4 =	vld [tilespmem:s26+$0x8050];
	v1 =	vmul.f32 $3.125000000e-02, v1  }
0x1f7: {  	v3 =	vld [tilespmem:s26+$0x8060];
	v8 =	vmul.f32 $3.125000000e-02, v2;
	[tilespmem:s26+$0x8470] =	vst v0  }
0x1f8: {  	v2 =	vld [tilespmem:s26+$0x8070];
	[tilespmem:s26+$0x8000] =	vst v1;
	v1 =	vmul.f32 $3.125000000e-02, v5  }
0x1f9: {  	v6 =	vmul.f32 $3.125000000e-02, v6;
	[tilespmem:s26+$0x8010] =	vst v8;
	v0 =	vld [tilespmem:s26+$0x8400]  }
0x1fa: {  	s30 =	simm.s32 $0x0;
	v5 =	vmul.f32 $3.125000000e-02, v7;
	[tilespmem:s26+$0x8020] =	vst v1;
	v1 =	vld [tilespmem:s26+$0x8410]  }
.LBB2_20:
0x1fb: {  	s30 =	sadd.s32 $0x10, s30;
	[tilespmem:s26+$0x8030] =	vst v6;
	v4 =	vmul.f32 $3.125000000e-02, v4;
	v6 =	vld [tilespmem:s26+$0x8420]  }
0x1fc: {  	s29 =	sadd.s32 $0x800, s29;
	s0 =	sshll.u32 s30, $0x4;
	p0 =	slt.u32 s30, $0x3F0;
	[tilespmem:s26+$0x8040] =	vst v5;
	v3 =	vmul.f32 $3.125000000e-02, v3;
	v5 =	vld [tilespmem:s26+$0x8430]  }
0x1fd: {  	s28 =	sand.u32 $0x1800, s29;
	s31 =	sshll.u32 s30, $0x1;
	s0 =	sand.u32 $0x2000, s0;
	[tilespmem:s26+$0x8050] =	vst v4;
	v2 =	vmul.f32 $3.125000000e-02, v2;
	v4 =	vld [tilespmem:s26+$0x8440]  }
0x1fe: {  	s31 =	sand.u32 $0x380, s31;
	s0 =	sor.u32 s28, s0;
	[tilespmem:s26+$0x8060] =	vst v3;
	v0 =	vmul.f32 $3.125000000e-02, v0;
	v3 =	vld [tilespmem:s26+$0x8450]  }
0x1ff: {  	s0 =	sor.u32 s31, s0;
	[tilespmem:s26+$0x8070] =	vst v2;
	v1 =	vmul.f32 $3.125000000e-02, v1;
	v2 =	vld [tilespmem:s26+$0x8460]  }
0x200: {  	v7 =	vld [tilespmem:s0+$0x8470];
	[tilespmem:s26+$0x8400] =	vst v0;
	v0 =	vmul.f32 $3.125000000e-02, v6  }
0x201: {  	v6 =	vld [tilespmem:s0+$0x8000];
	[tilespmem:s26+$0x8410] =	vst v1;
	v1 =	vmul.f32 $3.125000000e-02, v5  }
0x202: {  	v5 =	vld [tilespmem:s0+$0x8010];
	[tilespmem:s26+$0x8420] =	vst v0;
	v0 =	vmul.f32 $3.125000000e-02, v4  }
0x203: {  	v8 =	vld [tilespmem:s0+$0x8020];
	[tilespmem:s26+$0x8430] =	vst v1;
	v1 =	vmul.f32 $3.125000000e-02, v3  }
0x204: {  	v9 =	vld [tilespmem:s0+$0x8030];
	[tilespmem:s26+$0x8440] =	vst v0;
	v0 =	vmul.f32 $3.125000000e-02, v2  }
0x205: {  	v10 =	vld [tilespmem:s0+$0x8040];
	v2 =	vmul.f32 $3.125000000e-02, v7;
	[tilespmem:s26+$0x8450] =	vst v1  }
.Ltmp9:
0x206: {  	v1 =	vmul.f32 $3.125000000e-02, v6;
	v4 =	vld [tilespmem:s0+$0x8050];
	[tilespmem:s26+$0x8460] =	vst v0;
	s26 =	smov.u32 s0;
	(pc) =	sbr.rel @p0 .LBB2_20-.Ltmp9, $4  }
0x207: {  	v0 =	vmul.f32 $3.125000000e-02, v5;
	v3 =	vld [tilespmem:s26+$0x8060];
	[tilespmem:s26+$0x8470] =	vst v2  }
0x208: {  	[tilespmem:s26+$0x8000] =	vst v1;
	v1 =	vmul.f32 $3.125000000e-02, v8;
	v2 =	vld [tilespmem:s26+$0x8070]  }
0x209: {  	[tilespmem:s26+$0x8010] =	vst v0;
	v6 =	vmul.f32 $3.125000000e-02, v9;
	v0 =	vld [tilespmem:s26+$0x8400]  }
0x20a: {  	[tilespmem:s26+$0x8020] =	vst v1;
	v5 =	vmul.f32 $3.125000000e-02, v10;
	v1 =	vld [tilespmem:s26+$0x8410]  }
0x20b: {  	[tilespmem:s26+$0x8030] =	vst v6;
	v4 =	vmul.f32 $3.125000000e-02, v4;
	v6 =	vld [tilespmem:s26+$0x8420]  }
0x20c: {  	[tilespmem:s26+$0x8040] =	vst v5;
	v3 =	vmul.f32 $3.125000000e-02, v3;
	v5 =	vld [tilespmem:s26+$0x8430]  }
0x20d: {  	[tilespmem:s26+$0x8050] =	vst v4;
	v2 =	vmul.f32 $3.125000000e-02, v2;
	v4 =	vld [tilespmem:s26+$0x8440]  }
0x20e: {  	[tilespmem:s26+$0x8060] =	vst v3;
	v0 =	vmul.f32 $3.125000000e-02, v0;
	v3 =	vld [tilespmem:s26+$0x8450]  }
0x20f: {  	[tilespmem:s26+$0x8070] =	vst v2;
	v1 =	vmul.f32 $3.125000000e-02, v1;
	v2 =	vld [tilespmem:s26+$0x8460]  }
0x210: {  	[tilespmem:s26+$0x8400] =	vst v0;
	v0 =	vmul.f32 $3.125000000e-02, v6  }
0x211: {  	[tilespmem:s26+$0x8410] =	vst v1;
	v1 =	vmul.f32 $3.125000000e-02, v5  }
0x212: {  	[tilespmem:s26+$0x8420] =	vst v0;
	v0 =	vmul.f32 $3.125000000e-02, v4  }
0x213: {  	[tilespmem:s26+$0x8430] =	vst v1;
	v1 =	vmul.f32 $3.125000000e-02, v3  }
0x214: {  	[tilespmem:s26+$0x8440] =	vst v0;
	v0 =	vmul.f32 $3.125000000e-02, v2  }
0x215: {  	[tilespmem:s26+$0x8450] =	vst v1  }
0x216: {  	s29 =	simm.s32 $0x0;
	[tilespmem:s26+$0x8460] =	vst v0  }
0x217: {  	s28 =	simm.s32 $0x0;
	s31 =	sand.u32 $0x1800, s29;
	s0 =	rddreg [dreg:$0x1c]  }
0x218: {  	[hbm4b:s0+s29] =	stream.linear.scatter [tilespmem:s6], [sflag:$0xA], $0x4000, $0x38;
	[tilespmem:$0x1C000] =	vst v63  }
0x219: {  	s0 =	sand.u32 $0x2000, s28;
	s28 =	simm.s32 $0x0;
	_ =	swait.ge [sflag:s16], $0x4000  }
0x21a: {  	s28 =	sand.u32 $0x380, s28;
	s0 =	sor.u32 s31, s0;
	[sflag:s16] =	ssyncset.done $0x0  }
0x21b: {  	s26 =	sor.u32 s28, s0;
	[sflag:s16] =	ssyncadd.s32 $0xFFFFC000  }
0x21c: {  	v0 =	vld [tilespmem:s26+$0xC470]  }
0x21d: {  	v1 =	vld [tilespmem:s26+$0xC000]  }
0x21e: {  	v2 =	vld [tilespmem:s26+$0xC010]  }
0x21f: {  	v5 =	vld [tilespmem:s26+$0xC020]  }
0x220: {  	v6 =	vld [tilespmem:s26+$0xC030]  }
0x221: {  	v7 =	vld [tilespmem:s26+$0xC040];
	v0 =	vmul.f32 $3.125000000e-02, v0  }
0x222: {  	v4 =	vld [tilespmem:s26+$0xC050];
	v1 =	vmul.f32 $3.125000000e-02, v1  }
0x223: {  	v3 =	vld [tilespmem:s26+$0xC060];
	v8 =	vmul.f32 $3.125000000e-02, v2;
	[tilespmem:s26+$0xC470] =	vst v0  }
0x224: {  	v2 =	vld [tilespmem:s26+$0xC070];
	[tilespmem:s26+$0xC000] =	vst v1;
	v1 =	vmul.f32 $3.125000000e-02, v5  }
0x225: {  	v6 =	vmul.f32 $3.125000000e-02, v6;
	[tilespmem:s26+$0xC010] =	vst v8;
	v0 =	vld [tilespmem:s26+$0xC400]  }
0x226: {  	s30 =	simm.s32 $0x0;
	v5 =	vmul.f32 $3.125000000e-02, v7;
	[tilespmem:s26+$0xC020] =	vst v1;
	v1 =	vld [tilespmem:s26+$0xC410]  }
.LBB2_22:
0x227: {  	s30 =	sadd.s32 $0x10, s30;
	[tilespmem:s26+$0xC030] =	vst v6;
	v4 =	vmul.f32 $3.125000000e-02, v4;
	v6 =	vld [tilespmem:s26+$0xC420]  }
0x228: {  	s29 =	sadd.s32 $0x800, s29;
	s0 =	sshll.u32 s30, $0x4;
	p0 =	slt.u32 s30, $0x3F0;
	[tilespmem:s26+$0xC040] =	vst v5;
	v3 =	vmul.f32 $3.125000000e-02, v3;
	v5 =	vld [tilespmem:s26+$0xC430]  }
0x229: {  	s28 =	sand.u32 $0x1800, s29;
	s31 =	sshll.u32 s30, $0x1;
	s0 =	sand.u32 $0x2000, s0;
	[tilespmem:s26+$0xC050] =	vst v4;
	v2 =	vmul.f32 $3.125000000e-02, v2;
	v4 =	vld [tilespmem:s26+$0xC440]  }
0x22a: {  	s31 =	sand.u32 $0x380, s31;
	s0 =	sor.u32 s28, s0;
	[tilespmem:s26+$0xC060] =	vst v3;
	v0 =	vmul.f32 $3.125000000e-02, v0;
	v3 =	vld [tilespmem:s26+$0xC450]  }
0x22b: {  	s0 =	sor.u32 s31, s0;
	[tilespmem:s26+$0xC070] =	vst v2;
	v1 =	vmul.f32 $3.125000000e-02, v1;
	v2 =	vld [tilespmem:s26+$0xC460]  }
0x22c: {  	v7 =	vld [tilespmem:s0+$0xC470];
	[tilespmem:s26+$0xC400] =	vst v0;
	v0 =	vmul.f32 $3.125000000e-02, v6  }
0x22d: {  	v6 =	vld [tilespmem:s0+$0xC000];
	[tilespmem:s26+$0xC410] =	vst v1;
	v1 =	vmul.f32 $3.125000000e-02, v5  }
0x22e: {  	v5 =	vld [tilespmem:s0+$0xC010];
	[tilespmem:s26+$0xC420] =	vst v0;
	v0 =	vmul.f32 $3.125000000e-02, v4  }
0x22f: {  	v8 =	vld [tilespmem:s0+$0xC020];
	[tilespmem:s26+$0xC430] =	vst v1;
	v1 =	vmul.f32 $3.125000000e-02, v3  }
0x230: {  	v9 =	vld [tilespmem:s0+$0xC030];
	[tilespmem:s26+$0xC440] =	vst v0;
	v0 =	vmul.f32 $3.125000000e-02, v2  }
0x231: {  	v10 =	vld [tilespmem:s0+$0xC040];
	v2 =	vmul.f32 $3.125000000e-02, v7;
	[tilespmem:s26+$0xC450] =	vst v1  }
.Ltmp10:
0x232: {  	v1 =	vmul.f32 $3.125000000e-02, v6;
	v4 =	vld [tilespmem:s0+$0xC050];
	[tilespmem:s26+$0xC460] =	vst v0;
	s26 =	smov.u32 s0;
	(pc) =	sbr.rel @p0 .LBB2_22-.Ltmp10, $4  }
0x233: {  	v0 =	vmul.f32 $3.125000000e-02, v5;
	v3 =	vld [tilespmem:s26+$0xC060];
	[tilespmem:s26+$0xC470] =	vst v2  }
0x234: {  	[tilespmem:s26+$0xC000] =	vst v1;
	v1 =	vmul.f32 $3.125000000e-02, v8;
	v2 =	vld [tilespmem:s26+$0xC070]  }
0x235: {  	[tilespmem:s26+$0xC010] =	vst v0;
	v6 =	vmul.f32 $3.125000000e-02, v9;
	v0 =	vld [tilespmem:s26+$0xC400]  }
0x236: {  	[tilespmem:s26+$0xC020] =	vst v1;
	v5 =	vmul.f32 $3.125000000e-02, v10;
	v1 =	vld [tilespmem:s26+$0xC410]  }
0x237: {  	[tilespmem:s26+$0xC030] =	vst v6;
	v4 =	vmul.f32 $3.125000000e-02, v4;
	v6 =	vld [tilespmem:s26+$0xC420]  }
0x238: {  	[tilespmem:s26+$0xC040] =	vst v5;
	v3 =	vmul.f32 $3.125000000e-02, v3;
	v5 =	vld [tilespmem:s26+$0xC430]  }
0x239: {  	[tilespmem:s26+$0xC050] =	vst v4;
	v2 =	vmul.f32 $3.125000000e-02, v2;
	v4 =	vld [tilespmem:s26+$0xC440]  }
0x23a: {  	[tilespmem:s26+$0xC060] =	vst v3;
	v0 =	vmul.f32 $3.125000000e-02, v0;
	v3 =	vld [tilespmem:s26+$0xC450]  }
0x23b: {  	[tilespmem:s26+$0xC070] =	vst v2;
	v1 =	vmul.f32 $3.125000000e-02, v1;
	v2 =	vld [tilespmem:s26+$0xC460]  }
0x23c: {  	[tilespmem:s26+$0xC400] =	vst v0;
	v0 =	vmul.f32 $3.125000000e-02, v6  }
0x23d: {  	[tilespmem:s26+$0xC410] =	vst v1;
	v1 =	vmul.f32 $3.125000000e-02, v5  }
0x23e: {  	[tilespmem:s26+$0xC420] =	vst v0;
	v0 =	vmul.f32 $3.125000000e-02, v4  }
0x23f: {  	[tilespmem:s26+$0xC430] =	vst v1;
	v1 =	vmul.f32 $3.125000000e-02, v3  }
0x240: {  	[tilespmem:s26+$0xC440] =	vst v0;
	v0 =	vmul.f32 $3.125000000e-02, v2  }
0x241: {  	[tilespmem:s26+$0xC450] =	vst v1  }
0x242: {  	s29 =	simm.s32 $0x0;
	[tilespmem:s26+$0xC460] =	vst v0  }
0x243: {  	s28 =	simm.s32 $0x0;
	s31 =	sand.u32 $0x1800, s29;
	s0 =	rddreg [dreg:$0x1d]  }
0x244: {  	[hbm4b:s0+s29] =	stream.linear.scatter [tilespmem:s7], [sflag:$0xB], $0x4000, $0x38;
	[tilespmem:$0x1C000] =	vst v63  }
0x245: {  	s0 =	sand.u32 $0x2000, s28;
	s28 =	simm.s32 $0x0;
	_ =	swait.ge [sflag:s18], $0x4000  }
0x246: {  	s28 =	sand.u32 $0x380, s28;
	s0 =	sor.u32 s31, s0;
	[sflag:s18] =	ssyncset.done $0x0  }
0x247: {  	s26 =	sor.u32 s28, s0;
	[sflag:s18] =	ssyncadd.s32 $0xFFFFC000  }
0x248: {  	v0 =	vld [tilespmem:s26+$0x10470]  }
0x249: {  	v1 =	vld [tilespmem:s26+$0x10000]  }
0x24a: {  	v2 =	vld [tilespmem:s26+$0x10010]  }
0x24b: {  	v5 =	vld [tilespmem:s26+$0x10020]  }
0x24c: {  	v6 =	vld [tilespmem:s26+$0x10030]  }
0x24d: {  	v7 =	vld [tilespmem:s26+$0x10040];
	v0 =	vmul.f32 $3.125000000e-02, v0  }
0x24e: {  	v4 =	vld [tilespmem:s26+$0x10050];
	v1 =	vmul.f32 $3.125000000e-02, v1  }
0x24f: {  	v3 =	vld [tilespmem:s26+$0x10060];
	v8 =	vmul.f32 $3.125000000e-02, v2;
	[tilespmem:s26+$0x10470] =	vst v0  }
0x250: {  	v2 =	vld [tilespmem:s26+$0x10070];
	[tilespmem:s26+$0x10000] =	vst v1;
	v1 =	vmul.f32 $3.125000000e-02, v5  }
0x251: {  	v6 =	vmul.f32 $3.125000000e-02, v6;
	[tilespmem:s26+$0x10010] =	vst v8;
	v0 =	vld [tilespmem:s26+$0x10400]  }
0x252: {  	s30 =	simm.s32 $0x0;
	v5 =	vmul.f32 $3.125000000e-02, v7;
	[tilespmem:s26+$0x10020] =	vst v1;
	v1 =	vld [tilespmem:s26+$0x10410]  }
.LBB2_24:
0x253: {  	s30 =	sadd.s32 $0x10, s30;
	[tilespmem:s26+$0x10030] =	vst v6;
	v4 =	vmul.f32 $3.125000000e-02, v4;
	v6 =	vld [tilespmem:s26+$0x10420]  }
0x254: {  	s29 =	sadd.s32 $0x800, s29;
	s0 =	sshll.u32 s30, $0x4;
	p0 =	slt.u32 s30, $0x3F0;
	[tilespmem:s26+$0x10040] =	vst v5;
	v3 =	vmul.f32 $3.125000000e-02, v3;
	v5 =	vld [tilespmem:s26+$0x10430]  }
0x255: {  	s28 =	sand.u32 $0x1800, s29;
	s31 =	sshll.u32 s30, $0x1;
	s0 =	sand.u32 $0x2000, s0;
	[tilespmem:s26+$0x10050] =	vst v4;
	v2 =	vmul.f32 $3.125000000e-02, v2;
	v4 =	vld [tilespmem:s26+$0x10440]  }
0x256: {  	s31 =	sand.u32 $0x380, s31;
	s0 =	sor.u32 s28, s0;
	[tilespmem:s26+$0x10060] =	vst v3;
	v0 =	vmul.f32 $3.125000000e-02, v0;
	v3 =	vld [tilespmem:s26+$0x10450]  }
0x257: {  	s0 =	sor.u32 s31, s0;
	[tilespmem:s26+$0x10070] =	vst v2;
	v1 =	vmul.f32 $3.125000000e-02, v1;
	v2 =	vld [tilespmem:s26+$0x10460]  }
0x258: {  	v7 =	vld [tilespmem:s0+$0x10470];
	[tilespmem:s26+$0x10400] =	vst v0;
	v0 =	vmul.f32 $3.125000000e-02, v6  }
0x259: {  	v6 =	vld [tilespmem:s0+$0x10000];
	[tilespmem:s26+$0x10410] =	vst v1;
	v1 =	vmul.f32 $3.125000000e-02, v5  }
0x25a: {  	v5 =	vld [tilespmem:s0+$0x10010];
	[tilespmem:s26+$0x10420] =	vst v0;
	v0 =	vmul.f32 $3.125000000e-02, v4  }
0x25b: {  	v8 =	vld [tilespmem:s0+$0x10020];
	[tilespmem:s26+$0x10430] =	vst v1;
	v1 =	vmul.f32 $3.125000000e-02, v3  }
0x25c: {  	v9 =	vld [tilespmem:s0+$0x10030];
	[tilespmem:s26+$0x10440] =	vst v0;
	v0 =	vmul.f32 $3.125000000e-02, v2  }
0x25d: {  	v10 =	vld [tilespmem:s0+$0x10040];
	v2 =	vmul.f32 $3.125000000e-02, v7;
	[tilespmem:s26+$0x10450] =	vst v1  }
.Ltmp11:
0x25e: {  	v1 =	vmul.f32 $3.125000000e-02, v6;
	v4 =	vld [tilespmem:s0+$0x10050];
	[tilespmem:s26+$0x10460] =	vst v0;
	s26 =	smov.u32 s0;
	(pc) =	sbr.rel @p0 .LBB2_24-.Ltmp11, $4  }
0x25f: {  	v0 =	vmul.f32 $3.125000000e-02, v5;
	v3 =	vld [tilespmem:s26+$0x10060];
	[tilespmem:s26+$0x10470] =	vst v2  }
0x260: {  	[tilespmem:s26+$0x10000] =	vst v1;
	v1 =	vmul.f32 $3.125000000e-02, v8;
	v2 =	vld [tilespmem:s26+$0x10070]  }
0x261: {  	[tilespmem:s26+$0x10010] =	vst v0;
	v6 =	vmul.f32 $3.125000000e-02, v9;
	v0 =	vld [tilespmem:s26+$0x10400]  }
0x262: {  	[tilespmem:s26+$0x10020] =	vst v1;
	v5 =	vmul.f32 $3.125000000e-02, v10;
	v1 =	vld [tilespmem:s26+$0x10410]  }
0x263: {  	[tilespmem:s26+$0x10030] =	vst v6;
	v4 =	vmul.f32 $3.125000000e-02, v4;
	v6 =	vld [tilespmem:s26+$0x10420]  }
0x264: {  	[tilespmem:s26+$0x10040] =	vst v5;
	v3 =	vmul.f32 $3.125000000e-02, v3;
	v5 =	vld [tilespmem:s26+$0x10430]  }
0x265: {  	[tilespmem:s26+$0x10050] =	vst v4;
	v2 =	vmul.f32 $3.125000000e-02, v2;
	v4 =	vld [tilespmem:s26+$0x10440]  }
0x266: {  	[tilespmem:s26+$0x10060] =	vst v3;
	v0 =	vmul.f32 $3.125000000e-02, v0;
	v3 =	vld [tilespmem:s26+$0x10450]  }
0x267: {  	[tilespmem:s26+$0x10070] =	vst v2;
	v1 =	vmul.f32 $3.125000000e-02, v1;
	v2 =	vld [tilespmem:s26+$0x10460]  }
0x268: {  	[tilespmem:s26+$0x10400] =	vst v0;
	v0 =	vmul.f32 $3.125000000e-02, v6  }
0x269: {  	[tilespmem:s26+$0x10410] =	vst v1;
	v1 =	vmul.f32 $3.125000000e-02, v5  }
0x26a: {  	[tilespmem:s26+$0x10420] =	vst v0;
	v0 =	vmul.f32 $3.125000000e-02, v4  }
0x26b: {  	[tilespmem:s26+$0x10430] =	vst v1;
	v1 =	vmul.f32 $3.125000000e-02, v3  }
0x26c: {  	[tilespmem:s26+$0x10440] =	vst v0;
	v0 =	vmul.f32 $3.125000000e-02, v2  }
0x26d: {  	[tilespmem:s26+$0x10450] =	vst v1  }
0x26e: {  	s29 =	simm.s32 $0x0;
	[tilespmem:s26+$0x10460] =	vst v0  }
0x26f: {  	s28 =	simm.s32 $0x0;
	s31 =	sand.u32 $0x1800, s29;
	s0 =	rddreg [dreg:$0x1e]  }
0x270: {  	[hbm4b:s0+s29] =	stream.linear.scatter [tilespmem:s8], [sflag:$0xC], $0x4000, $0x38;
	[tilespmem:$0x1C000] =	vst v63  }
0x271: {  	s0 =	sand.u32 $0x2000, s28;
	s28 =	simm.s32 $0x0;
	_ =	swait.ge [sflag:s20], $0x4000  }
0x272: {  	s28 =	sand.u32 $0x380, s28;
	s0 =	sor.u32 s31, s0;
	[sflag:s20] =	ssyncset.done $0x0  }
0x273: {  	s26 =	sor.u32 s28, s0;
	[sflag:s20] =	ssyncadd.s32 $0xFFFFC000  }
0x274: {  	v0 =	vld [tilespmem:s26+$0x14470]  }
0x275: {  	v1 =	vld [tilespmem:s26+$0x14000]  }
0x276: {  	v2 =	vld [tilespmem:s26+$0x14010]  }
0x277: {  	v5 =	vld [tilespmem:s26+$0x14020]  }
0x278: {  	v6 =	vld [tilespmem:s26+$0x14030]  }
0x279: {  	v7 =	vld [tilespmem:s26+$0x14040];
	v0 =	vmul.f32 $3.125000000e-02, v0  }
0x27a: {  	v4 =	vld [tilespmem:s26+$0x14050];
	v1 =	vmul.f32 $3.125000000e-02, v1  }
0x27b: {  	v3 =	vld [tilespmem:s26+$0x14060];
	v8 =	vmul.f32 $3.125000000e-02, v2;
	[tilespmem:s26+$0x14470] =	vst v0  }
0x27c: {  	v2 =	vld [tilespmem:s26+$0x14070];
	[tilespmem:s26+$0x14000] =	vst v1;
	v1 =	vmul.f32 $3.125000000e-02, v5  }
0x27d: {  	v6 =	vmul.f32 $3.125000000e-02, v6;
	[tilespmem:s26+$0x14010] =	vst v8;
	v0 =	vld [tilespmem:s26+$0x14400]  }
0x27e: {  	s30 =	simm.s32 $0x0;
	v5 =	vmul.f32 $3.125000000e-02, v7;
	[tilespmem:s26+$0x14020] =	vst v1;
	v1 =	vld [tilespmem:s26+$0x14410]  }
.LBB2_26:
0x27f: {  	s30 =	sadd.s32 $0x10, s30;
	[tilespmem:s26+$0x14030] =	vst v6;
	v4 =	vmul.f32 $3.125000000e-02, v4;
	v6 =	vld [tilespmem:s26+$0x14420]  }
0x280: {  	s29 =	sadd.s32 $0x800, s29;
	s0 =	sshll.u32 s30, $0x4;
	p0 =	slt.u32 s30, $0x3F0;
	[tilespmem:s26+$0x14040] =	vst v5;
	v3 =	vmul.f32 $3.125000000e-02, v3;
	v5 =	vld [tilespmem:s26+$0x14430]  }
0x281: {  	s28 =	sand.u32 $0x1800, s29;
	s31 =	sshll.u32 s30, $0x1;
	s0 =	sand.u32 $0x2000, s0;
	[tilespmem:s26+$0x14050] =	vst v4;
	v2 =	vmul.f32 $3.125000000e-02, v2;
	v4 =	vld [tilespmem:s26+$0x14440]  }
0x282: {  	s31 =	sand.u32 $0x380, s31;
	s0 =	sor.u32 s28, s0;
	[tilespmem:s26+$0x14060] =	vst v3;
	v0 =	vmul.f32 $3.125000000e-02, v0;
	v3 =	vld [tilespmem:s26+$0x14450]  }
0x283: {  	s0 =	sor.u32 s31, s0;
	[tilespmem:s26+$0x14070] =	vst v2;
	v1 =	vmul.f32 $3.125000000e-02, v1;
	v2 =	vld [tilespmem:s26+$0x14460]  }
0x284: {  	v7 =	vld [tilespmem:s0+$0x14470];
	[tilespmem:s26+$0x14400] =	vst v0;
	v0 =	vmul.f32 $3.125000000e-02, v6  }
0x285: {  	v6 =	vld [tilespmem:s0+$0x14000];
	[tilespmem:s26+$0x14410] =	vst v1;
	v1 =	vmul.f32 $3.125000000e-02, v5  }
0x286: {  	v5 =	vld [tilespmem:s0+$0x14010];
	[tilespmem:s26+$0x14420] =	vst v0;
	v0 =	vmul.f32 $3.125000000e-02, v4  }
0x287: {  	v8 =	vld [tilespmem:s0+$0x14020];
	[tilespmem:s26+$0x14430] =	vst v1;
	v1 =	vmul.f32 $3.125000000e-02, v3  }
0x288: {  	v9 =	vld [tilespmem:s0+$0x14030];
	[tilespmem:s26+$0x14440] =	vst v0;
	v0 =	vmul.f32 $3.125000000e-02, v2  }
0x289: {  	v10 =	vld [tilespmem:s0+$0x14040];
	v2 =	vmul.f32 $3.125000000e-02, v7;
	[tilespmem:s26+$0x14450] =	vst v1  }
.Ltmp12:
0x28a: {  	v1 =	vmul.f32 $3.125000000e-02, v6;
	v4 =	vld [tilespmem:s0+$0x14050];
	[tilespmem:s26+$0x14460] =	vst v0;
	s26 =	smov.u32 s0;
	(pc) =	sbr.rel @p0 .LBB2_26-.Ltmp12, $4  }
0x28b: {  	v0 =	vmul.f32 $3.125000000e-02, v5;
	v3 =	vld [tilespmem:s26+$0x14060];
	[tilespmem:s26+$0x14470] =	vst v2  }
0x28c: {  	[tilespmem:s26+$0x14000] =	vst v1;
	v1 =	vmul.f32 $3.125000000e-02, v8;
	v2 =	vld [tilespmem:s26+$0x14070]  }
0x28d: {  	[tilespmem:s26+$0x14010] =	vst v0;
	v6 =	vmul.f32 $3.125000000e-02, v9;
	v0 =	vld [tilespmem:s26+$0x14400]  }
0x28e: {  	[tilespmem:s26+$0x14020] =	vst v1;
	v5 =	vmul.f32 $3.125000000e-02, v10;
	v1 =	vld [tilespmem:s26+$0x14410]  }
0x28f: {  	[tilespmem:s26+$0x14030] =	vst v6;
	v4 =	vmul.f32 $3.125000000e-02, v4;
	v6 =	vld [tilespmem:s26+$0x14420]  }
0x290: {  	[tilespmem:s26+$0x14040] =	vst v5;
	v3 =	vmul.f32 $3.125000000e-02, v3;
	v5 =	vld [tilespmem:s26+$0x14430]  }
0x291: {  	[tilespmem:s26+$0x14050] =	vst v4;
	v2 =	vmul.f32 $3.125000000e-02, v2;
	v4 =	vld [tilespmem:s26+$0x14440]  }
0x292: {  	[tilespmem:s26+$0x14060] =	vst v3;
	v0 =	vmul.f32 $3.125000000e-02, v0;
	v3 =	vld [tilespmem:s26+$0x14450]  }
0x293: {  	[tilespmem:s26+$0x14070] =	vst v2;
	v1 =	vmul.f32 $3.125000000e-02, v1;
	v2 =	vld [tilespmem:s26+$0x14460]  }
0x294: {  	[tilespmem:s26+$0x14400] =	vst v0;
	v0 =	vmul.f32 $3.125000000e-02, v6  }
0x295: {  	[tilespmem:s26+$0x14410] =	vst v1;
	v1 =	vmul.f32 $3.125000000e-02, v5  }
0x296: {  	[tilespmem:s26+$0x14420] =	vst v0;
	v0 =	vmul.f32 $3.125000000e-02, v4  }
0x297: {  	[tilespmem:s26+$0x14430] =	vst v1;
	v1 =	vmul.f32 $3.125000000e-02, v3  }
0x298: {  	[tilespmem:s26+$0x14440] =	vst v0;
	v0 =	vmul.f32 $3.125000000e-02, v2  }
0x299: {  	[tilespmem:s26+$0x14450] =	vst v1  }
0x29a: {  	s29 =	simm.s32 $0x0;
	[tilespmem:s26+$0x14460] =	vst v0  }
0x29b: {  	s28 =	simm.s32 $0x0;
	s31 =	sand.u32 $0x1800, s29;
	s0 =	rddreg [dreg:$0x1f]  }
0x29c: {  	[hbm4b:s0+s29] =	stream.linear.scatter [tilespmem:s9], [sflag:$0xD], $0x4000, $0x38;
	[tilespmem:$0x1C000] =	vst v63  }
0x29d: {  	s0 =	sand.u32 $0x2000, s28;
	s28 =	simm.s32 $0x0;
	_ =	swait.ge [sflag:s22], $0x4000  }
0x29e: {  	s28 =	sand.u32 $0x380, s28;
	s0 =	sor.u32 s31, s0;
	[sflag:s22] =	ssyncset.done $0x0  }
0x29f: {  	s26 =	sor.u32 s28, s0;
	[sflag:s22] =	ssyncadd.s32 $0xFFFFC000  }
0x2a0: {  	v0 =	vld [tilespmem:s26+$0x18470]  }
0x2a1: {  	v1 =	vld [tilespmem:s26+$0x18000]  }
0x2a2: {  	v2 =	vld [tilespmem:s26+$0x18010]  }
0x2a3: {  	v5 =	vld [tilespmem:s26+$0x18020]  }
0x2a4: {  	v6 =	vld [tilespmem:s26+$0x18030]  }
0x2a5: {  	v7 =	vld [tilespmem:s26+$0x18040];
	v0 =	vmul.f32 $3.125000000e-02, v0  }
0x2a6: {  	v4 =	vld [tilespmem:s26+$0x18050];
	v1 =	vmul.f32 $3.125000000e-02, v1  }
0x2a7: {  	v3 =	vld [tilespmem:s26+$0x18060];
	v8 =	vmul.f32 $3.125000000e-02, v2;
	[tilespmem:s26+$0x18470] =	vst v0  }
0x2a8: {  	v2 =	vld [tilespmem:s26+$0x18070];
	[tilespmem:s26+$0x18000] =	vst v1;
	v1 =	vmul.f32 $3.125000000e-02, v5  }
0x2a9: {  	v6 =	vmul.f32 $3.125000000e-02, v6;
	[tilespmem:s26+$0x18010] =	vst v8;
	v0 =	vld [tilespmem:s26+$0x18400]  }
0x2aa: {  	s30 =	simm.s32 $0x0;
	v5 =	vmul.f32 $3.125000000e-02, v7;
	[tilespmem:s26+$0x18020] =	vst v1;
	v1 =	vld [tilespmem:s26+$0x18410]  }
.LBB2_28:
0x2ab: {  	s30 =	sadd.s32 $0x10, s30;
	[tilespmem:s26+$0x18030] =	vst v6;
	v4 =	vmul.f32 $3.125000000e-02, v4;
	v6 =	vld [tilespmem:s26+$0x18420]  }
0x2ac: {  	s29 =	sadd.s32 $0x800, s29;
	s0 =	sshll.u32 s30, $0x4;
	p0 =	slt.u32 s30, $0x3F0;
	[tilespmem:s26+$0x18040] =	vst v5;
	v3 =	vmul.f32 $3.125000000e-02, v3;
	v5 =	vld [tilespmem:s26+$0x18430]  }
0x2ad: {  	s28 =	sand.u32 $0x1800, s29;
	s31 =	sshll.u32 s30, $0x1;
	s0 =	sand.u32 $0x2000, s0;
	[tilespmem:s26+$0x18050] =	vst v4;
	v2 =	vmul.f32 $3.125000000e-02, v2;
	v4 =	vld [tilespmem:s26+$0x18440]  }
0x2ae: {  	s31 =	sand.u32 $0x380, s31;
	s0 =	sor.u32 s28, s0;
	[tilespmem:s26+$0x18060] =	vst v3;
	v0 =	vmul.f32 $3.125000000e-02, v0;
	v3 =	vld [tilespmem:s26+$0x18450]  }
0x2af: {  	s0 =	sor.u32 s31, s0;
	[tilespmem:s26+$0x18070] =	vst v2;
	v1 =	vmul.f32 $3.125000000e-02, v1;
	v2 =	vld [tilespmem:s26+$0x18460]  }
0x2b0: {  	v7 =	vld [tilespmem:s0+$0x18470];
	[tilespmem:s26+$0x18400] =	vst v0;
	v0 =	vmul.f32 $3.125000000e-02, v6  }
0x2b1: {  	v6 =	vld [tilespmem:s0+$0x18000];
	[tilespmem:s26+$0x18410] =	vst v1;
	v1 =	vmul.f32 $3.125000000e-02, v5  }
0x2b2: {  	v5 =	vld [tilespmem:s0+$0x18010];
	[tilespmem:s26+$0x18420] =	vst v0;
	v0 =	vmul.f32 $3.125000000e-02, v4  }
0x2b3: {  	v8 =	vld [tilespmem:s0+$0x18020];
	[tilespmem:s26+$0x18430] =	vst v1;
	v1 =	vmul.f32 $3.125000000e-02, v3  }
0x2b4: {  	v9 =	vld [tilespmem:s0+$0x18030];
	[tilespmem:s26+$0x18440] =	vst v0;
	v0 =	vmul.f32 $3.125000000e-02, v2  }
0x2b5: {  	v10 =	vld [tilespmem:s0+$0x18040];
	v2 =	vmul.f32 $3.125000000e-02, v7;
	[tilespmem:s26+$0x18450] =	vst v1  }
.Ltmp13:
0x2b6: {  	v1 =	vmul.f32 $3.125000000e-02, v6;
	v4 =	vld [tilespmem:s0+$0x18050];
	[tilespmem:s26+$0x18460] =	vst v0;
	s26 =	smov.u32 s0;
	(pc) =	sbr.rel @p0 .LBB2_28-.Ltmp13, $4  }
0x2b7: {  	v0 =	vmul.f32 $3.125000000e-02, v5;
	v3 =	vld [tilespmem:s26+$0x18060];
	[tilespmem:s26+$0x18470] =	vst v2  }
0x2b8: {  	[tilespmem:s26+$0x18000] =	vst v1;
	v1 =	vmul.f32 $3.125000000e-02, v8;
	v2 =	vld [tilespmem:s26+$0x18070]  }
0x2b9: {  	[tilespmem:s26+$0x18010] =	vst v0;
	v6 =	vmul.f32 $3.125000000e-02, v9;
	v0 =	vld [tilespmem:s26+$0x18400]  }
0x2ba: {  	[tilespmem:s26+$0x18020] =	vst v1;
	v5 =	vmul.f32 $3.125000000e-02, v10;
	v1 =	vld [tilespmem:s26+$0x18410]  }
0x2bb: {  	[tilespmem:s26+$0x18030] =	vst v6;
	v4 =	vmul.f32 $3.125000000e-02, v4;
	v6 =	vld [tilespmem:s26+$0x18420]  }
0x2bc: {  	[tilespmem:s26+$0x18040] =	vst v5;
	v3 =	vmul.f32 $3.125000000e-02, v3;
	v5 =	vld [tilespmem:s26+$0x18430]  }
0x2bd: {  	[tilespmem:s26+$0x18050] =	vst v4;
	v2 =	vmul.f32 $3.125000000e-02, v2;
	v4 =	vld [tilespmem:s26+$0x18440]  }
0x2be: {  	[tilespmem:s26+$0x18060] =	vst v3;
	v0 =	vmul.f32 $3.125000000e-02, v0;
	v3 =	vld [tilespmem:s26+$0x18450]  }
0x2bf: {  	[tilespmem:s26+$0x18070] =	vst v2;
	v1 =	vmul.f32 $3.125000000e-02, v1;
	v2 =	vld [tilespmem:s26+$0x18460]  }
0x2c0: {  	[tilespmem:s26+$0x18400] =	vst v0;
	v0 =	vmul.f32 $3.125000000e-02, v6  }
0x2c1: {  	[tilespmem:s26+$0x18410] =	vst v1;
	v1 =	vmul.f32 $3.125000000e-02, v5  }
0x2c2: {  	[tilespmem:s26+$0x18420] =	vst v0;
	v0 =	vmul.f32 $3.125000000e-02, v4  }
0x2c3: {  	[tilespmem:s26+$0x18430] =	vst v1;
	v1 =	vmul.f32 $3.125000000e-02, v3  }
0x2c4: {  	[tilespmem:s26+$0x18440] =	vst v0;
	v0 =	vmul.f32 $3.125000000e-02, v2  }
0x2c5: {  	[tilespmem:s26+$0x18450] =	vst v1  }
0x2c6: {  	[tilespmem:s26+$0x18460] =	vst v0  }
0x2c7: {  	s0 =	sld [smem:$0x7FD]  }
0x2c8: {  	s29 =	simm.s32 $0x0  }
0x2c9: {  	s28 =	simm.s32 $0x0;
	s31 =	sand.u32 $0x1800, s29  }
0x2ca: {  	[hbm4b:s0+s29] =	stream.linear.scatter [tilespmem:s11], [sflag:$0xE], $0x4000, $0x38;
	[tilespmem:$0x1C000] =	vst v63  }
0x2cb: {  	s0 =	sand.u32 $0x2000, s28;
	s28 =	simm.s32 $0x0;
	_ =	swait.ge [sflag:s10], $0x4000  }
0x2cc: {  	s28 =	sand.u32 $0x380, s28;
	s0 =	sor.u32 s31, s0;
	[sflag:s10] =	ssyncset.done $0x0  }
0x2cd: {  	s26 =	sor.u32 s28, s0;
	[sflag:s10] =	ssyncadd.s32 $0xFFFFC000  }
0x2ce: {  	v0 =	vld [tilespmem:s26+$0x470]  }
0x2cf: {  	v1 =	vld [tilespmem:s26+$0x0]  }
0x2d0: {  	v2 =	vld [tilespmem:s26+$0x10]  }
0x2d1: {  	v5 =	vld [tilespmem:s26+$0x20]  }
0x2d2: {  	v6 =	vld [tilespmem:s26+$0x30]  }
0x2d3: {  	v7 =	vld [tilespmem:s26+$0x40];
	v0 =	vmul.f32 $3.125000000e-02, v0  }
0x2d4: {  	v4 =	vld [tilespmem:s26+$0x50];
	v1 =	vmul.f32 $3.125000000e-02, v1  }
0x2d5: {  	v3 =	vld [tilespmem:s26+$0x60];
	v8 =	vmul.f32 $3.125000000e-02, v2;
	[tilespmem:s26+$0x470] =	vst v0  }
0x2d6: {  	v2 =	vld [tilespmem:s26+$0x70];
	[tilespmem:s26+$0x0] =	vst v1;
	v1 =	vmul.f32 $3.125000000e-02, v5  }
0x2d7: {  	v6 =	vmul.f32 $3.125000000e-02, v6;
	[tilespmem:s26+$0x10] =	vst v8;
	v0 =	vld [tilespmem:s26+$0x400]  }
0x2d8: {  	s30 =	simm.s32 $0x0;
	v5 =	vmul.f32 $3.125000000e-02, v7;
	[tilespmem:s26+$0x20] =	vst v1;
	v1 =	vld [tilespmem:s26+$0x410]  }
.LBB2_30:
0x2d9: {  	s30 =	sadd.s32 $0x10, s30;
	[tilespmem:s26+$0x30] =	vst v6;
	v4 =	vmul.f32 $3.125000000e-02, v4;
	v6 =	vld [tilespmem:s26+$0x420]  }
0x2da: {  	s29 =	sadd.s32 $0x800, s29;
	s0 =	sshll.u32 s30, $0x4;
	p0 =	slt.u32 s30, $0x3F0;
	[tilespmem:s26+$0x40] =	vst v5;
	v3 =	vmul.f32 $3.125000000e-02, v3;
	v5 =	vld [tilespmem:s26+$0x430]  }
0x2db: {  	s28 =	sand.u32 $0x1800, s29;
	s31 =	sshll.u32 s30, $0x1;
	s0 =	sand.u32 $0x2000, s0;
	[tilespmem:s26+$0x50] =	vst v4;
	v2 =	vmul.f32 $3.125000000e-02, v2;
	v4 =	vld [tilespmem:s26+$0x440]  }
0x2dc: {  	s31 =	sand.u32 $0x380, s31;
	s0 =	sor.u32 s28, s0;
	[tilespmem:s26+$0x60] =	vst v3;
	v0 =	vmul.f32 $3.125000000e-02, v0;
	v3 =	vld [tilespmem:s26+$0x450]  }
0x2dd: {  	s0 =	sor.u32 s31, s0;
	[tilespmem:s26+$0x70] =	vst v2;
	v1 =	vmul.f32 $3.125000000e-02, v1;
	v2 =	vld [tilespmem:s26+$0x460]  }
0x2de: {  	v7 =	vld [tilespmem:s0+$0x470];
	[tilespmem:s26+$0x400] =	vst v0;
	v0 =	vmul.f32 $3.125000000e-02, v6  }
0x2df: {  	v6 =	vld [tilespmem:s0+$0x0];
	[tilespmem:s26+$0x410] =	vst v1;
	v1 =	vmul.f32 $3.125000000e-02, v5  }
0x2e0: {  	v5 =	vld [tilespmem:s0+$0x10];
	[tilespmem:s26+$0x420] =	vst v0;
	v0 =	vmul.f32 $3.125000000e-02, v4  }
0x2e1: {  	v8 =	vld [tilespmem:s0+$0x20];
	[tilespmem:s26+$0x430] =	vst v1;
	v1 =	vmul.f32 $3.125000000e-02, v3  }
0x2e2: {  	v9 =	vld [tilespmem:s0+$0x30];
	[tilespmem:s26+$0x440] =	vst v0;
	v0 =	vmul.f32 $3.125000000e-02, v2  }
0x2e3: {  	v10 =	vld [tilespmem:s0+$0x40];
	v2 =	vmul.f32 $3.125000000e-02, v7;
	[tilespmem:s26+$0x450] =	vst v1  }
.Ltmp14:
0x2e4: {  	v1 =	vmul.f32 $3.125000000e-02, v6;
	v4 =	vld [tilespmem:s0+$0x50];
	[tilespmem:s26+$0x460] =	vst v0;
	s26 =	smov.u32 s0;
	(pc) =	sbr.rel @p0 .LBB2_30-.Ltmp14, $4  }
0x2e5: {  	v0 =	vmul.f32 $3.125000000e-02, v5;
	v3 =	vld [tilespmem:s26+$0x60];
	[tilespmem:s26+$0x470] =	vst v2  }
0x2e6: {  	[tilespmem:s26+$0x0] =	vst v1;
	v1 =	vmul.f32 $3.125000000e-02, v8;
	v2 =	vld [tilespmem:s26+$0x70]  }
0x2e7: {  	[tilespmem:s26+$0x10] =	vst v0;
	v6 =	vmul.f32 $3.125000000e-02, v9;
	v0 =	vld [tilespmem:s26+$0x400]  }
0x2e8: {  	[tilespmem:s26+$0x20] =	vst v1;
	v5 =	vmul.f32 $3.125000000e-02, v10;
	v1 =	vld [tilespmem:s26+$0x410]  }
0x2e9: {  	[tilespmem:s26+$0x30] =	vst v6;
	v4 =	vmul.f32 $3.125000000e-02, v4;
	v6 =	vld [tilespmem:s26+$0x420]  }
0x2ea: {  	[tilespmem:s26+$0x40] =	vst v5;
	v3 =	vmul.f32 $3.125000000e-02, v3;
	v5 =	vld [tilespmem:s26+$0x430]  }
0x2eb: {  	[tilespmem:s26+$0x50] =	vst v4;
	v2 =	vmul.f32 $3.125000000e-02, v2;
	v4 =	vld [tilespmem:s26+$0x440]  }
0x2ec: {  	[tilespmem:s26+$0x60] =	vst v3;
	v0 =	vmul.f32 $3.125000000e-02, v0;
	v3 =	vld [tilespmem:s26+$0x450]  }
0x2ed: {  	[tilespmem:s26+$0x70] =	vst v2;
	v1 =	vmul.f32 $3.125000000e-02, v1;
	v2 =	vld [tilespmem:s26+$0x460]  }
0x2ee: {  	[tilespmem:s26+$0x400] =	vst v0;
	v0 =	vmul.f32 $3.125000000e-02, v6  }
0x2ef: {  	[tilespmem:s26+$0x410] =	vst v1;
	v1 =	vmul.f32 $3.125000000e-02, v5  }
0x2f0: {  	[tilespmem:s26+$0x420] =	vst v0;
	v0 =	vmul.f32 $3.125000000e-02, v4  }
0x2f1: {  	[tilespmem:s26+$0x430] =	vst v1;
	v1 =	vmul.f32 $3.125000000e-02, v3  }
0x2f2: {  	[tilespmem:s26+$0x440] =	vst v0;
	v0 =	vmul.f32 $3.125000000e-02, v2  }
0x2f3: {  	[tilespmem:s26+$0x450] =	vst v1  }
0x2f4: {  	s29 =	simm.s32 $0x0;
	s0 =	simm.s32 $0x0;
	s28 =	simm.s32 $0x0;
	[tilespmem:s26+$0x460] =	vst v0  }
0x2f5: {  	[hbm4b:s2+s29] =	stream.linear.scatter [tilespmem:s29], [sflag:$0x8], $0x4000, $0x38;
	[tilespmem:$0x1C000] =	vst v63  }
0x2f6: {  	s0 =	sand.u32 $0x2000, s0;
	s31 =	sand.u32 $0x1800, s29;
	_ =	swait.ge [sflag:s12], $0x4000  }
0x2f7: {  	s28 =	sand.u32 $0x380, s28;
	s0 =	sor.u32 s31, s0;
	[sflag:s12] =	ssyncset.done $0x0  }
0x2f8: {  	s26 =	sor.u32 s28, s0;
	[sflag:s12] =	ssyncadd.s32 $0xFFFFC000  }
0x2f9: {  	v0 =	vld [tilespmem:s26+$0x4470]  }
0x2fa: {  	v1 =	vld [tilespmem:s26+$0x4000]  }
0x2fb: {  	v2 =	vld [tilespmem:s26+$0x4010]  }
0x2fc: {  	v5 =	vld [tilespmem:s26+$0x4020]  }
0x2fd: {  	v6 =	vld [tilespmem:s26+$0x4030]  }
0x2fe: {  	v7 =	vld [tilespmem:s26+$0x4040];
	v0 =	vmul.f32 $3.125000000e-02, v0  }
0x2ff: {  	v4 =	vld [tilespmem:s26+$0x4050];
	v1 =	vmul.f32 $3.125000000e-02, v1  }
0x300: {  	v3 =	vld [tilespmem:s26+$0x4060];
	v8 =	vmul.f32 $3.125000000e-02, v2;
	[tilespmem:s26+$0x4470] =	vst v0  }
0x301: {  	v2 =	vld [tilespmem:s26+$0x4070];
	[tilespmem:s26+$0x4000] =	vst v1;
	v1 =	vmul.f32 $3.125000000e-02, v5  }
0x302: {  	v6 =	vmul.f32 $3.125000000e-02, v6;
	[tilespmem:s26+$0x4010] =	vst v8;
	v0 =	vld [tilespmem:s26+$0x4400]  }
0x303: {  	s30 =	simm.s32 $0x0;
	v5 =	vmul.f32 $3.125000000e-02, v7;
	[tilespmem:s26+$0x4020] =	vst v1;
	v1 =	vld [tilespmem:s26+$0x4410]  }
.LBB2_32:
0x304: {  	s30 =	sadd.s32 $0x10, s30;
	[tilespmem:s26+$0x4030] =	vst v6;
	v4 =	vmul.f32 $3.125000000e-02, v4;
	v6 =	vld [tilespmem:s26+$0x4420]  }
0x305: {  	s29 =	sadd.s32 $0x800, s29;
	s0 =	sshll.u32 s30, $0x4;
	p0 =	slt.u32 s30, $0x3F0;
	[tilespmem:s26+$0x4040] =	vst v5;
	v3 =	vmul.f32 $3.125000000e-02, v3;
	v5 =	vld [tilespmem:s26+$0x4430]  }
0x306: {  	s28 =	sand.u32 $0x1800, s29;
	s31 =	sshll.u32 s30, $0x1;
	s0 =	sand.u32 $0x2000, s0;
	[tilespmem:s26+$0x4050] =	vst v4;
	v2 =	vmul.f32 $3.125000000e-02, v2;
	v4 =	vld [tilespmem:s26+$0x4440]  }
0x307: {  	s31 =	sand.u32 $0x380, s31;
	s0 =	sor.u32 s28, s0;
	[tilespmem:s26+$0x4060] =	vst v3;
	v0 =	vmul.f32 $3.125000000e-02, v0;
	v3 =	vld [tilespmem:s26+$0x4450]  }
0x308: {  	s0 =	sor.u32 s31, s0;
	[tilespmem:s26+$0x4070] =	vst v2;
	v1 =	vmul.f32 $3.125000000e-02, v1;
	v2 =	vld [tilespmem:s26+$0x4460]  }
0x309: {  	v7 =	vld [tilespmem:s0+$0x4470];
	[tilespmem:s26+$0x4400] =	vst v0;
	v0 =	vmul.f32 $3.125000000e-02, v6  }
0x30a: {  	v6 =	vld [tilespmem:s0+$0x4000];
	[tilespmem:s26+$0x4410] =	vst v1;
	v1 =	vmul.f32 $3.125000000e-02, v5  }
0x30b: {  	v5 =	vld [tilespmem:s0+$0x4010];
	[tilespmem:s26+$0x4420] =	vst v0;
	v0 =	vmul.f32 $3.125000000e-02, v4  }
0x30c: {  	v8 =	vld [tilespmem:s0+$0x4020];
	[tilespmem:s26+$0x4430] =	vst v1;
	v1 =	vmul.f32 $3.125000000e-02, v3  }
0x30d: {  	v9 =	vld [tilespmem:s0+$0x4030];
	[tilespmem:s26+$0x4440] =	vst v0;
	v0 =	vmul.f32 $3.125000000e-02, v2  }
0x30e: {  	v10 =	vld [tilespmem:s0+$0x4040];
	v2 =	vmul.f32 $3.125000000e-02, v7;
	[tilespmem:s26+$0x4450] =	vst v1  }
.Ltmp15:
0x30f: {  	v1 =	vmul.f32 $3.125000000e-02, v6;
	v4 =	vld [tilespmem:s0+$0x4050];
	[tilespmem:s26+$0x4460] =	vst v0;
	s26 =	smov.u32 s0;
	(pc) =	sbr.rel @p0 .LBB2_32-.Ltmp15, $4  }
0x310: {  	v0 =	vmul.f32 $3.125000000e-02, v5;
	v3 =	vld [tilespmem:s26+$0x4060];
	[tilespmem:s26+$0x4470] =	vst v2  }
0x311: {  	[tilespmem:s26+$0x4000] =	vst v1;
	v1 =	vmul.f32 $3.125000000e-02, v8;
	v2 =	vld [tilespmem:s26+$0x4070]  }
0x312: {  	[tilespmem:s26+$0x4010] =	vst v0;
	v6 =	vmul.f32 $3.125000000e-02, v9;
	v0 =	vld [tilespmem:s26+$0x4400]  }
0x313: {  	[tilespmem:s26+$0x4020] =	vst v1;
	v5 =	vmul.f32 $3.125000000e-02, v10;
	v1 =	vld [tilespmem:s26+$0x4410]  }
0x314: {  	[tilespmem:s26+$0x4030] =	vst v6;
	v4 =	vmul.f32 $3.125000000e-02, v4;
	v54 =	vld [tilespmem:s26+$0x4420]  }
0x315: {  	v55 =	vld [tilespmem:s26+$0x4430];
	[tilespmem:s26+$0x4040] =	vst v5;
	v3 =	vmul.f32 $3.125000000e-02, v3  }
0x316: {  	v56 =	vld [tilespmem:s26+$0x4440];
	[tilespmem:s26+$0x4050] =	vst v4;
	v2 =	vmul.f32 $3.125000000e-02, v2  }
0x317: {  	v57 =	vld [tilespmem:s26+$0x4450];
	[tilespmem:s26+$0x4060] =	vst v3;
	v0 =	vmul.f32 $3.125000000e-02, v0  }
0x318: {  	v58 =	vld [tilespmem:s26+$0x4460];
	[tilespmem:s26+$0x4070] =	vst v2;
	v1 =	vmul.f32 $3.125000000e-02, v1  }
0x319: {  	[tilespmem:s26+$0x4400] =	vst v0;
	v59 =	vmul.f32 $3.125000000e-02, v54  }
0x31a: {  	v60 =	vmul.f32 $3.125000000e-02, v55;
	[tilespmem:s26+$0x4410] =	vst v1  }
0x31b: {  	v61 =	vmul.f32 $3.125000000e-02, v56;
	[tilespmem:s26+$0x4420] =	vst v59  }
0x31c: {  	v62 =	vmul.f32 $3.125000000e-02, v57;
	[tilespmem:s26+$0x4430] =	vst v60  }
0x31d: {  	v63 =	vmul.f32 $3.125000000e-02, v58;
	[tilespmem:s26+$0x4440] =	vst v61  }
0x31e: {  	[tilespmem:s26+$0x4450] =	vst v62  }
0x31f: {  	[tilespmem:s26+$0x4460] =	vst v63  }
0x320: {  	[hbm4b:s3+s1] =	stream.linear.scatter [tilespmem:s5], [sflag:$0x9], $0x4000, $0x38;
	[tilespmem:$0x1C000] =	vst v63  }
0x321: {  	_ =	swait.ge [sflag:s17], $0x4000  }
0x322: {  	[sflag:s17] =	ssyncset.done $0x0  }
0x323: {  	[sflag:s17] =	ssyncadd.s32 $0xFFFFC000  }
0x324: {  	_ =	swait.ge [sflag:s19], $0x4000  }
0x325: {  	[sflag:s19] =	ssyncset.done $0x0  }
0x326: {  	[sflag:s19] =	ssyncadd.s32 $0xFFFFC000  }
0x327: {  	_ =	swait.ge [sflag:s21], $0x4000  }
0x328: {  	[sflag:s21] =	ssyncset.done $0x0  }
0x329: {  	[sflag:s21] =	ssyncadd.s32 $0xFFFFC000  }
0x32a: {  	_ =	swait.ge [sflag:s23], $0x4000  }
0x32b: {  	[sflag:s23] =	ssyncset.done $0x0  }
0x32c: {  	[sflag:s23] =	ssyncadd.s32 $0xFFFFC000  }
0x32d: {  	_ =	swait.ge [sflag:s24], $0x4000  }
0x32e: {  	[sflag:s24] =	ssyncset.done $0x0  }
0x32f: {  	s25 =	sadd.s32 $0x1, s25;
	[sflag:s24] =	ssyncadd.s32 $0xFFFFC000  }
0x330: {  	p0 =	sne.s32 s25, s4;
	_ =	swait.ge [sflag:s13], $0x4000  }
.Ltmp16:
0x331: {  	[sflag:s13] =	ssyncset.done $0x0;
	(pc) =	sbr.rel @p0 .LBB2_1-.Ltmp16, $4  }
0x332: {  	[sflag:s13] =	ssyncadd.s32 $0xFFFFC000  }
0x333: {  	_ =	swait.ge [sflag:s15], $0x4000  }
0x334: {  	[sflag:s15] =	ssyncset.done $0x0  }
0x335: {  	[sflag:s15] =	ssyncadd.s32 $0xFFFFC000  }
0x336: {  	_ =	sfence.sel $0x180000  }
0x337: {  	[bflag:$0x0] =	sbarrier.arrive $0xFFFF  }
0x338: {  	_ =	strace $0x90000047  }
0x339: {  	s0 =	stileid.u32;
	[bflag:$0x2] =	sbarrier.arrive $0xFFFF  }
0x33a: {  	p0 =	sne.s32 s0, $0x0;
	s0 =	rddreg [dreg:$0x2]  }
0x33b: {  	s0 =	sadd.s32 @!p0 $0x100000, s0  }
0x33c: {  	[sflag:s0] =	ssyncadd.tile.s32 @!p0 $0x1;
	_ =	shalt  }
.Lfunc_end2:
_tile_overlayer_lowered:
.L_overlay_start_2:
0x33d: {  	(tag) =	ssettag $0x2  }
0x33e: {  	s0 =	rddreg [dreg:$0x0];
	s2 =	stileid.u32  }
0x33f: {  	s1 =	rddreg [dreg:$0x1];
	p0 =	sne.s32 s2, $0x0  }
0x340: {  	s3 =	rddreg [dreg:$0x2];
	[bflag:$0x3] =	sbarrier.arrive $0xFFFF;
	s2 =	simm.s32 @!p0 $0x1C0F  }
0x341: {  	[timem:s3], [sflag:s2] =	dma.local @!p0 [hbm:s0], s1  }
0x342: {  	s0 =	simm.s32 @!p0 $0xF  }
0x343: {  	_ =	swait.ge @!p0 [sflag:s0], s1  }
0x344: {  	s1 =	ssub.s32 @!p0 $0x0, s1;
	[sflag:s0] =	ssyncset.done @!p0 $0x0  }
0x345: {  	[sflag:s0] =	ssyncadd.s32 @!p0 s1  }
0x346: {  	[bflag:$0x3] =	sbarrier.arrive $0xFFFF  }
0x347: {  	_ =	shalt  }

</sc_bundles>
